<compile_context>
chip_gen: v7x
topology: tpu7x:2x2x1
jax: 0.10.2.dev20260603
libtpu: 0.0.44.dev20260713+nightly
codegen_flags: <defaults>
</compile_context>

<pallas_src>
import functools

import jax
import jax.numpy as jnp
from jax import lax
from jax.experimental import pallas as pl
from jax.experimental.pallas import tpu as pltpu
from jax.experimental.pallas import tpu_sc as plsc

VOCAB = 1000000
HID = 64
BATCH = 16384

NUM_CORES = 2
NUM_SUBCORES = 16
NUM_WORKERS = NUM_CORES * NUM_SUBCORES
NT = BATCH // NUM_WORKERS
S = 3
SPAN = 128 * S
NHB = HID // 16
NCOLS_PAD = (VOCAB + 127) // 128
MAX_C0 = NCOLS_PAD - S


def _sweep_body(meta, tabT, outT, sh_meta, smeta, blk0, blk1, blk2, out_v,
                s0, s1, s2):
    sid = lax.axis_index("s")
    wid = sid * NUM_CORES + lax.axis_index("c")
    base = wid * NT
    pltpu.sync_copy(meta.at[wid], sh_meta.at[sid])
    pltpu.sync_copy(sh_meta.at[sid], smeta)

    iota = lax.iota(jnp.int32, 16)
    c_start = smeta[0, 0] >> 7
    c_end = smeta[0, NT - 1] >> 7
    ngroups = (c_end - c_start) // S + 1
    niter = (ngroups + 2) // 3

    def cbase(g):
        return jnp.clip(c_start + g * S, 0, MAX_C0)

    def fire(g, blk, sem):
        return pltpu.async_copy(tabT.at[:, pl.ds(cbase(g) * 128, SPAN)],
                                blk, sem)

    def drain(blk, sem):
        pltpu.make_async_copy(tabT.at[:, pl.ds(0, SPAN)], blk, sem).wait()

    def extract_group(g, blk, t):
        lbase = cbase(g) << 7
        for j in range(S):
            c = c_start + g * S + j
            tc = jnp.minimum(t, NT - 1)
            hit = jnp.logical_and(t < NT, (smeta[0, tc] >> 7) == c)
            e = jnp.where(hit, smeta[1, tc], t)

            @pl.loop(t, e)
            def _tok(tt):
                lane = smeta[0, tt] - lbase
                lanes = jnp.full((16,), lane, jnp.int32)
                tvec = jnp.full((16,), tt, jnp.int32)
                for hb in range(NHB):
                    rows = iota + (hb * 16)
                    vals = plsc.load_gather(blk, [rows, lanes])
                    plsc.store_scatter(out_v, [rows, tvec], vals)

            t = e
        return t

    fire(0, blk0, s0)
    fire(1, blk1, s1)

    @pl.loop(0, niter, init_carry=0)
    def _group(i, t):
        g = 3 * i
        fire(g + 2, blk2, s2)
        drain(blk0, s0)
        t = extract_group(g, blk0, t)
        fire(g + 3, blk0, s0)
        drain(blk1, s1)
        t = extract_group(g + 1, blk1, t)
        fire(g + 4, blk1, s1)
        drain(blk2, s2)
        t = extract_group(g + 2, blk2, t)
        return t

    drain(blk0, s0)
    drain(blk1, s1)
    pltpu.sync_copy(out_v, outT.at[:, pl.ds(base, NT)])


@jax.jit
def _sweep(meta, tabT):
    mesh = plsc.VectorSubcoreMesh(core_axis_name="c", subcore_axis_name="s")
    kern = functools.partial(
        pl.kernel,
        mesh=mesh,
        out_type=jax.ShapeDtypeStruct((HID, BATCH), jnp.float32),
        scratch_types=[
            pltpu.VMEM_SHARED((NUM_SUBCORES, 2, NT), jnp.int32),
            pltpu.SMEM((2, NT), jnp.int32),
            pltpu.VMEM((HID, SPAN), jnp.float32),
            pltpu.VMEM((HID, SPAN), jnp.float32),
            pltpu.VMEM((HID, SPAN), jnp.float32),
            pltpu.VMEM((HID, NT), jnp.float32),
        ] + [pltpu.SemaphoreType.DMA] * 3,
        compiler_params=pltpu.CompilerParams(needs_layout_passes=False),
    )(_sweep_body)
    return kern(meta, tabT)


def kernel(x, embedding_table):
    tabT = embedding_table.T
    xs, perm = lax.sort((x, jnp.arange(BATCH, dtype=jnp.int32)),
                        is_stable=False, num_keys=1)
    cols = xs >> 7
    nxt = jnp.concatenate([cols[1:], jnp.full((1,), -1, cols.dtype)])
    run_end = jnp.where(cols != nxt,
                        jnp.arange(1, BATCH + 1, dtype=jnp.int32),
                        jnp.int32(BATCH))
    ends_g = lax.cummin(run_end, axis=0, reverse=True)
    wbase = (jnp.arange(BATCH, dtype=jnp.int32) // NT) * NT
    ends_local = jnp.clip(ends_g - wbase, 0, NT)
    meta = jnp.stack([xs.reshape(NUM_WORKERS, NT),
                      ends_local.reshape(NUM_WORKERS, NT)], axis=1)
    outT = _sweep(meta, tabT)
    inv = jnp.zeros((BATCH,), jnp.int32).at[perm].set(
        jnp.arange(BATCH, dtype=jnp.int32))
    return jnp.take(outT.T, inv, axis=0)

# --- scband reference (transcript-rebuilt; emitter-appended) ---
"""Pipeline reference for scband-token-embedding-72018011619591 (READ-ONLY COPY).

The authoritative reference and input builder live on the scoring server;
editing this copy changes nothing except your own understanding.
"""

import jax, jax.numpy as jnp
import numpy as np

VOCAB = 1000000
HID = 64
BATCH = 16384

def setup_inputs(seed: int = 0) -> dict:
    key = jax.random.key(seed)
    k_idx, k_tab = jax.random.split(key)
    x = jax.random.randint(k_idx, (BATCH,), 0, VOCAB, dtype=jnp.int64 if jax.config.read('jax_enable_x64') else jnp.int32).astype(jnp.int32)
    embedding_table = jax.random.normal(k_tab, (VOCAB, HID), dtype=jnp.float32) * 0.02
    return {"x": x, "embedding_table": embedding_table}

def reference(x, embedding_table):
    # x is integer tokens (batch,) -> embedding lookup branch of TokenEmbedding.forward
    return jnp.take(embedding_table, x, axis=0)

if __name__ == "__main__":
    import jax
    _d = setup_inputs()
    print(jax.jit(kernel)(*tuple(_d.values())))

</pallas_src>

<mosaic_0001>
#map = affine_map<(d0, d1) -> (0, 0, 0)>
#map1 = affine_map<(d0, d1) -> (0, 0)>
module attributes {stable_mosaic.version = 14 : i64} {
  func.func @_sweep_body(%arg0: i32, %arg1: i32, %arg2: memref<32x2x512xi32, #tpu.memory_space<hbm>>, %arg3: memref<64x1000000xf32, #tpu.memory_space<hbm>>, %arg4: memref<64x16384xf32, #tpu.memory_space<hbm>>, %arg5: memref<16x2x512xi32, #tpu.memory_space<vmem_shared>>, %arg6: memref<2x512xi32, #tpu.memory_space<smem>>, %arg7: memref<64x384xf32, #tpu.memory_space<vmem>>, %arg8: memref<64x384xf32, #tpu.memory_space<vmem>>, %arg9: memref<64x384xf32, #tpu.memory_space<vmem>>, %arg10: memref<64x512xf32, #tpu.memory_space<vmem>>, %arg11: memref<!tpu.dma_semaphore, #tpu.memory_space<semaphore_mem>>, %arg12: memref<!tpu.dma_semaphore, #tpu.memory_space<semaphore_mem>>, %arg13: memref<!tpu.dma_semaphore, #tpu.memory_space<semaphore_mem>>) attributes {dimension_semantics = [#tpu.dimension_semantics<core_parallel>, #tpu.dimension_semantics<subcore_parallel>], iteration_bounds = array<i64: 2, 16>, scalar_prefetch = 0 : i64, scratch_operands = 9 : i64, tpu.core_type = #tpu.core_type<sc_vector_subcore>, window_params = [{transform_indices = #map}, {transform_indices = #map1}, {transform_indices = #map1}]} {
    %mul3A = arith.constant 2 : i32
    %mul3A_0 = arith.muli %arg1, %mul3A : i32
    %add3A = arith.addi %mul3A_0, %arg0 : i32
    %mul3A_1 = arith.constant 512 : i32
    %mul3A_2 = arith.muli %add3A, %mul3A_1 : i32
    "tpu.region"() ({
      %run_scoped3A = tpu.sem_alloc : memref<!tpu.dma_semaphore, #tpu.memory_space<semaphore_mem>>
      %dma_start3A_113 = arith.constant 0 : i32
      %dma_start3A_114 = arith.constant 0 : i32
      %dma_start3A_115 = tpu.memref_slice %arg5[%arg1, %dma_start3A_113, %dma_start3A_114] : memref<16x2x512xi32, #tpu.memory_space<vmem_shared>> -> memref<1x2x512xi32, #tpu.memory_space<vmem_shared>>
      %dma_start3A_116 = tpu.memref_squeeze %dma_start3A_115 : memref<1x2x512xi32, #tpu.memory_space<vmem_shared>> -> memref<2x512xi32, #tpu.memory_space<vmem_shared>>
      %dma_start3A_117 = arith.constant 0 : i32
      %dma_start3A_118 = arith.constant 0 : i32
      %dma_start3A_119 = tpu.memref_slice %arg2[%add3A, %dma_start3A_117, %dma_start3A_118] : memref<32x2x512xi32, #tpu.memory_space<hbm>> -> memref<1x2x512xi32, #tpu.memory_space<hbm>>
      %dma_start3A_120 = tpu.memref_squeeze %dma_start3A_119 : memref<1x2x512xi32, #tpu.memory_space<hbm>> -> memref<2x512xi32, #tpu.memory_space<hbm>>
      tpu.enqueue_dma source(%dma_start3A_120 : memref<2x512xi32, #tpu.memory_space<hbm>>) target(%dma_start3A_116 : memref<2x512xi32, #tpu.memory_space<vmem_shared>>) target_semaphore(%run_scoped3A : memref<!tpu.dma_semaphore, #tpu.memory_space<semaphore_mem>>)
      %dma_wait3A_121 = arith.constant 0 : i32
      %dma_wait3A_122 = arith.constant 0 : i32
      %dma_wait3A_123 = tpu.memref_slice %arg5[%arg1, %dma_wait3A_121, %dma_wait3A_122] : memref<16x2x512xi32, #tpu.memory_space<vmem_shared>> -> memref<1x2x512xi32, #tpu.memory_space<vmem_shared>>
      %dma_wait3A_124 = tpu.memref_squeeze %dma_wait3A_123 : memref<1x2x512xi32, #tpu.memory_space<vmem_shared>> -> memref<2x512xi32, #tpu.memory_space<vmem_shared>>
      %dma_wait3A_125 = arith.constant 0 : i32
      %dma_wait3A_126 = arith.constant 0 : i32
      %dma_wait3A_127 = tpu.memref_slice %arg2[%add3A, %dma_wait3A_125, %dma_wait3A_126] : memref<32x2x512xi32, #tpu.memory_space<hbm>> -> memref<1x2x512xi32, #tpu.memory_space<hbm>>
      %dma_wait3A_128 = tpu.memref_squeeze %dma_wait3A_127 : memref<1x2x512xi32, #tpu.memory_space<hbm>> -> memref<2x512xi32, #tpu.memory_space<hbm>>
      tpu.wait_dma2 semaphore(%run_scoped3A : memref<!tpu.dma_semaphore, #tpu.memory_space<semaphore_mem>>) src(%dma_wait3A_128 : memref<2x512xi32, #tpu.memory_space<hbm>>) dst(%dma_wait3A_124 : memref<2x512xi32, #tpu.memory_space<vmem_shared>>)
      tpu.yield
    }) : () -> ()
    "tpu.region"() ({
      %run_scoped3A = tpu.sem_alloc : memref<!tpu.dma_semaphore, #tpu.memory_space<semaphore_mem>>
      %dma_start3A_113 = arith.constant 0 : i32
      %dma_start3A_114 = arith.constant 0 : i32
      %dma_start3A_115 = tpu.memref_slice %arg5[%arg1, %dma_start3A_113, %dma_start3A_114] : memref<16x2x512xi32, #tpu.memory_space<vmem_shared>> -> memref<1x2x512xi32, #tpu.memory_space<vmem_shared>>
      %dma_start3A_116 = tpu.memref_squeeze %dma_start3A_115 : memref<1x2x512xi32, #tpu.memory_space<vmem_shared>> -> memref<2x512xi32, #tpu.memory_space<vmem_shared>>
      tpu.enqueue_dma source(%dma_start3A_116 : memref<2x512xi32, #tpu.memory_space<vmem_shared>>) target(%arg6 : memref<2x512xi32, #tpu.memory_space<smem>>) target_semaphore(%run_scoped3A : memref<!tpu.dma_semaphore, #tpu.memory_space<semaphore_mem>>)
      %dma_wait3A_117 = arith.constant 0 : i32
      %dma_wait3A_118 = arith.constant 0 : i32
      %dma_wait3A_119 = tpu.memref_slice %arg5[%arg1, %dma_wait3A_117, %dma_wait3A_118] : memref<16x2x512xi32, #tpu.memory_space<vmem_shared>> -> memref<1x2x512xi32, #tpu.memory_space<vmem_shared>>
      %dma_wait3A_120 = tpu.memref_squeeze %dma_wait3A_119 : memref<1x2x512xi32, #tpu.memory_space<vmem_shared>> -> memref<2x512xi32, #tpu.memory_space<vmem_shared>>
      tpu.wait_dma2 semaphore(%run_scoped3A : memref<!tpu.dma_semaphore, #tpu.memory_space<semaphore_mem>>) src(%dma_wait3A_120 : memref<2x512xi32, #tpu.memory_space<vmem_shared>>) dst(%arg6 : memref<2x512xi32, #tpu.memory_space<smem>>)
      tpu.yield
    }) : () -> ()
    %iota3A = tpu.iota {dimensions = array<i32: 0>} : vector<16xi32>
    %get3A = arith.constant 0 : i32
    %get3A_3 = arith.constant 0 : i32
    %get3A_4 = arith.index_cast %get3A : i32 to index
    %get3A_5 = arith.index_cast %get3A_3 : i32 to index
    %get3A_6 = memref.load %arg6[%get3A_4, %get3A_5] : memref<2x512xi32, #tpu.memory_space<smem>>
    %shift_right_arithmetic3A = arith.constant 7 : i32
    %shift_right_arithmetic3A_7 = arith.shrsi %get3A_6, %shift_right_arithmetic3A : i32
    %get3A_8 = arith.constant 0 : i32
    %get3A_9 = arith.constant 511 : i32
    %get3A_10 = arith.index_cast %get3A_8 : i32 to index
    %get3A_11 = arith.index_cast %get3A_9 : i32 to index
    %get3A_12 = memref.load %arg6[%get3A_10, %get3A_11] : memref<2x512xi32, #tpu.memory_space<smem>>
    %shift_right_arithmetic3A_13 = arith.constant 7 : i32
    %shift_right_arithmetic3A_14 = arith.shrsi %get3A_12, %shift_right_arithmetic3A_13 : i32
    %sub3A = arith.subi %shift_right_arithmetic3A_14, %shift_right_arithmetic3A_7 : i32
    %jit3A = arith.constant 3 : i32
    %div3A = arith.divsi %sub3A, %jit3A : i32
    %sign3A = arith.constant 0 : i32
    %sign3A_15 = arith.cmpi sgt, %sub3A, %sign3A : i32
    %sign3A_16 = arith.extui %sign3A_15 : i1 to i32
    %sign3A_17 = arith.constant 0 : i32
    %sign3A_18 = arith.cmpi slt, %sub3A, %sign3A_17 : i32
    %sign3A_19 = arith.extui %sign3A_18 : i1 to i32
    %sign3A_20 = arith.subi %sign3A_16, %sign3A_19 : i32
    %sign3A_21 = arith.constant 0 : i32
    %sign3A_22 = arith.cmpi sgt, %jit3A, %sign3A_21 : i32
    %sign3A_23 = arith.extui %sign3A_22 : i1 to i32
    %sign3A_24 = arith.constant 0 : i32
    %sign3A_25 = arith.cmpi slt, %jit3A, %sign3A_24 : i32
    %sign3A_26 = arith.extui %sign3A_25 : i1 to i32
    %sign3A_27 = arith.subi %sign3A_23, %sign3A_26 : i32
    %ne3A = arith.cmpi ne, %sign3A_20, %sign3A_27 : i32
    %rem3A = arith.remsi %sub3A, %jit3A : i32
    %ne3A_28 = arith.constant 0 : i32
    %ne3A_29 = arith.cmpi ne, %rem3A, %ne3A_28 : i32
    %and3A = arith.andi %ne3A, %ne3A_29 : i1
    %sub3A_30 = arith.constant 1 : i32
    %sub3A_31 = arith.subi %div3A, %sub3A_30 : i32
    %select_n3A = arith.select %and3A, %sub3A_31, %div3A : i32
    %add3A_32 = arith.constant 1 : i32
    %add3A_33 = arith.addi %select_n3A, %add3A_32 : i32
    %add3A_34 = arith.constant 2 : i32
    %add3A_35 = arith.addi %add3A_33, %add3A_34 : i32
    %jit3A_36 = arith.constant 3 : i32
    %div3A_37 = arith.divsi %add3A_35, %jit3A_36 : i32
    %sign3A_38 = arith.constant 0 : i32
    %sign3A_39 = arith.cmpi sgt, %add3A_35, %sign3A_38 : i32
    %sign3A_40 = arith.extui %sign3A_39 : i1 to i32
    %sign3A_41 = arith.constant 0 : i32
    %sign3A_42 = arith.cmpi slt, %add3A_35, %sign3A_41 : i32
    %sign3A_43 = arith.extui %sign3A_42 : i1 to i32
    %sign3A_44 = arith.subi %sign3A_40, %sign3A_43 : i32
    %sign3A_45 = arith.constant 0 : i32
    %sign3A_46 = arith.cmpi sgt, %jit3A_36, %sign3A_45 : i32
    %sign3A_47 = arith.extui %sign3A_46 : i1 to i32
    %sign3A_48 = arith.constant 0 : i32
    %sign3A_49 = arith.cmpi slt, %jit3A_36, %sign3A_48 : i32
    %sign3A_50 = arith.extui %sign3A_49 : i1 to i32
    %sign3A_51 = arith.subi %sign3A_47, %sign3A_50 : i32
    %ne3A_52 = arith.cmpi ne, %sign3A_44, %sign3A_51 : i32
    %rem3A_53 = arith.remsi %add3A_35, %jit3A_36 : i32
    %ne3A_54 = arith.constant 0 : i32
    %ne3A_55 = arith.cmpi ne, %rem3A_53, %ne3A_54 : i32
    %and3A_56 = arith.andi %ne3A_52, %ne3A_55 : i1
    %sub3A_57 = arith.constant 1 : i32
    %sub3A_58 = arith.subi %div3A_37, %sub3A_57 : i32
    %select_n3A_59 = arith.select %and3A_56, %sub3A_58, %div3A_37 : i32
    %add3A_60 = arith.constant 0 : i32
    %add3A_61 = arith.addi %shift_right_arithmetic3A_7, %add3A_60 : i32
    %jit3A_62 = arith.constant 0 : i32
    %jit3A_63 = arith.constant 7810 : i32
    %max3A = arith.maxsi %jit3A_62, %add3A_61 : i32
    %min3A = arith.minsi %jit3A_63, %max3A : i32
    %mul3A_64 = arith.constant 128 : i32
    %mul3A_65 = arith.muli %min3A, %mul3A_64 : i32
    %dma_start3A = arith.constant 0 : i32
    %dma_start3A_66 = tpu.memref_slice %arg3[%dma_start3A, %mul3A_65] : memref<64x1000000xf32, #tpu.memory_space<hbm>> -> memref<64x384xf32, #tpu.memory_space<hbm>>
    %dma_start3A_67 = arith.constant 0 : i32
    %dma_start3A_68 = tpu.memref_slice %arg3[%dma_start3A_67, %mul3A_65] : memref<64x1000000xf32, #tpu.memory_space<hbm>> -> memref<64x384xf32, #tpu.memory_space<hbm>>
    tpu.enqueue_dma source(%dma_start3A_68 : memref<64x384xf32, #tpu.memory_space<hbm>>) target(%arg7 : memref<64x384xf32, #tpu.memory_space<vmem>>) target_semaphore(%arg11 : memref<!tpu.dma_semaphore, #tpu.memory_space<semaphore_mem>>)
    %add3A_69 = arith.constant 3 : i32
    %add3A_70 = arith.addi %shift_right_arithmetic3A_7, %add3A_69 : i32
    %jit3A_71 = arith.constant 0 : i32
    %jit3A_72 = arith.constant 7810 : i32
    %max3A_73 = arith.maxsi %jit3A_71, %add3A_70 : i32
    %min3A_74 = arith.minsi %jit3A_72, %max3A_73 : i32
    %mul3A_75 = arith.constant 128 : i32
    %mul3A_76 = arith.muli %min3A_74, %mul3A_75 : i32
    %dma_start3A_77 = arith.constant 0 : i32
    %dma_start3A_78 = tpu.memref_slice %arg3[%dma_start3A_77, %mul3A_76] : memref<64x1000000xf32, #tpu.memory_space<hbm>> -> memref<64x384xf32, #tpu.memory_space<hbm>>
    %dma_start3A_79 = arith.constant 0 : i32
    %dma_start3A_80 = tpu.memref_slice %arg3[%dma_start3A_79, %mul3A_76] : memref<64x1000000xf32, #tpu.memory_space<hbm>> -> memref<64x384xf32, #tpu.memory_space<hbm>>
    tpu.enqueue_dma source(%dma_start3A_80 : memref<64x384xf32, #tpu.memory_space<hbm>>) target(%arg8 : memref<64x384xf32, #tpu.memory_space<vmem>>) target_semaphore(%arg12 : memref<!tpu.dma_semaphore, #tpu.memory_space<semaphore_mem>>)
    %sub3A_81 = arith.constant 0 : i32
    %sub3A_82 = arith.subi %select_n3A_59, %sub3A_81 : i32
    %sub3A_83 = arith.constant 1 : i32
    %sub3A_84 = arith.constant 1 : i32
    %sub3A_85 = arith.subi %sub3A_83, %sub3A_84 : i32
    %add3A_86 = arith.addi %sub3A_82, %sub3A_85 : i32
    %div3A_87 = arith.constant 1 : i32
    %div3A_88 = arith.divsi %add3A_86, %div3A_87 : i32
    %while3A = arith.constant 1 : i32
    %while3A_89 = arith.constant 0 : i32
    %while3A_90 = arith.constant 0 : i32
    %while3A_91 = arith.constant 0 : i32
    %while3A_92 = arith.subi %div3A_88, %while3A_90 : i32
    %while3A_93 = arith.addi %while3A_90, %while3A_92 : i32
    %while3A_94 = arith.constant 1 : i32
    %while3A_95 = arith.divsi %while3A_92, %while3A_94 : i32
    %while3A_96 = arith.muli %while3A_95, %while3A_94 : i32
    %while3A_97 = arith.addi %while3A_90, %while3A_96 : i32
    %while3A_98 = arith.constant 1 : i32
    %while3A_99 = scf.for %while3A_113 = %while3A_90 to %while3A_97 step %while3A_98 iter_args(%while3A_114 = %while3A_91) -> (i32)  : i32 {
      %mul3A_115 = arith.muli %while3A_113, %while3A : i32
      %add3A_116 = arith.addi %while3A_89, %mul3A_115 : i32
      %mul3A_117 = arith.constant 3 : i32
      %mul3A_118 = arith.muli %mul3A_117, %add3A_116 : i32
      %add3A_119 = arith.constant 2 : i32
      %add3A_120 = arith.addi %mul3A_118, %add3A_119 : i32
      %mul3A_121 = arith.constant 3 : i32
      %mul3A_122 = arith.muli %add3A_120, %mul3A_121 : i32
      %add3A_123 = arith.addi %shift_right_arithmetic3A_7, %mul3A_122 : i32
      %jit3A_124 = arith.constant 0 : i32
      %jit3A_125 = arith.constant 7810 : i32
      %max3A_126 = arith.maxsi %jit3A_124, %add3A_123 : i32
      %min3A_127 = arith.minsi %jit3A_125, %max3A_126 : i32
      %mul3A_128 = arith.constant 128 : i32
      %mul3A_129 = arith.muli %min3A_127, %mul3A_128 : i32
      %dma_start3A_130 = arith.constant 0 : i32
      %dma_start3A_131 = tpu.memref_slice %arg3[%dma_start3A_130, %mul3A_129] : memref<64x1000000xf32, #tpu.memory_space<hbm>> -> memref<64x384xf32, #tpu.memory_space<hbm>>
      %dma_start3A_132 = arith.constant 0 : i32
      %dma_start3A_133 = tpu.memref_slice %arg3[%dma_start3A_132, %mul3A_129] : memref<64x1000000xf32, #tpu.memory_space<hbm>> -> memref<64x384xf32, #tpu.memory_space<hbm>>
      tpu.enqueue_dma source(%dma_start3A_133 : memref<64x384xf32, #tpu.memory_space<hbm>>) target(%arg9 : memref<64x384xf32, #tpu.memory_space<vmem>>) target_semaphore(%arg13 : memref<!tpu.dma_semaphore, #tpu.memory_space<semaphore_mem>>)
      %dma_wait3A_134 = arith.constant 0 : i32
      %dma_wait3A_135 = arith.constant 0 : i32
      %dma_wait3A_136 = tpu.memref_slice %arg3[%dma_wait3A_134, %dma_wait3A_135] : memref<64x1000000xf32, #tpu.memory_space<hbm>> -> memref<64x384xf32, #tpu.memory_space<hbm>>
      %dma_wait3A_137 = arith.constant 0 : i32
      %dma_wait3A_138 = arith.constant 0 : i32
      %dma_wait3A_139 = tpu.memref_slice %arg3[%dma_wait3A_137, %dma_wait3A_138] : memref<64x1000000xf32, #tpu.memory_space<hbm>> -> memref<64x384xf32, #tpu.memory_space<hbm>>
      tpu.wait_dma2 semaphore(%arg11 : memref<!tpu.dma_semaphore, #tpu.memory_space<semaphore_mem>>) src(%dma_wait3A_139 : memref<64x384xf32, #tpu.memory_space<hbm>>) dst(%arg7 : memref<64x384xf32, #tpu.memory_space<vmem>>)
      %mul3A_140 = arith.constant 3 : i32
      %mul3A_141 = arith.muli %mul3A_118, %mul3A_140 : i32
      %add3A_142 = arith.addi %shift_right_arithmetic3A_7, %mul3A_141 : i32
      %jit3A_143 = arith.constant 0 : i32
      %jit3A_144 = arith.constant 7810 : i32
      %max3A_145 = arith.maxsi %jit3A_143, %add3A_142 : i32
      %min3A_146 = arith.minsi %jit3A_144, %max3A_145 : i32
      %shift_left3A = arith.constant 7 : i32
      %shift_left3A_147 = arith.shli %min3A_146, %shift_left3A : i32
      %mul3A_148 = arith.constant 3 : i32
      %mul3A_149 = arith.muli %mul3A_118, %mul3A_148 : i32
      %add3A_150 = arith.addi %shift_right_arithmetic3A_7, %mul3A_149 : i32
      %add3A_151 = arith.constant 0 : i32
      %add3A_152 = arith.addi %add3A_150, %add3A_151 : i32
      %min3A_153 = arith.constant 511 : i32
      %min3A_154 = arith.minsi %while3A_114, %min3A_153 : i32
      %lt3A = arith.constant 512 : i32
      %lt3A_155 = arith.cmpi slt, %while3A_114, %lt3A : i32
      %get3A_156 = arith.constant 0 : i32
      %get3A_157 = arith.index_cast %get3A_156 : i32 to index
      %get3A_158 = arith.index_cast %min3A_154 : i32 to index
      %get3A_159 = memref.load %arg6[%get3A_157, %get3A_158] : memref<2x512xi32, #tpu.memory_space<smem>>
      %shift_right_arithmetic3A_160 = arith.constant 7 : i32
      %shift_right_arithmetic3A_161 = arith.shrsi %get3A_159, %shift_right_arithmetic3A_160 : i32
      %eq3A = arith.cmpi eq, %shift_right_arithmetic3A_161, %add3A_152 : i32
      %and3A_162 = arith.andi %lt3A_155, %eq3A : i1
      %get3A_163 = arith.constant 1 : i32
      %get3A_164 = arith.index_cast %get3A_163 : i32 to index
      %get3A_165 = arith.index_cast %min3A_154 : i32 to index
      %get3A_166 = memref.load %arg6[%get3A_164, %get3A_165] : memref<2x512xi32, #tpu.memory_space<smem>>
      %select_n3A_167 = arith.select %and3A_162, %get3A_166, %while3A_114 : i32
      %sub3A_168 = arith.subi %select_n3A_167, %while3A_114 : i32
      %sub3A_169 = arith.constant 1 : i32
      %sub3A_170 = arith.constant 1 : i32
      %sub3A_171 = arith.subi %sub3A_169, %sub3A_170 : i32
      %add3A_172 = arith.addi %sub3A_168, %sub3A_171 : i32
      %div3A_173 = arith.constant 1 : i32
      %div3A_174 = arith.divsi %add3A_172, %div3A_173 : i32
      %while3A_175 = arith.constant 1 : i32
      %while3A_176 = arith.constant 0 : i32
      %while3A_177 = arith.subi %div3A_174, %while3A_176 : i32
      %while3A_178 = arith.addi %while3A_176, %while3A_177 : i32
      %while3A_179 = arith.constant 1 : i32
      %while3A_180 = arith.divsi %while3A_177, %while3A_179 : i32
      %while3A_181 = arith.muli %while3A_180, %while3A_179 : i32
      %while3A_182 = arith.addi %while3A_176, %while3A_181 : i32
      %while3A_183 = arith.constant 1 : i32
      scf.for %while3A_561 = %while3A_176 to %while3A_182 step %while3A_183  : i32 {
        %mul3A_562 = arith.muli %while3A_561, %while3A_175 : i32
        %add3A_563 = arith.addi %while3A_114, %mul3A_562 : i32
        %get3A_564 = arith.constant 0 : i32
        %get3A_565 = arith.index_cast %get3A_564 : i32 to index
        %get3A_566 = arith.index_cast %add3A_563 : i32 to index
        %get3A_567 = memref.load %arg6[%get3A_565, %get3A_566] : memref<2x512xi32, #tpu.memory_space<smem>>
        %sub3A_568 = arith.subi %get3A_567, %shift_left3A_147 : i32
        %broadcast_in_dim3A = vector.broadcast %sub3A_568 : i32 to vector<16xi32>
        %broadcast_in_dim3A_569 = vector.broadcast %add3A_563 : i32 to vector<16xi32>
        %add3A_570 = arith.constant 0 : i32
        %add3A_571 = vector.broadcast %add3A_570 : i32 to vector<16xi32>
        %add3A_572 = arith.addi %iota3A, %add3A_571 : vector<16xi32>
        %gather3A = tpu.vector_load_idx %arg7[%add3A_572, %broadcast_in_dim3A] : memref<64x384xf32, #tpu.memory_space<vmem>>[vector<16xi32>, vector<16xi32>], vector<16xf32>,
        tpu.vector_store_idx %arg10[%add3A_572, %broadcast_in_dim3A_569], %gather3A : memref<64x512xf32, #tpu.memory_space<vmem>>[vector<16xi32>, vector<16xi32>], vector<16xf32>,
        %add3A_573 = arith.constant 16 : i32
        %add3A_574 = vector.broadcast %add3A_573 : i32 to vector<16xi32>
        %add3A_575 = arith.addi %iota3A, %add3A_574 : vector<16xi32>
        %gather3A_576 = tpu.vector_load_idx %arg7[%add3A_575, %broadcast_in_dim3A] : memref<64x384xf32, #tpu.memory_space<vmem>>[vector<16xi32>, vector<16xi32>], vector<16xf32>,
        tpu.vector_store_idx %arg10[%add3A_575, %broadcast_in_dim3A_569], %gather3A_576 : memref<64x512xf32, #tpu.memory_space<vmem>>[vector<16xi32>, vector<16xi32>], vector<16xf32>,
        %add3A_577 = arith.constant 32 : i32
        %add3A_578 = vector.broadcast %add3A_577 : i32 to vector<16xi32>
        %add3A_579 = arith.addi %iota3A, %add3A_578 : vector<16xi32>
        %gather3A_580 = tpu.vector_load_idx %arg7[%add3A_579, %broadcast_in_dim3A] : memref<64x384xf32, #tpu.memory_space<vmem>>[vector<16xi32>, vector<16xi32>], vector<16xf32>,
        tpu.vector_store_idx %arg10[%add3A_579, %broadcast_in_dim3A_569], %gather3A_580 : memref<64x512xf32, #tpu.memory_space<vmem>>[vector<16xi32>, vector<16xi32>], vector<16xf32>,
        %add3A_581 = arith.constant 48 : i32
        %add3A_582 = vector.broadcast %add3A_581 : i32 to vector<16xi32>
        %add3A_583 = arith.addi %iota3A, %add3A_582 : vector<16xi32>
        %gather3A_584 = tpu.vector_load_idx %arg7[%add3A_583, %broadcast_in_dim3A] : memref<64x384xf32, #tpu.memory_space<vmem>>[vector<16xi32>, vector<16xi32>], vector<16xf32>,
        tpu.vector_store_idx %arg10[%add3A_583, %broadcast_in_dim3A_569], %gather3A_584 : memref<64x512xf32, #tpu.memory_space<vmem>>[vector<16xi32>, vector<16xi32>], vector<16xf32>,
      }
      %while3A_184 = arith.constant 1 : i32
      scf.for %while3A_561 = %while3A_182 to %while3A_178 step %while3A_184  : i32 {
        %mul3A_562 = arith.muli %while3A_561, %while3A_175 : i32
        %add3A_563 = arith.addi %while3A_114, %mul3A_562 : i32
        %get3A_564 = arith.constant 0 : i32
        %get3A_565 = arith.index_cast %get3A_564 : i32 to index
        %get3A_566 = arith.index_cast %add3A_563 : i32 to index
        %get3A_567 = memref.load %arg6[%get3A_565, %get3A_566] : memref<2x512xi32, #tpu.memory_space<smem>>
        %sub3A_568 = arith.subi %get3A_567, %shift_left3A_147 : i32
        %broadcast_in_dim3A = vector.broadcast %sub3A_568 : i32 to vector<16xi32>
        %broadcast_in_dim3A_569 = vector.broadcast %add3A_563 : i32 to vector<16xi32>
        %add3A_570 = arith.constant 0 : i32
        %add3A_571 = vector.broadcast %add3A_570 : i32 to vector<16xi32>
        %add3A_572 = arith.addi %iota3A, %add3A_571 : vector<16xi32>
        %gather3A = tpu.vector_load_idx %arg7[%add3A_572, %broadcast_in_dim3A] : memref<64x384xf32, #tpu.memory_space<vmem>>[vector<16xi32>, vector<16xi32>], vector<16xf32>,
        tpu.vector_store_idx %arg10[%add3A_572, %broadcast_in_dim3A_569], %gather3A : memref<64x512xf32, #tpu.memory_space<vmem>>[vector<16xi32>, vector<16xi32>], vector<16xf32>,
        %add3A_573 = arith.constant 16 : i32
        %add3A_574 = vector.broadcast %add3A_573 : i32 to vector<16xi32>
        %add3A_575 = arith.addi %iota3A, %add3A_574 : vector<16xi32>
        %gather3A_576 = tpu.vector_load_idx %arg7[%add3A_575, %broadcast_in_dim3A] : memref<64x384xf32, #tpu.memory_space<vmem>>[vector<16xi32>, vector<16xi32>], vector<16xf32>,
        tpu.vector_store_idx %arg10[%add3A_575, %broadcast_in_dim3A_569], %gather3A_576 : memref<64x512xf32, #tpu.memory_space<vmem>>[vector<16xi32>, vector<16xi32>], vector<16xf32>,
        %add3A_577 = arith.constant 32 : i32
        %add3A_578 = vector.broadcast %add3A_577 : i32 to vector<16xi32>
        %add3A_579 = arith.addi %iota3A, %add3A_578 : vector<16xi32>
        %gather3A_580 = tpu.vector_load_idx %arg7[%add3A_579, %broadcast_in_dim3A] : memref<64x384xf32, #tpu.memory_space<vmem>>[vector<16xi32>, vector<16xi32>], vector<16xf32>,
        tpu.vector_store_idx %arg10[%add3A_579, %broadcast_in_dim3A_569], %gather3A_580 : memref<64x512xf32, #tpu.memory_space<vmem>>[vector<16xi32>, vector<16xi32>], vector<16xf32>,
        %add3A_581 = arith.constant 48 : i32
        %add3A_582 = vector.broadcast %add3A_581 : i32 to vector<16xi32>
        %add3A_583 = arith.addi %iota3A, %add3A_582 : vector<16xi32>
        %gather3A_584 = tpu.vector_load_idx %arg7[%add3A_583, %broadcast_in_dim3A] : memref<64x384xf32, #tpu.memory_space<vmem>>[vector<16xi32>, vector<16xi32>], vector<16xf32>,
        tpu.vector_store_idx %arg10[%add3A_583, %broadcast_in_dim3A_569], %gather3A_584 : memref<64x512xf32, #tpu.memory_space<vmem>>[vector<16xi32>, vector<16xi32>], vector<16xf32>,
      }
      %mul3A_185 = arith.constant 3 : i32
      %mul3A_186 = arith.muli %mul3A_118, %mul3A_185 : i32
      %add3A_187 = arith.addi %shift_right_arithmetic3A_7, %mul3A_186 : i32
      %add3A_188 = arith.constant 1 : i32
      %add3A_189 = arith.addi %add3A_187, %add3A_188 : i32
      %min3A_190 = arith.constant 511 : i32
      %min3A_191 = arith.minsi %select_n3A_167, %min3A_190 : i32
      %lt3A_192 = arith.constant 512 : i32
      %lt3A_193 = arith.cmpi slt, %select_n3A_167, %lt3A_192 : i32
      %get3A_194 = arith.constant 0 : i32
      %get3A_195 = arith.index_cast %get3A_194 : i32 to index
      %get3A_196 = arith.index_cast %min3A_191 : i32 to index
      %get3A_197 = memref.load %arg6[%get3A_195, %get3A_196] : memref<2x512xi32, #tpu.memory_space<smem>>
      %shift_right_arithmetic3A_198 = arith.constant 7 : i32
      %shift_right_arithmetic3A_199 = arith.shrsi %get3A_197, %shift_right_arithmetic3A_198 : i32
      %eq3A_200 = arith.cmpi eq, %shift_right_arithmetic3A_199, %add3A_189 : i32
      %and3A_201 = arith.andi %lt3A_193, %eq3A_200 : i1
      %get3A_202 = arith.constant 1 : i32
      %get3A_203 = arith.index_cast %get3A_202 : i32 to index
      %get3A_204 = arith.index_cast %min3A_191 : i32 to index
      %get3A_205 = memref.load %arg6[%get3A_203, %get3A_204] : memref<2x512xi32, #tpu.memory_space<smem>>
      %select_n3A_206 = arith.select %and3A_201, %get3A_205, %select_n3A_167 : i32
      %sub3A_207 = arith.subi %select_n3A_206, %select_n3A_167 : i32
      %sub3A_208 = arith.constant 1 : i32
      %sub3A_209 = arith.constant 1 : i32
      %sub3A_210 = arith.subi %sub3A_208, %sub3A_209 : i32
      %add3A_211 = arith.addi %sub3A_207, %sub3A_210 : i32
      %div3A_212 = arith.constant 1 : i32
      %div3A_213 = arith.divsi %add3A_211, %div3A_212 : i32
      %while3A_214 = arith.constant 1 : i32
      %while3A_215 = arith.constant 0 : i32
      %while3A_216 = arith.subi %div3A_213, %while3A_215 : i32
      %while3A_217 = arith.addi %while3A_215, %while3A_216 : i32
      %while3A_218 = arith.constant 1 : i32
      %while3A_219 = arith.divsi %while3A_216, %while3A_218 : i32
      %while3A_220 = arith.muli %while3A_219, %while3A_218 : i32
      %while3A_221 = arith.addi %while3A_215, %while3A_220 : i32
      %while3A_222 = arith.constant 1 : i32
      scf.for %while3A_561 = %while3A_215 to %while3A_221 step %while3A_222  : i32 {
        %mul3A_562 = arith.muli %while3A_561, %while3A_214 : i32
        %add3A_563 = arith.addi %select_n3A_167, %mul3A_562 : i32
        %get3A_564 = arith.constant 0 : i32
        %get3A_565 = arith.index_cast %get3A_564 : i32 to index
        %get3A_566 = arith.index_cast %add3A_563 : i32 to index
        %get3A_567 = memref.load %arg6[%get3A_565, %get3A_566] : memref<2x512xi32, #tpu.memory_space<smem>>
        %sub3A_568 = arith.subi %get3A_567, %shift_left3A_147 : i32
        %broadcast_in_dim3A = vector.broadcast %sub3A_568 : i32 to vector<16xi32>
        %broadcast_in_dim3A_569 = vector.broadcast %add3A_563 : i32 to vector<16xi32>
        %add3A_570 = arith.constant 0 : i32
        %add3A_571 = vector.broadcast %add3A_570 : i32 to vector<16xi32>
        %add3A_572 = arith.addi %iota3A, %add3A_571 : vector<16xi32>
        %gather3A = tpu.vector_load_idx %arg7[%add3A_572, %broadcast_in_dim3A] : memref<64x384xf32, #tpu.memory_space<vmem>>[vector<16xi32>, vector<16xi32>], vector<16xf32>,
        tpu.vector_store_idx %arg10[%add3A_572, %broadcast_in_dim3A_569], %gather3A : memref<64x512xf32, #tpu.memory_space<vmem>>[vector<16xi32>, vector<16xi32>], vector<16xf32>,
        %add3A_573 = arith.constant 16 : i32
        %add3A_574 = vector.broadcast %add3A_573 : i32 to vector<16xi32>
        %add3A_575 = arith.addi %iota3A, %add3A_574 : vector<16xi32>
        %gather3A_576 = tpu.vector_load_idx %arg7[%add3A_575, %broadcast_in_dim3A] : memref<64x384xf32, #tpu.memory_space<vmem>>[vector<16xi32>, vector<16xi32>], vector<16xf32>,
        tpu.vector_store_idx %arg10[%add3A_575, %broadcast_in_dim3A_569], %gather3A_576 : memref<64x512xf32, #tpu.memory_space<vmem>>[vector<16xi32>, vector<16xi32>], vector<16xf32>,
        %add3A_577 = arith.constant 32 : i32
        %add3A_578 = vector.broadcast %add3A_577 : i32 to vector<16xi32>
        %add3A_579 = arith.addi %iota3A, %add3A_578 : vector<16xi32>
        %gather3A_580 = tpu.vector_load_idx %arg7[%add3A_579, %broadcast_in_dim3A] : memref<64x384xf32, #tpu.memory_space<vmem>>[vector<16xi32>, vector<16xi32>], vector<16xf32>,
        tpu.vector_store_idx %arg10[%add3A_579, %broadcast_in_dim3A_569], %gather3A_580 : memref<64x512xf32, #tpu.memory_space<vmem>>[vector<16xi32>, vector<16xi32>], vector<16xf32>,
        %add3A_581 = arith.constant 48 : i32
        %add3A_582 = vector.broadcast %add3A_581 : i32 to vector<16xi32>
        %add3A_583 = arith.addi %iota3A, %add3A_582 : vector<16xi32>
        %gather3A_584 = tpu.vector_load_idx %arg7[%add3A_583, %broadcast_in_dim3A] : memref<64x384xf32, #tpu.memory_space<vmem>>[vector<16xi32>, vector<16xi32>], vector<16xf32>,
        tpu.vector_store_idx %arg10[%add3A_583, %broadcast_in_dim3A_569], %gather3A_584 : memref<64x512xf32, #tpu.memory_space<vmem>>[vector<16xi32>, vector<16xi32>], vector<16xf32>,
      }
      %while3A_223 = arith.constant 1 : i32
      scf.for %while3A_561 = %while3A_221 to %while3A_217 step %while3A_223  : i32 {
        %mul3A_562 = arith.muli %while3A_561, %while3A_214 : i32
        %add3A_563 = arith.addi %select_n3A_167, %mul3A_562 : i32
        %get3A_564 = arith.constant 0 : i32
        %get3A_565 = arith.index_cast %get3A_564 : i32 to index
        %get3A_566 = arith.index_cast %add3A_563 : i32 to index
        %get3A_567 = memref.load %arg6[%get3A_565, %get3A_566] : memref<2x512xi32, #tpu.memory_space<smem>>
        %sub3A_568 = arith.subi %get3A_567, %shift_left3A_147 : i32
        %broadcast_in_dim3A = vector.broadcast %sub3A_568 : i32 to vector<16xi32>
        %broadcast_in_dim3A_569 = vector.broadcast %add3A_563 : i32 to vector<16xi32>
        %add3A_570 = arith.constant 0 : i32
        %add3A_571 = vector.broadcast %add3A_570 : i32 to vector<16xi32>
        %add3A_572 = arith.addi %iota3A, %add3A_571 : vector<16xi32>
        %gather3A = tpu.vector_load_idx %arg7[%add3A_572, %broadcast_in_dim3A] : memref<64x384xf32, #tpu.memory_space<vmem>>[vector<16xi32>, vector<16xi32>], vector<16xf32>,
        tpu.vector_store_idx %arg10[%add3A_572, %broadcast_in_dim3A_569], %gather3A : memref<64x512xf32, #tpu.memory_space<vmem>>[vector<16xi32>, vector<16xi32>], vector<16xf32>,
        %add3A_573 = arith.constant 16 : i32
        %add3A_574 = vector.broadcast %add3A_573 : i32 to vector<16xi32>
        %add3A_575 = arith.addi %iota3A, %add3A_574 : vector<16xi32>
        %gather3A_576 = tpu.vector_load_idx %arg7[%add3A_575, %broadcast_in_dim3A] : memref<64x384xf32, #tpu.memory_space<vmem>>[vector<16xi32>, vector<16xi32>], vector<16xf32>,
        tpu.vector_store_idx %arg10[%add3A_575, %broadcast_in_dim3A_569], %gather3A_576 : memref<64x512xf32, #tpu.memory_space<vmem>>[vector<16xi32>, vector<16xi32>], vector<16xf32>,
        %add3A_577 = arith.constant 32 : i32
        %add3A_578 = vector.broadcast %add3A_577 : i32 to vector<16xi32>
        %add3A_579 = arith.addi %iota3A, %add3A_578 : vector<16xi32>
        %gather3A_580 = tpu.vector_load_idx %arg7[%add3A_579, %broadcast_in_dim3A] : memref<64x384xf32, #tpu.memory_space<vmem>>[vector<16xi32>, vector<16xi32>], vector<16xf32>,
        tpu.vector_store_idx %arg10[%add3A_579, %broadcast_in_dim3A_569], %gather3A_580 : memref<64x512xf32, #tpu.memory_space<vmem>>[vector<16xi32>, vector<16xi32>], vector<16xf32>,
        %add3A_581 = arith.constant 48 : i32
        %add3A_582 = vector.broadcast %add3A_581 : i32 to vector<16xi32>
        %add3A_583 = arith.addi %iota3A, %add3A_582 : vector<16xi32>
        %gather3A_584 = tpu.vector_load_idx %arg7[%add3A_583, %broadcast_in_dim3A] : memref<64x384xf32, #tpu.memory_space<vmem>>[vector<16xi32>, vector<16xi32>], vector<16xf32>,
        tpu.vector_store_idx %arg10[%add3A_583, %broadcast_in_dim3A_569], %gather3A_584 : memref<64x512xf32, #tpu.memory_space<vmem>>[vector<16xi32>, vector<16xi32>], vector<16xf32>,
      }
      %mul3A_224 = arith.constant 3 : i32
      %mul3A_225 = arith.muli %mul3A_118, %mul3A_224 : i32
      %add3A_226 = arith.addi %shift_right_arithmetic3A_7, %mul3A_225 : i32
      %add3A_227 = arith.constant 2 : i32
      %add3A_228 = arith.addi %add3A_226, %add3A_227 : i32
      %min3A_229 = arith.constant 511 : i32
      %min3A_230 = arith.minsi %select_n3A_206, %min3A_229 : i32
      %lt3A_231 = arith.constant 512 : i32
      %lt3A_232 = arith.cmpi slt, %select_n3A_206, %lt3A_231 : i32
      %get3A_233 = arith.constant 0 : i32
      %get3A_234 = arith.index_cast %get3A_233 : i32 to index
      %get3A_235 = arith.index_cast %min3A_230 : i32 to index
      %get3A_236 = memref.load %arg6[%get3A_234, %get3A_235] : memref<2x512xi32, #tpu.memory_space<smem>>
      %shift_right_arithmetic3A_237 = arith.constant 7 : i32
      %shift_right_arithmetic3A_238 = arith.shrsi %get3A_236, %shift_right_arithmetic3A_237 : i32
      %eq3A_239 = arith.cmpi eq, %shift_right_arithmetic3A_238, %add3A_228 : i32
      %and3A_240 = arith.andi %lt3A_232, %eq3A_239 : i1
      %get3A_241 = arith.constant 1 : i32
      %get3A_242 = arith.index_cast %get3A_241 : i32 to index
      %get3A_243 = arith.index_cast %min3A_230 : i32 to index
      %get3A_244 = memref.load %arg6[%get3A_242, %get3A_243] : memref<2x512xi32, #tpu.memory_space<smem>>
      %select_n3A_245 = arith.select %and3A_240, %get3A_244, %select_n3A_206 : i32
      %sub3A_246 = arith.subi %select_n3A_245, %select_n3A_206 : i32
      %sub3A_247 = arith.constant 1 : i32
      %sub3A_248 = arith.constant 1 : i32
      %sub3A_249 = arith.subi %sub3A_247, %sub3A_248 : i32
      %add3A_250 = arith.addi %sub3A_246, %sub3A_249 : i32
      %div3A_251 = arith.constant 1 : i32
      %div3A_252 = arith.divsi %add3A_250, %div3A_251 : i32
      %while3A_253 = arith.constant 1 : i32
      %while3A_254 = arith.constant 0 : i32
      %while3A_255 = arith.subi %div3A_252, %while3A_254 : i32
      %while3A_256 = arith.addi %while3A_254, %while3A_255 : i32
      %while3A_257 = arith.constant 1 : i32
      %while3A_258 = arith.divsi %while3A_255, %while3A_257 : i32
      %while3A_259 = arith.muli %while3A_258, %while3A_257 : i32
      %while3A_260 = arith.addi %while3A_254, %while3A_259 : i32
      %while3A_261 = arith.constant 1 : i32
      scf.for %while3A_561 = %while3A_254 to %while3A_260 step %while3A_261  : i32 {
        %mul3A_562 = arith.muli %while3A_561, %while3A_253 : i32
        %add3A_563 = arith.addi %select_n3A_206, %mul3A_562 : i32
        %get3A_564 = arith.constant 0 : i32
        %get3A_565 = arith.index_cast %get3A_564 : i32 to index
        %get3A_566 = arith.index_cast %add3A_563 : i32 to index
        %get3A_567 = memref.load %arg6[%get3A_565, %get3A_566] : memref<2x512xi32, #tpu.memory_space<smem>>
        %sub3A_568 = arith.subi %get3A_567, %shift_left3A_147 : i32
        %broadcast_in_dim3A = vector.broadcast %sub3A_568 : i32 to vector<16xi32>
        %broadcast_in_dim3A_569 = vector.broadcast %add3A_563 : i32 to vector<16xi32>
        %add3A_570 = arith.constant 0 : i32
        %add3A_571 = vector.broadcast %add3A_570 : i32 to vector<16xi32>
        %add3A_572 = arith.addi %iota3A, %add3A_571 : vector<16xi32>
        %gather3A = tpu.vector_load_idx %arg7[%add3A_572, %broadcast_in_dim3A] : memref<64x384xf32, #tpu.memory_space<vmem>>[vector<16xi32>, vector<16xi32>], vector<16xf32>,
        tpu.vector_store_idx %arg10[%add3A_572, %broadcast_in_dim3A_569], %gather3A : memref<64x512xf32, #tpu.memory_space<vmem>>[vector<16xi32>, vector<16xi32>], vector<16xf32>,
        %add3A_573 = arith.constant 16 : i32
        %add3A_574 = vector.broadcast %add3A_573 : i32 to vector<16xi32>
        %add3A_575 = arith.addi %iota3A, %add3A_574 : vector<16xi32>
        %gather3A_576 = tpu.vector_load_idx %arg7[%add3A_575, %broadcast_in_dim3A] : memref<64x384xf32, #tpu.memory_space<vmem>>[vector<16xi32>, vector<16xi32>], vector<16xf32>,
        tpu.vector_store_idx %arg10[%add3A_575, %broadcast_in_dim3A_569], %gather3A_576 : memref<64x512xf32, #tpu.memory_space<vmem>>[vector<16xi32>, vector<16xi32>], vector<16xf32>,
        %add3A_577 = arith.constant 32 : i32
        %add3A_578 = vector.broadcast %add3A_577 : i32 to vector<16xi32>
        %add3A_579 = arith.addi %iota3A, %add3A_578 : vector<16xi32>
        %gather3A_580 = tpu.vector_load_idx %arg7[%add3A_579, %broadcast_in_dim3A] : memref<64x384xf32, #tpu.memory_space<vmem>>[vector<16xi32>, vector<16xi32>], vector<16xf32>,
        tpu.vector_store_idx %arg10[%add3A_579, %broadcast_in_dim3A_569], %gather3A_580 : memref<64x512xf32, #tpu.memory_space<vmem>>[vector<16xi32>, vector<16xi32>], vector<16xf32>,
        %add3A_581 = arith.constant 48 : i32
        %add3A_582 = vector.broadcast %add3A_581 : i32 to vector<16xi32>
        %add3A_583 = arith.addi %iota3A, %add3A_582 : vector<16xi32>
        %gather3A_584 = tpu.vector_load_idx %arg7[%add3A_583, %broadcast_in_dim3A] : memref<64x384xf32, #tpu.memory_space<vmem>>[vector<16xi32>, vector<16xi32>], vector<16xf32>,
        tpu.vector_store_idx %arg10[%add3A_583, %broadcast_in_dim3A_569], %gather3A_584 : memref<64x512xf32, #tpu.memory_space<vmem>>[vector<16xi32>, vector<16xi32>], vector<16xf32>,
      }
      %while3A_262 = arith.constant 1 : i32
      scf.for %while3A_561 = %while3A_260 to %while3A_256 step %while3A_262  : i32 {
        %mul3A_562 = arith.muli %while3A_561, %while3A_253 : i32
        %add3A_563 = arith.addi %select_n3A_206, %mul3A_562 : i32
        %get3A_564 = arith.constant 0 : i32
        %get3A_565 = arith.index_cast %get3A_564 : i32 to index
        %get3A_566 = arith.index_cast %add3A_563 : i32 to index
        %get3A_567 = memref.load %arg6[%get3A_565, %get3A_566] : memref<2x512xi32, #tpu.memory_space<smem>>
        %sub3A_568 = arith.subi %get3A_567, %shift_left3A_147 : i32
        %broadcast_in_dim3A = vector.broadcast %sub3A_568 : i32 to vector<16xi32>
        %broadcast_in_dim3A_569 = vector.broadcast %add3A_563 : i32 to vector<16xi32>
        %add3A_570 = arith.constant 0 : i32
        %add3A_571 = vector.broadcast %add3A_570 : i32 to vector<16xi32>
        %add3A_572 = arith.addi %iota3A, %add3A_571 : vector<16xi32>
        %gather3A = tpu.vector_load_idx %arg7[%add3A_572, %broadcast_in_dim3A] : memref<64x384xf32, #tpu.memory_space<vmem>>[vector<16xi32>, vector<16xi32>], vector<16xf32>,
        tpu.vector_store_idx %arg10[%add3A_572, %broadcast_in_dim3A_569], %gather3A : memref<64x512xf32, #tpu.memory_space<vmem>>[vector<16xi32>, vector<16xi32>], vector<16xf32>,
        %add3A_573 = arith.constant 16 : i32
        %add3A_574 = vector.broadcast %add3A_573 : i32 to vector<16xi32>
        %add3A_575 = arith.addi %iota3A, %add3A_574 : vector<16xi32>
        %gather3A_576 = tpu.vector_load_idx %arg7[%add3A_575, %broadcast_in_dim3A] : memref<64x384xf32, #tpu.memory_space<vmem>>[vector<16xi32>, vector<16xi32>], vector<16xf32>,
        tpu.vector_store_idx %arg10[%add3A_575, %broadcast_in_dim3A_569], %gather3A_576 : memref<64x512xf32, #tpu.memory_space<vmem>>[vector<16xi32>, vector<16xi32>], vector<16xf32>,
        %add3A_577 = arith.constant 32 : i32
        %add3A_578 = vector.broadcast %add3A_577 : i32 to vector<16xi32>
        %add3A_579 = arith.addi %iota3A, %add3A_578 : vector<16xi32>
        %gather3A_580 = tpu.vector_load_idx %arg7[%add3A_579, %broadcast_in_dim3A] : memref<64x384xf32, #tpu.memory_space<vmem>>[vector<16xi32>, vector<16xi32>], vector<16xf32>,
        tpu.vector_store_idx %arg10[%add3A_579, %broadcast_in_dim3A_569], %gather3A_580 : memref<64x512xf32, #tpu.memory_space<vmem>>[vector<16xi32>, vector<16xi32>], vector<16xf32>,
        %add3A_581 = arith.constant 48 : i32
        %add3A_582 = vector.broadcast %add3A_581 : i32 to vector<16xi32>
        %add3A_583 = arith.addi %iota3A, %add3A_582 : vector<16xi32>
        %gather3A_584 = tpu.vector_load_idx %arg7[%add3A_583, %broadcast_in_dim3A] : memref<64x384xf32, #tpu.memory_space<vmem>>[vector<16xi32>, vector<16xi32>], vector<16xf32>,
        tpu.vector_store_idx %arg10[%add3A_583, %broadcast_in_dim3A_569], %gather3A_584 : memref<64x512xf32, #tpu.memory_space<vmem>>[vector<16xi32>, vector<16xi32>], vector<16xf32>,
      }
      %add3A_263 = arith.constant 3 : i32
      %add3A_264 = arith.addi %mul3A_118, %add3A_263 : i32
      %mul3A_265 = arith.constant 3 : i32
      %mul3A_266 = arith.muli %add3A_264, %mul3A_265 : i32
      %add3A_267 = arith.addi %shift_right_arithmetic3A_7, %mul3A_266 : i32
      %jit3A_268 = arith.constant 0 : i32
      %jit3A_269 = arith.constant 7810 : i32
      %max3A_270 = arith.maxsi %jit3A_268, %add3A_267 : i32
      %min3A_271 = arith.minsi %jit3A_269, %max3A_270 : i32
      %mul3A_272 = arith.constant 128 : i32
      %mul3A_273 = arith.muli %min3A_271, %mul3A_272 : i32
      %dma_start3A_274 = arith.constant 0 : i32
      %dma_start3A_275 = tpu.memref_slice %arg3[%dma_start3A_274, %mul3A_273] : memref<64x1000000xf32, #tpu.memory_space<hbm>> -> memref<64x384xf32, #tpu.memory_space<hbm>>
      %dma_start3A_276 = arith.constant 0 : i32
      %dma_start3A_277 = tpu.memref_slice %arg3[%dma_start3A_276, %mul3A_273] : memref<64x1000000xf32, #tpu.memory_space<hbm>> -> memref<64x384xf32, #tpu.memory_space<hbm>>
      tpu.enqueue_dma source(%dma_start3A_277 : memref<64x384xf32, #tpu.memory_space<hbm>>) target(%arg7 : memref<64x384xf32, #tpu.memory_space<vmem>>) target_semaphore(%arg11 : memref<!tpu.dma_semaphore, #tpu.memory_space<semaphore_mem>>)
      %dma_wait3A_278 = arith.constant 0 : i32
      %dma_wait3A_279 = arith.constant 0 : i32
      %dma_wait3A_280 = tpu.memref_slice %arg3[%dma_wait3A_278, %dma_wait3A_279] : memref<64x1000000xf32, #tpu.memory_space<hbm>> -> memref<64x384xf32, #tpu.memory_space<hbm>>
      %dma_wait3A_281 = arith.constant 0 : i32
      %dma_wait3A_282 = arith.constant 0 : i32
      %dma_wait3A_283 = tpu.memref_slice %arg3[%dma_wait3A_281, %dma_wait3A_282] : memref<64x1000000xf32, #tpu.memory_space<hbm>> -> memref<64x384xf32, #tpu.memory_space<hbm>>
      tpu.wait_dma2 semaphore(%arg12 : memref<!tpu.dma_semaphore, #tpu.memory_space<semaphore_mem>>) src(%dma_wait3A_283 : memref<64x384xf32, #tpu.memory_space<hbm>>) dst(%arg8 : memref<64x384xf32, #tpu.memory_space<vmem>>)
      %add3A_284 = arith.constant 1 : i32
      %add3A_285 = arith.addi %mul3A_118, %add3A_284 : i32
      %mul3A_286 = arith.constant 3 : i32
      %mul3A_287 = arith.muli %add3A_285, %mul3A_286 : i32
      %add3A_288 = arith.addi %shift_right_arithmetic3A_7, %mul3A_287 : i32
      %jit3A_289 = arith.constant 0 : i32
      %jit3A_290 = arith.constant 7810 : i32
      %max3A_291 = arith.maxsi %jit3A_289, %add3A_288 : i32
      %min3A_292 = arith.minsi %jit3A_290, %max3A_291 : i32
      %shift_left3A_293 = arith.constant 7 : i32
      %shift_left3A_294 = arith.shli %min3A_292, %shift_left3A_293 : i32
      %mul3A_295 = arith.constant 3 : i32
      %mul3A_296 = arith.muli %add3A_285, %mul3A_295 : i32
      %add3A_297 = arith.addi %shift_right_arithmetic3A_7, %mul3A_296 : i32
      %add3A_298 = arith.constant 0 : i32
      %add3A_299 = arith.addi %add3A_297, %add3A_298 : i32
      %min3A_300 = arith.constant 511 : i32
      %min3A_301 = arith.minsi %select_n3A_245, %min3A_300 : i32
      %lt3A_302 = arith.constant 512 : i32
      %lt3A_303 = arith.cmpi slt, %select_n3A_245, %lt3A_302 : i32
      %get3A_304 = arith.constant 0 : i32
      %get3A_305 = arith.index_cast %get3A_304 : i32 to index
      %get3A_306 = arith.index_cast %min3A_301 : i32 to index
      %get3A_307 = memref.load %arg6[%get3A_305, %get3A_306] : memref<2x512xi32, #tpu.memory_space<smem>>
      %shift_right_arithmetic3A_308 = arith.constant 7 : i32
      %shift_right_arithmetic3A_309 = arith.shrsi %get3A_307, %shift_right_arithmetic3A_308 : i32
      %eq3A_310 = arith.cmpi eq, %shift_right_arithmetic3A_309, %add3A_299 : i32
      %and3A_311 = arith.andi %lt3A_303, %eq3A_310 : i1
      %get3A_312 = arith.constant 1 : i32
      %get3A_313 = arith.index_cast %get3A_312 : i32 to index
      %get3A_314 = arith.index_cast %min3A_301 : i32 to index
      %get3A_315 = memref.load %arg6[%get3A_313, %get3A_314] : memref<2x512xi32, #tpu.memory_space<smem>>
      %select_n3A_316 = arith.select %and3A_311, %get3A_315, %select_n3A_245 : i32
      %sub3A_317 = arith.subi %select_n3A_316, %select_n3A_245 : i32
      %sub3A_318 = arith.constant 1 : i32
      %sub3A_319 = arith.constant 1 : i32
      %sub3A_320 = arith.subi %sub3A_318, %sub3A_319 : i32
      %add3A_321 = arith.addi %sub3A_317, %sub3A_320 : i32
      %div3A_322 = arith.constant 1 : i32
      %div3A_323 = arith.divsi %add3A_321, %div3A_322 : i32
      %while3A_324 = arith.constant 1 : i32
      %while3A_325 = arith.constant 0 : i32
      %while3A_326 = arith.subi %div3A_323, %while3A_325 : i32
      %while3A_327 = arith.addi %while3A_325, %while3A_326 : i32
      %while3A_328 = arith.constant 1 : i32
      %while3A_329 = arith.divsi %while3A_326, %while3A_328 : i32
      %while3A_330 = arith.muli %while3A_329, %while3A_328 : i32
      %while3A_331 = arith.addi %while3A_325, %while3A_330 : i32
      %while3A_332 = arith.constant 1 : i32
      scf.for %while3A_561 = %while3A_325 to %while3A_331 step %while3A_332  : i32 {
        %mul3A_562 = arith.muli %while3A_561, %while3A_324 : i32
        %add3A_563 = arith.addi %select_n3A_245, %mul3A_562 : i32
        %get3A_564 = arith.constant 0 : i32
        %get3A_565 = arith.index_cast %get3A_564 : i32 to index
        %get3A_566 = arith.index_cast %add3A_563 : i32 to index
        %get3A_567 = memref.load %arg6[%get3A_565, %get3A_566] : memref<2x512xi32, #tpu.memory_space<smem>>
        %sub3A_568 = arith.subi %get3A_567, %shift_left3A_294 : i32
        %broadcast_in_dim3A = vector.broadcast %sub3A_568 : i32 to vector<16xi32>
        %broadcast_in_dim3A_569 = vector.broadcast %add3A_563 : i32 to vector<16xi32>
        %add3A_570 = arith.constant 0 : i32
        %add3A_571 = vector.broadcast %add3A_570 : i32 to vector<16xi32>
        %add3A_572 = arith.addi %iota3A, %add3A_571 : vector<16xi32>
        %gather3A = tpu.vector_load_idx %arg8[%add3A_572, %broadcast_in_dim3A] : memref<64x384xf32, #tpu.memory_space<vmem>>[vector<16xi32>, vector<16xi32>], vector<16xf32>,
        tpu.vector_store_idx %arg10[%add3A_572, %broadcast_in_dim3A_569], %gather3A : memref<64x512xf32, #tpu.memory_space<vmem>>[vector<16xi32>, vector<16xi32>], vector<16xf32>,
        %add3A_573 = arith.constant 16 : i32
        %add3A_574 = vector.broadcast %add3A_573 : i32 to vector<16xi32>
        %add3A_575 = arith.addi %iota3A, %add3A_574 : vector<16xi32>
        %gather3A_576 = tpu.vector_load_idx %arg8[%add3A_575, %broadcast_in_dim3A] : memref<64x384xf32, #tpu.memory_space<vmem>>[vector<16xi32>, vector<16xi32>], vector<16xf32>,
        tpu.vector_store_idx %arg10[%add3A_575, %broadcast_in_dim3A_569], %gather3A_576 : memref<64x512xf32, #tpu.memory_space<vmem>>[vector<16xi32>, vector<16xi32>], vector<16xf32>,
        %add3A_577 = arith.constant 32 : i32
        %add3A_578 = vector.broadcast %add3A_577 : i32 to vector<16xi32>
        %add3A_579 = arith.addi %iota3A, %add3A_578 : vector<16xi32>
        %gather3A_580 = tpu.vector_load_idx %arg8[%add3A_579, %broadcast_in_dim3A] : memref<64x384xf32, #tpu.memory_space<vmem>>[vector<16xi32>, vector<16xi32>], vector<16xf32>,
        tpu.vector_store_idx %arg10[%add3A_579, %broadcast_in_dim3A_569], %gather3A_580 : memref<64x512xf32, #tpu.memory_space<vmem>>[vector<16xi32>, vector<16xi32>], vector<16xf32>,
        %add3A_581 = arith.constant 48 : i32
        %add3A_582 = vector.broadcast %add3A_581 : i32 to vector<16xi32>
        %add3A_583 = arith.addi %iota3A, %add3A_582 : vector<16xi32>
        %gather3A_584 = tpu.vector_load_idx %arg8[%add3A_583, %broadcast_in_dim3A] : memref<64x384xf32, #tpu.memory_space<vmem>>[vector<16xi32>, vector<16xi32>], vector<16xf32>,
        tpu.vector_store_idx %arg10[%add3A_583, %broadcast_in_dim3A_569], %gather3A_584 : memref<64x512xf32, #tpu.memory_space<vmem>>[vector<16xi32>, vector<16xi32>], vector<16xf32>,
      }
      %while3A_333 = arith.constant 1 : i32
      scf.for %while3A_561 = %while3A_331 to %while3A_327 step %while3A_333  : i32 {
        %mul3A_562 = arith.muli %while3A_561, %while3A_324 : i32
        %add3A_563 = arith.addi %select_n3A_245, %mul3A_562 : i32
        %get3A_564 = arith.constant 0 : i32
        %get3A_565 = arith.index_cast %get3A_564 : i32 to index
        %get3A_566 = arith.index_cast %add3A_563 : i32 to index
        %get3A_567 = memref.load %arg6[%get3A_565, %get3A_566] : memref<2x512xi32, #tpu.memory_space<smem>>
        %sub3A_568 = arith.subi %get3A_567, %shift_left3A_294 : i32
        %broadcast_in_dim3A = vector.broadcast %sub3A_568 : i32 to vector<16xi32>
        %broadcast_in_dim3A_569 = vector.broadcast %add3A_563 : i32 to vector<16xi32>
        %add3A_570 = arith.constant 0 : i32
        %add3A_571 = vector.broadcast %add3A_570 : i32 to vector<16xi32>
        %add3A_572 = arith.addi %iota3A, %add3A_571 : vector<16xi32>
        %gather3A = tpu.vector_load_idx %arg8[%add3A_572, %broadcast_in_dim3A] : memref<64x384xf32, #tpu.memory_space<vmem>>[vector<16xi32>, vector<16xi32>], vector<16xf32>,
        tpu.vector_store_idx %arg10[%add3A_572, %broadcast_in_dim3A_569], %gather3A : memref<64x512xf32, #tpu.memory_space<vmem>>[vector<16xi32>, vector<16xi32>], vector<16xf32>,
        %add3A_573 = arith.constant 16 : i32
        %add3A_574 = vector.broadcast %add3A_573 : i32 to vector<16xi32>
        %add3A_575 = arith.addi %iota3A, %add3A_574 : vector<16xi32>
        %gather3A_576 = tpu.vector_load_idx %arg8[%add3A_575, %broadcast_in_dim3A] : memref<64x384xf32, #tpu.memory_space<vmem>>[vector<16xi32>, vector<16xi32>], vector<16xf32>,
        tpu.vector_store_idx %arg10[%add3A_575, %broadcast_in_dim3A_569], %gather3A_576 : memref<64x512xf32, #tpu.memory_space<vmem>>[vector<16xi32>, vector<16xi32>], vector<16xf32>,
        %add3A_577 = arith.constant 32 : i32
        %add3A_578 = vector.broadcast %add3A_577 : i32 to vector<16xi32>
        %add3A_579 = arith.addi %iota3A, %add3A_578 : vector<16xi32>
        %gather3A_580 = tpu.vector_load_idx %arg8[%add3A_579, %broadcast_in_dim3A] : memref<64x384xf32, #tpu.memory_space<vmem>>[vector<16xi32>, vector<16xi32>], vector<16xf32>,
        tpu.vector_store_idx %arg10[%add3A_579, %broadcast_in_dim3A_569], %gather3A_580 : memref<64x512xf32, #tpu.memory_space<vmem>>[vector<16xi32>, vector<16xi32>], vector<16xf32>,
        %add3A_581 = arith.constant 48 : i32
        %add3A_582 = vector.broadcast %add3A_581 : i32 to vector<16xi32>
        %add3A_583 = arith.addi %iota3A, %add3A_582 : vector<16xi32>
        %gather3A_584 = tpu.vector_load_idx %arg8[%add3A_583, %broadcast_in_dim3A] : memref<64x384xf32, #tpu.memory_space<vmem>>[vector<16xi32>, vector<16xi32>], vector<16xf32>,
        tpu.vector_store_idx %arg10[%add3A_583, %broadcast_in_dim3A_569], %gather3A_584 : memref<64x512xf32, #tpu.memory_space<vmem>>[vector<16xi32>, vector<16xi32>], vector<16xf32>,
      }
      %mul3A_334 = arith.constant 3 : i32
      %mul3A_335 = arith.muli %add3A_285, %mul3A_334 : i32
      %add3A_336 = arith.addi %shift_right_arithmetic3A_7, %mul3A_335 : i32
      %add3A_337 = arith.constant 1 : i32
      %add3A_338 = arith.addi %add3A_336, %add3A_337 : i32
      %min3A_339 = arith.constant 511 : i32
      %min3A_340 = arith.minsi %select_n3A_316, %min3A_339 : i32
      %lt3A_341 = arith.constant 512 : i32
      %lt3A_342 = arith.cmpi slt, %select_n3A_316, %lt3A_341 : i32
      %get3A_343 = arith.constant 0 : i32
      %get3A_344 = arith.index_cast %get3A_343 : i32 to index
      %get3A_345 = arith.index_cast %min3A_340 : i32 to index
      %get3A_346 = memref.load %arg6[%get3A_344, %get3A_345] : memref<2x512xi32, #tpu.memory_space<smem>>
      %shift_right_arithmetic3A_347 = arith.constant 7 : i32
      %shift_right_arithmetic3A_348 = arith.shrsi %get3A_346, %shift_right_arithmetic3A_347 : i32
      %eq3A_349 = arith.cmpi eq, %shift_right_arithmetic3A_348, %add3A_338 : i32
      %and3A_350 = arith.andi %lt3A_342, %eq3A_349 : i1
      %get3A_351 = arith.constant 1 : i32
      %get3A_352 = arith.index_cast %get3A_351 : i32 to index
      %get3A_353 = arith.index_cast %min3A_340 : i32 to index
      %get3A_354 = memref.load %arg6[%get3A_352, %get3A_353] : memref<2x512xi32, #tpu.memory_space<smem>>
      %select_n3A_355 = arith.select %and3A_350, %get3A_354, %select_n3A_316 : i32
      %sub3A_356 = arith.subi %select_n3A_355, %select_n3A_316 : i32
      %sub3A_357 = arith.constant 1 : i32
      %sub3A_358 = arith.constant 1 : i32
      %sub3A_359 = arith.subi %sub3A_357, %sub3A_358 : i32
      %add3A_360 = arith.addi %sub3A_356, %sub3A_359 : i32
      %div3A_361 = arith.constant 1 : i32
      %div3A_362 = arith.divsi %add3A_360, %div3A_361 : i32
      %while3A_363 = arith.constant 1 : i32
      %while3A_364 = arith.constant 0 : i32
      %while3A_365 = arith.subi %div3A_362, %while3A_364 : i32
      %while3A_366 = arith.addi %while3A_364, %while3A_365 : i32
      %while3A_367 = arith.constant 1 : i32
      %while3A_368 = arith.divsi %while3A_365, %while3A_367 : i32
      %while3A_369 = arith.muli %while3A_368, %while3A_367 : i32
      %while3A_370 = arith.addi %while3A_364, %while3A_369 : i32
      %while3A_371 = arith.constant 1 : i32
      scf.for %while3A_561 = %while3A_364 to %while3A_370 step %while3A_371  : i32 {
        %mul3A_562 = arith.muli %while3A_561, %while3A_363 : i32
        %add3A_563 = arith.addi %select_n3A_316, %mul3A_562 : i32
        %get3A_564 = arith.constant 0 : i32
        %get3A_565 = arith.index_cast %get3A_564 : i32 to index
        %get3A_566 = arith.index_cast %add3A_563 : i32 to index
        %get3A_567 = memref.load %arg6[%get3A_565, %get3A_566] : memref<2x512xi32, #tpu.memory_space<smem>>
        %sub3A_568 = arith.subi %get3A_567, %shift_left3A_294 : i32
        %broadcast_in_dim3A = vector.broadcast %sub3A_568 : i32 to vector<16xi32>
        %broadcast_in_dim3A_569 = vector.broadcast %add3A_563 : i32 to vector<16xi32>
        %add3A_570 = arith.constant 0 : i32
        %add3A_571 = vector.broadcast %add3A_570 : i32 to vector<16xi32>
        %add3A_572 = arith.addi %iota3A, %add3A_571 : vector<16xi32>
        %gather3A = tpu.vector_load_idx %arg8[%add3A_572, %broadcast_in_dim3A] : memref<64x384xf32, #tpu.memory_space<vmem>>[vector<16xi32>, vector<16xi32>], vector<16xf32>,
        tpu.vector_store_idx %arg10[%add3A_572, %broadcast_in_dim3A_569], %gather3A : memref<64x512xf32, #tpu.memory_space<vmem>>[vector<16xi32>, vector<16xi32>], vector<16xf32>,
        %add3A_573 = arith.constant 16 : i32
        %add3A_574 = vector.broadcast %add3A_573 : i32 to vector<16xi32>
        %add3A_575 = arith.addi %iota3A, %add3A_574 : vector<16xi32>
        %gather3A_576 = tpu.vector_load_idx %arg8[%add3A_575, %broadcast_in_dim3A] : memref<64x384xf32, #tpu.memory_space<vmem>>[vector<16xi32>, vector<16xi32>], vector<16xf32>,
        tpu.vector_store_idx %arg10[%add3A_575, %broadcast_in_dim3A_569], %gather3A_576 : memref<64x512xf32, #tpu.memory_space<vmem>>[vector<16xi32>, vector<16xi32>], vector<16xf32>,
        %add3A_577 = arith.constant 32 : i32
        %add3A_578 = vector.broadcast %add3A_577 : i32 to vector<16xi32>
        %add3A_579 = arith.addi %iota3A, %add3A_578 : vector<16xi32>
        %gather3A_580 = tpu.vector_load_idx %arg8[%add3A_579, %broadcast_in_dim3A] : memref<64x384xf32, #tpu.memory_space<vmem>>[vector<16xi32>, vector<16xi32>], vector<16xf32>,
        tpu.vector_store_idx %arg10[%add3A_579, %broadcast_in_dim3A_569], %gather3A_580 : memref<64x512xf32, #tpu.memory_space<vmem>>[vector<16xi32>, vector<16xi32>], vector<16xf32>,
        %add3A_581 = arith.constant 48 : i32
        %add3A_582 = vector.broadcast %add3A_581 : i32 to vector<16xi32>
        %add3A_583 = arith.addi %iota3A, %add3A_582 : vector<16xi32>
        %gather3A_584 = tpu.vector_load_idx %arg8[%add3A_583, %broadcast_in_dim3A] : memref<64x384xf32, #tpu.memory_space<vmem>>[vector<16xi32>, vector<16xi32>], vector<16xf32>,
        tpu.vector_store_idx %arg10[%add3A_583, %broadcast_in_dim3A_569], %gather3A_584 : memref<64x512xf32, #tpu.memory_space<vmem>>[vector<16xi32>, vector<16xi32>], vector<16xf32>,
      }
      %while3A_372 = arith.constant 1 : i32
      scf.for %while3A_561 = %while3A_370 to %while3A_366 step %while3A_372  : i32 {
        %mul3A_562 = arith.muli %while3A_561, %while3A_363 : i32
        %add3A_563 = arith.addi %select_n3A_316, %mul3A_562 : i32
        %get3A_564 = arith.constant 0 : i32
        %get3A_565 = arith.index_cast %get3A_564 : i32 to index
        %get3A_566 = arith.index_cast %add3A_563 : i32 to index
        %get3A_567 = memref.load %arg6[%get3A_565, %get3A_566] : memref<2x512xi32, #tpu.memory_space<smem>>
        %sub3A_568 = arith.subi %get3A_567, %shift_left3A_294 : i32
        %broadcast_in_dim3A = vector.broadcast %sub3A_568 : i32 to vector<16xi32>
        %broadcast_in_dim3A_569 = vector.broadcast %add3A_563 : i32 to vector<16xi32>
        %add3A_570 = arith.constant 0 : i32
        %add3A_571 = vector.broadcast %add3A_570 : i32 to vector<16xi32>
        %add3A_572 = arith.addi %iota3A, %add3A_571 : vector<16xi32>
        %gather3A = tpu.vector_load_idx %arg8[%add3A_572, %broadcast_in_dim3A] : memref<64x384xf32, #tpu.memory_space<vmem>>[vector<16xi32>, vector<16xi32>], vector<16xf32>,
        tpu.vector_store_idx %arg10[%add3A_572, %broadcast_in_dim3A_569], %gather3A : memref<64x512xf32, #tpu.memory_space<vmem>>[vector<16xi32>, vector<16xi32>], vector<16xf32>,
        %add3A_573 = arith.constant 16 : i32
        %add3A_574 = vector.broadcast %add3A_573 : i32 to vector<16xi32>
        %add3A_575 = arith.addi %iota3A, %add3A_574 : vector<16xi32>
        %gather3A_576 = tpu.vector_load_idx %arg8[%add3A_575, %broadcast_in_dim3A] : memref<64x384xf32, #tpu.memory_space<vmem>>[vector<16xi32>, vector<16xi32>], vector<16xf32>,
        tpu.vector_store_idx %arg10[%add3A_575, %broadcast_in_dim3A_569], %gather3A_576 : memref<64x512xf32, #tpu.memory_space<vmem>>[vector<16xi32>, vector<16xi32>], vector<16xf32>,
        %add3A_577 = arith.constant 32 : i32
        %add3A_578 = vector.broadcast %add3A_577 : i32 to vector<16xi32>
        %add3A_579 = arith.addi %iota3A, %add3A_578 : vector<16xi32>
        %gather3A_580 = tpu.vector_load_idx %arg8[%add3A_579, %broadcast_in_dim3A] : memref<64x384xf32, #tpu.memory_space<vmem>>[vector<16xi32>, vector<16xi32>], vector<16xf32>,
        tpu.vector_store_idx %arg10[%add3A_579, %broadcast_in_dim3A_569], %gather3A_580 : memref<64x512xf32, #tpu.memory_space<vmem>>[vector<16xi32>, vector<16xi32>], vector<16xf32>,
        %add3A_581 = arith.constant 48 : i32
        %add3A_582 = vector.broadcast %add3A_581 : i32 to vector<16xi32>
        %add3A_583 = arith.addi %iota3A, %add3A_582 : vector<16xi32>
        %gather3A_584 = tpu.vector_load_idx %arg8[%add3A_583, %broadcast_in_dim3A] : memref<64x384xf32, #tpu.memory_space<vmem>>[vector<16xi32>, vector<16xi32>], vector<16xf32>,
        tpu.vector_store_idx %arg10[%add3A_583, %broadcast_in_dim3A_569], %gather3A_584 : memref<64x512xf32, #tpu.memory_space<vmem>>[vector<16xi32>, vector<16xi32>], vector<16xf32>,
      }
      %mul3A_373 = arith.constant 3 : i32
      %mul3A_374 = arith.muli %add3A_285, %mul3A_373 : i32
      %add3A_375 = arith.addi %shift_right_arithmetic3A_7, %mul3A_374 : i32
      %add3A_376 = arith.constant 2 : i32
      %add3A_377 = arith.addi %add3A_375, %add3A_376 : i32
      %min3A_378 = arith.constant 511 : i32
      %min3A_379 = arith.minsi %select_n3A_355, %min3A_378 : i32
      %lt3A_380 = arith.constant 512 : i32
      %lt3A_381 = arith.cmpi slt, %select_n3A_355, %lt3A_380 : i32
      %get3A_382 = arith.constant 0 : i32
      %get3A_383 = arith.index_cast %get3A_382 : i32 to index
      %get3A_384 = arith.index_cast %min3A_379 : i32 to index
      %get3A_385 = memref.load %arg6[%get3A_383, %get3A_384] : memref<2x512xi32, #tpu.memory_space<smem>>
      %shift_right_arithmetic3A_386 = arith.constant 7 : i32
      %shift_right_arithmetic3A_387 = arith.shrsi %get3A_385, %shift_right_arithmetic3A_386 : i32
      %eq3A_388 = arith.cmpi eq, %shift_right_arithmetic3A_387, %add3A_377 : i32
      %and3A_389 = arith.andi %lt3A_381, %eq3A_388 : i1
      %get3A_390 = arith.constant 1 : i32
      %get3A_391 = arith.index_cast %get3A_390 : i32 to index
      %get3A_392 = arith.index_cast %min3A_379 : i32 to index
      %get3A_393 = memref.load %arg6[%get3A_391, %get3A_392] : memref<2x512xi32, #tpu.memory_space<smem>>
      %select_n3A_394 = arith.select %and3A_389, %get3A_393, %select_n3A_355 : i32
      %sub3A_395 = arith.subi %select_n3A_394, %select_n3A_355 : i32
      %sub3A_396 = arith.constant 1 : i32
      %sub3A_397 = arith.constant 1 : i32
      %sub3A_398 = arith.subi %sub3A_396, %sub3A_397 : i32
      %add3A_399 = arith.addi %sub3A_395, %sub3A_398 : i32
      %div3A_400 = arith.constant 1 : i32
      %div3A_401 = arith.divsi %add3A_399, %div3A_400 : i32
      %while3A_402 = arith.constant 1 : i32
      %while3A_403 = arith.constant 0 : i32
      %while3A_404 = arith.subi %div3A_401, %while3A_403 : i32
      %while3A_405 = arith.addi %while3A_403, %while3A_404 : i32
      %while3A_406 = arith.constant 1 : i32
      %while3A_407 = arith.divsi %while3A_404, %while3A_406 : i32
      %while3A_408 = arith.muli %while3A_407, %while3A_406 : i32
      %while3A_409 = arith.addi %while3A_403, %while3A_408 : i32
      %while3A_410 = arith.constant 1 : i32
      scf.for %while3A_561 = %while3A_403 to %while3A_409 step %while3A_410  : i32 {
        %mul3A_562 = arith.muli %while3A_561, %while3A_402 : i32
        %add3A_563 = arith.addi %select_n3A_355, %mul3A_562 : i32
        %get3A_564 = arith.constant 0 : i32
        %get3A_565 = arith.index_cast %get3A_564 : i32 to index
        %get3A_566 = arith.index_cast %add3A_563 : i32 to index
        %get3A_567 = memref.load %arg6[%get3A_565, %get3A_566] : memref<2x512xi32, #tpu.memory_space<smem>>
        %sub3A_568 = arith.subi %get3A_567, %shift_left3A_294 : i32
        %broadcast_in_dim3A = vector.broadcast %sub3A_568 : i32 to vector<16xi32>
        %broadcast_in_dim3A_569 = vector.broadcast %add3A_563 : i32 to vector<16xi32>
        %add3A_570 = arith.constant 0 : i32
        %add3A_571 = vector.broadcast %add3A_570 : i32 to vector<16xi32>
        %add3A_572 = arith.addi %iota3A, %add3A_571 : vector<16xi32>
        %gather3A = tpu.vector_load_idx %arg8[%add3A_572, %broadcast_in_dim3A] : memref<64x384xf32, #tpu.memory_space<vmem>>[vector<16xi32>, vector<16xi32>], vector<16xf32>,
        tpu.vector_store_idx %arg10[%add3A_572, %broadcast_in_dim3A_569], %gather3A : memref<64x512xf32, #tpu.memory_space<vmem>>[vector<16xi32>, vector<16xi32>], vector<16xf32>,
        %add3A_573 = arith.constant 16 : i32
        %add3A_574 = vector.broadcast %add3A_573 : i32 to vector<16xi32>
        %add3A_575 = arith.addi %iota3A, %add3A_574 : vector<16xi32>
        %gather3A_576 = tpu.vector_load_idx %arg8[%add3A_575, %broadcast_in_dim3A] : memref<64x384xf32, #tpu.memory_space<vmem>>[vector<16xi32>, vector<16xi32>], vector<16xf32>,
        tpu.vector_store_idx %arg10[%add3A_575, %broadcast_in_dim3A_569], %gather3A_576 : memref<64x512xf32, #tpu.memory_space<vmem>>[vector<16xi32>, vector<16xi32>], vector<16xf32>,
        %add3A_577 = arith.constant 32 : i32
        %add3A_578 = vector.broadcast %add3A_577 : i32 to vector<16xi32>
        %add3A_579 = arith.addi %iota3A, %add3A_578 : vector<16xi32>
        %gather3A_580 = tpu.vector_load_idx %arg8[%add3A_579, %broadcast_in_dim3A] : memref<64x384xf32, #tpu.memory_space<vmem>>[vector<16xi32>, vector<16xi32>], vector<16xf32>,
        tpu.vector_store_idx %arg10[%add3A_579, %broadcast_in_dim3A_569], %gather3A_580 : memref<64x512xf32, #tpu.memory_space<vmem>>[vector<16xi32>, vector<16xi32>], vector<16xf32>,
        %add3A_581 = arith.constant 48 : i32
        %add3A_582 = vector.broadcast %add3A_581 : i32 to vector<16xi32>
        %add3A_583 = arith.addi %iota3A, %add3A_582 : vector<16xi32>
        %gather3A_584 = tpu.vector_load_idx %arg8[%add3A_583, %broadcast_in_dim3A] : memref<64x384xf32, #tpu.memory_space<vmem>>[vector<16xi32>, vector<16xi32>], vector<16xf32>,
        tpu.vector_store_idx %arg10[%add3A_583, %broadcast_in_dim3A_569], %gather3A_584 : memref<64x512xf32, #tpu.memory_space<vmem>>[vector<16xi32>, vector<16xi32>], vector<16xf32>,
      }
      %while3A_411 = arith.constant 1 : i32
      scf.for %while3A_561 = %while3A_409 to %while3A_405 step %while3A_411  : i32 {
        %mul3A_562 = arith.muli %while3A_561, %while3A_402 : i32
        %add3A_563 = arith.addi %select_n3A_355, %mul3A_562 : i32
        %get3A_564 = arith.constant 0 : i32
        %get3A_565 = arith.index_cast %get3A_564 : i32 to index
        %get3A_566 = arith.index_cast %add3A_563 : i32 to index
        %get3A_567 = memref.load %arg6[%get3A_565, %get3A_566] : memref<2x512xi32, #tpu.memory_space<smem>>
        %sub3A_568 = arith.subi %get3A_567, %shift_left3A_294 : i32
        %broadcast_in_dim3A = vector.broadcast %sub3A_568 : i32 to vector<16xi32>
        %broadcast_in_dim3A_569 = vector.broadcast %add3A_563 : i32 to vector<16xi32>
        %add3A_570 = arith.constant 0 : i32
        %add3A_571 = vector.broadcast %add3A_570 : i32 to vector<16xi32>
        %add3A_572 = arith.addi %iota3A, %add3A_571 : vector<16xi32>
        %gather3A = tpu.vector_load_idx %arg8[%add3A_572, %broadcast_in_dim3A] : memref<64x384xf32, #tpu.memory_space<vmem>>[vector<16xi32>, vector<16xi32>], vector<16xf32>,
        tpu.vector_store_idx %arg10[%add3A_572, %broadcast_in_dim3A_569], %gather3A : memref<64x512xf32, #tpu.memory_space<vmem>>[vector<16xi32>, vector<16xi32>], vector<16xf32>,
        %add3A_573 = arith.constant 16 : i32
        %add3A_574 = vector.broadcast %add3A_573 : i32 to vector<16xi32>
        %add3A_575 = arith.addi %iota3A, %add3A_574 : vector<16xi32>
        %gather3A_576 = tpu.vector_load_idx %arg8[%add3A_575, %broadcast_in_dim3A] : memref<64x384xf32, #tpu.memory_space<vmem>>[vector<16xi32>, vector<16xi32>], vector<16xf32>,
        tpu.vector_store_idx %arg10[%add3A_575, %broadcast_in_dim3A_569], %gather3A_576 : memref<64x512xf32, #tpu.memory_space<vmem>>[vector<16xi32>, vector<16xi32>], vector<16xf32>,
        %add3A_577 = arith.constant 32 : i32
        %add3A_578 = vector.broadcast %add3A_577 : i32 to vector<16xi32>
        %add3A_579 = arith.addi %iota3A, %add3A_578 : vector<16xi32>
        %gather3A_580 = tpu.vector_load_idx %arg8[%add3A_579, %broadcast_in_dim3A] : memref<64x384xf32, #tpu.memory_space<vmem>>[vector<16xi32>, vector<16xi32>], vector<16xf32>,
        tpu.vector_store_idx %arg10[%add3A_579, %broadcast_in_dim3A_569], %gather3A_580 : memref<64x512xf32, #tpu.memory_space<vmem>>[vector<16xi32>, vector<16xi32>], vector<16xf32>,
        %add3A_581 = arith.constant 48 : i32
        %add3A_582 = vector.broadcast %add3A_581 : i32 to vector<16xi32>
        %add3A_583 = arith.addi %iota3A, %add3A_582 : vector<16xi32>
        %gather3A_584 = tpu.vector_load_idx %arg8[%add3A_583, %broadcast_in_dim3A] : memref<64x384xf32, #tpu.memory_space<vmem>>[vector<16xi32>, vector<16xi32>], vector<16xf32>,
        tpu.vector_store_idx %arg10[%add3A_583, %broadcast_in_dim3A_569], %gather3A_584 : memref<64x512xf32, #tpu.memory_space<vmem>>[vector<16xi32>, vector<16xi32>], vector<16xf32>,
      }
      %add3A_412 = arith.constant 4 : i32
      %add3A_413 = arith.addi %mul3A_118, %add3A_412 : i32
      %mul3A_414 = arith.constant 3 : i32
      %mul3A_415 = arith.muli %add3A_413, %mul3A_414 : i32
      %add3A_416 = arith.addi %shift_right_arithmetic3A_7, %mul3A_415 : i32
      %jit3A_417 = arith.constant 0 : i32
      %jit3A_418 = arith.constant 7810 : i32
      %max3A_419 = arith.maxsi %jit3A_417, %add3A_416 : i32
      %min3A_420 = arith.minsi %jit3A_418, %max3A_419 : i32
      %mul3A_421 = arith.constant 128 : i32
      %mul3A_422 = arith.muli %min3A_420, %mul3A_421 : i32
      %dma_start3A_423 = arith.constant 0 : i32
      %dma_start3A_424 = tpu.memref_slice %arg3[%dma_start3A_423, %mul3A_422] : memref<64x1000000xf32, #tpu.memory_space<hbm>> -> memref<64x384xf32, #tpu.memory_space<hbm>>
      %dma_start3A_425 = arith.constant 0 : i32
      %dma_start3A_426 = tpu.memref_slice %arg3[%dma_start3A_425, %mul3A_422] : memref<64x1000000xf32, #tpu.memory_space<hbm>> -> memref<64x384xf32, #tpu.memory_space<hbm>>
      tpu.enqueue_dma source(%dma_start3A_426 : memref<64x384xf32, #tpu.memory_space<hbm>>) target(%arg8 : memref<64x384xf32, #tpu.memory_space<vmem>>) target_semaphore(%arg12 : memref<!tpu.dma_semaphore, #tpu.memory_space<semaphore_mem>>)
      %dma_wait3A_427 = arith.constant 0 : i32
      %dma_wait3A_428 = arith.constant 0 : i32
      %dma_wait3A_429 = tpu.memref_slice %arg3[%dma_wait3A_427, %dma_wait3A_428] : memref<64x1000000xf32, #tpu.memory_space<hbm>> -> memref<64x384xf32, #tpu.memory_space<hbm>>
      %dma_wait3A_430 = arith.constant 0 : i32
      %dma_wait3A_431 = arith.constant 0 : i32
      %dma_wait3A_432 = tpu.memref_slice %arg3[%dma_wait3A_430, %dma_wait3A_431] : memref<64x1000000xf32, #tpu.memory_space<hbm>> -> memref<64x384xf32, #tpu.memory_space<hbm>>
      tpu.wait_dma2 semaphore(%arg13 : memref<!tpu.dma_semaphore, #tpu.memory_space<semaphore_mem>>) src(%dma_wait3A_432 : memref<64x384xf32, #tpu.memory_space<hbm>>) dst(%arg9 : memref<64x384xf32, #tpu.memory_space<vmem>>)
      %add3A_433 = arith.constant 2 : i32
      %add3A_434 = arith.addi %mul3A_118, %add3A_433 : i32
      %mul3A_435 = arith.constant 3 : i32
      %mul3A_436 = arith.muli %add3A_434, %mul3A_435 : i32
      %add3A_437 = arith.addi %shift_right_arithmetic3A_7, %mul3A_436 : i32
      %jit3A_438 = arith.constant 0 : i32
      %jit3A_439 = arith.constant 7810 : i32
      %max3A_440 = arith.maxsi %jit3A_438, %add3A_437 : i32
      %min3A_441 = arith.minsi %jit3A_439, %max3A_440 : i32
      %shift_left3A_442 = arith.constant 7 : i32
      %shift_left3A_443 = arith.shli %min3A_441, %shift_left3A_442 : i32
      %mul3A_444 = arith.constant 3 : i32
      %mul3A_445 = arith.muli %add3A_434, %mul3A_444 : i32
      %add3A_446 = arith.addi %shift_right_arithmetic3A_7, %mul3A_445 : i32
      %add3A_447 = arith.constant 0 : i32
      %add3A_448 = arith.addi %add3A_446, %add3A_447 : i32
      %min3A_449 = arith.constant 511 : i32
      %min3A_450 = arith.minsi %select_n3A_394, %min3A_449 : i32
      %lt3A_451 = arith.constant 512 : i32
      %lt3A_452 = arith.cmpi slt, %select_n3A_394, %lt3A_451 : i32
      %get3A_453 = arith.constant 0 : i32
      %get3A_454 = arith.index_cast %get3A_453 : i32 to index
      %get3A_455 = arith.index_cast %min3A_450 : i32 to index
      %get3A_456 = memref.load %arg6[%get3A_454, %get3A_455] : memref<2x512xi32, #tpu.memory_space<smem>>
      %shift_right_arithmetic3A_457 = arith.constant 7 : i32
      %shift_right_arithmetic3A_458 = arith.shrsi %get3A_456, %shift_right_arithmetic3A_457 : i32
      %eq3A_459 = arith.cmpi eq, %shift_right_arithmetic3A_458, %add3A_448 : i32
      %and3A_460 = arith.andi %lt3A_452, %eq3A_459 : i1
      %get3A_461 = arith.constant 1 : i32
      %get3A_462 = arith.index_cast %get3A_461 : i32 to index
      %get3A_463 = arith.index_cast %min3A_450 : i32 to index
      %get3A_464 = memref.load %arg6[%get3A_462, %get3A_463] : memref<2x512xi32, #tpu.memory_space<smem>>
      %select_n3A_465 = arith.select %and3A_460, %get3A_464, %select_n3A_394 : i32
      %sub3A_466 = arith.subi %select_n3A_465, %select_n3A_394 : i32
      %sub3A_467 = arith.constant 1 : i32
      %sub3A_468 = arith.constant 1 : i32
      %sub3A_469 = arith.subi %sub3A_467, %sub3A_468 : i32
      %add3A_470 = arith.addi %sub3A_466, %sub3A_469 : i32
      %div3A_471 = arith.constant 1 : i32
      %div3A_472 = arith.divsi %add3A_470, %div3A_471 : i32
      %while3A_473 = arith.constant 1 : i32
      %while3A_474 = arith.constant 0 : i32
      %while3A_475 = arith.subi %div3A_472, %while3A_474 : i32
      %while3A_476 = arith.addi %while3A_474, %while3A_475 : i32
      %while3A_477 = arith.constant 1 : i32
      %while3A_478 = arith.divsi %while3A_475, %while3A_477 : i32
      %while3A_479 = arith.muli %while3A_478, %while3A_477 : i32
      %while3A_480 = arith.addi %while3A_474, %while3A_479 : i32
      %while3A_481 = arith.constant 1 : i32
      scf.for %while3A_561 = %while3A_474 to %while3A_480 step %while3A_481  : i32 {
        %mul3A_562 = arith.muli %while3A_561, %while3A_473 : i32
        %add3A_563 = arith.addi %select_n3A_394, %mul3A_562 : i32
        %get3A_564 = arith.constant 0 : i32
        %get3A_565 = arith.index_cast %get3A_564 : i32 to index
        %get3A_566 = arith.index_cast %add3A_563 : i32 to index
        %get3A_567 = memref.load %arg6[%get3A_565, %get3A_566] : memref<2x512xi32, #tpu.memory_space<smem>>
        %sub3A_568 = arith.subi %get3A_567, %shift_left3A_443 : i32
        %broadcast_in_dim3A = vector.broadcast %sub3A_568 : i32 to vector<16xi32>
        %broadcast_in_dim3A_569 = vector.broadcast %add3A_563 : i32 to vector<16xi32>
        %add3A_570 = arith.constant 0 : i32
        %add3A_571 = vector.broadcast %add3A_570 : i32 to vector<16xi32>
        %add3A_572 = arith.addi %iota3A, %add3A_571 : vector<16xi32>
        %gather3A = tpu.vector_load_idx %arg9[%add3A_572, %broadcast_in_dim3A] : memref<64x384xf32, #tpu.memory_space<vmem>>[vector<16xi32>, vector<16xi32>], vector<16xf32>,
        tpu.vector_store_idx %arg10[%add3A_572, %broadcast_in_dim3A_569], %gather3A : memref<64x512xf32, #tpu.memory_space<vmem>>[vector<16xi32>, vector<16xi32>], vector<16xf32>,
        %add3A_573 = arith.constant 16 : i32
        %add3A_574 = vector.broadcast %add3A_573 : i32 to vector<16xi32>
        %add3A_575 = arith.addi %iota3A, %add3A_574 : vector<16xi32>
        %gather3A_576 = tpu.vector_load_idx %arg9[%add3A_575, %broadcast_in_dim3A] : memref<64x384xf32, #tpu.memory_space<vmem>>[vector<16xi32>, vector<16xi32>], vector<16xf32>,
        tpu.vector_store_idx %arg10[%add3A_575, %broadcast_in_dim3A_569], %gather3A_576 : memref<64x512xf32, #tpu.memory_space<vmem>>[vector<16xi32>, vector<16xi32>], vector<16xf32>,
        %add3A_577 = arith.constant 32 : i32
        %add3A_578 = vector.broadcast %add3A_577 : i32 to vector<16xi32>
        %add3A_579 = arith.addi %iota3A, %add3A_578 : vector<16xi32>
        %gather3A_580 = tpu.vector_load_idx %arg9[%add3A_579, %broadcast_in_dim3A] : memref<64x384xf32, #tpu.memory_space<vmem>>[vector<16xi32>, vector<16xi32>], vector<16xf32>,
        tpu.vector_store_idx %arg10[%add3A_579, %broadcast_in_dim3A_569], %gather3A_580 : memref<64x512xf32, #tpu.memory_space<vmem>>[vector<16xi32>, vector<16xi32>], vector<16xf32>,
        %add3A_581 = arith.constant 48 : i32
        %add3A_582 = vector.broadcast %add3A_581 : i32 to vector<16xi32>
        %add3A_583 = arith.addi %iota3A, %add3A_582 : vector<16xi32>
        %gather3A_584 = tpu.vector_load_idx %arg9[%add3A_583, %broadcast_in_dim3A] : memref<64x384xf32, #tpu.memory_space<vmem>>[vector<16xi32>, vector<16xi32>], vector<16xf32>,
        tpu.vector_store_idx %arg10[%add3A_583, %broadcast_in_dim3A_569], %gather3A_584 : memref<64x512xf32, #tpu.memory_space<vmem>>[vector<16xi32>, vector<16xi32>], vector<16xf32>,
      }
      %while3A_482 = arith.constant 1 : i32
      scf.for %while3A_561 = %while3A_480 to %while3A_476 step %while3A_482  : i32 {
        %mul3A_562 = arith.muli %while3A_561, %while3A_473 : i32
        %add3A_563 = arith.addi %select_n3A_394, %mul3A_562 : i32
        %get3A_564 = arith.constant 0 : i32
        %get3A_565 = arith.index_cast %get3A_564 : i32 to index
        %get3A_566 = arith.index_cast %add3A_563 : i32 to index
        %get3A_567 = memref.load %arg6[%get3A_565, %get3A_566] : memref<2x512xi32, #tpu.memory_space<smem>>
        %sub3A_568 = arith.subi %get3A_567, %shift_left3A_443 : i32
        %broadcast_in_dim3A = vector.broadcast %sub3A_568 : i32 to vector<16xi32>
        %broadcast_in_dim3A_569 = vector.broadcast %add3A_563 : i32 to vector<16xi32>
        %add3A_570 = arith.constant 0 : i32
        %add3A_571 = vector.broadcast %add3A_570 : i32 to vector<16xi32>
        %add3A_572 = arith.addi %iota3A, %add3A_571 : vector<16xi32>
        %gather3A = tpu.vector_load_idx %arg9[%add3A_572, %broadcast_in_dim3A] : memref<64x384xf32, #tpu.memory_space<vmem>>[vector<16xi32>, vector<16xi32>], vector<16xf32>,
        tpu.vector_store_idx %arg10[%add3A_572, %broadcast_in_dim3A_569], %gather3A : memref<64x512xf32, #tpu.memory_space<vmem>>[vector<16xi32>, vector<16xi32>], vector<16xf32>,
        %add3A_573 = arith.constant 16 : i32
        %add3A_574 = vector.broadcast %add3A_573 : i32 to vector<16xi32>
        %add3A_575 = arith.addi %iota3A, %add3A_574 : vector<16xi32>
        %gather3A_576 = tpu.vector_load_idx %arg9[%add3A_575, %broadcast_in_dim3A] : memref<64x384xf32, #tpu.memory_space<vmem>>[vector<16xi32>, vector<16xi32>], vector<16xf32>,
        tpu.vector_store_idx %arg10[%add3A_575, %broadcast_in_dim3A_569], %gather3A_576 : memref<64x512xf32, #tpu.memory_space<vmem>>[vector<16xi32>, vector<16xi32>], vector<16xf32>,
        %add3A_577 = arith.constant 32 : i32
        %add3A_578 = vector.broadcast %add3A_577 : i32 to vector<16xi32>
        %add3A_579 = arith.addi %iota3A, %add3A_578 : vector<16xi32>
        %gather3A_580 = tpu.vector_load_idx %arg9[%add3A_579, %broadcast_in_dim3A] : memref<64x384xf32, #tpu.memory_space<vmem>>[vector<16xi32>, vector<16xi32>], vector<16xf32>,
        tpu.vector_store_idx %arg10[%add3A_579, %broadcast_in_dim3A_569], %gather3A_580 : memref<64x512xf32, #tpu.memory_space<vmem>>[vector<16xi32>, vector<16xi32>], vector<16xf32>,
        %add3A_581 = arith.constant 48 : i32
        %add3A_582 = vector.broadcast %add3A_581 : i32 to vector<16xi32>
        %add3A_583 = arith.addi %iota3A, %add3A_582 : vector<16xi32>
        %gather3A_584 = tpu.vector_load_idx %arg9[%add3A_583, %broadcast_in_dim3A] : memref<64x384xf32, #tpu.memory_space<vmem>>[vector<16xi32>, vector<16xi32>], vector<16xf32>,
        tpu.vector_store_idx %arg10[%add3A_583, %broadcast_in_dim3A_569], %gather3A_584 : memref<64x512xf32, #tpu.memory_space<vmem>>[vector<16xi32>, vector<16xi32>], vector<16xf32>,
      }
      %mul3A_483 = arith.constant 3 : i32
      %mul3A_484 = arith.muli %add3A_434, %mul3A_483 : i32
      %add3A_485 = arith.addi %shift_right_arithmetic3A_7, %mul3A_484 : i32
      %add3A_486 = arith.constant 1 : i32
      %add3A_487 = arith.addi %add3A_485, %add3A_486 : i32
      %min3A_488 = arith.constant 511 : i32
      %min3A_489 = arith.minsi %select_n3A_465, %min3A_488 : i32
      %lt3A_490 = arith.constant 512 : i32
      %lt3A_491 = arith.cmpi slt, %select_n3A_465, %lt3A_490 : i32
      %get3A_492 = arith.constant 0 : i32
      %get3A_493 = arith.index_cast %get3A_492 : i32 to index
      %get3A_494 = arith.index_cast %min3A_489 : i32 to index
      %get3A_495 = memref.load %arg6[%get3A_493, %get3A_494] : memref<2x512xi32, #tpu.memory_space<smem>>
      %shift_right_arithmetic3A_496 = arith.constant 7 : i32
      %shift_right_arithmetic3A_497 = arith.shrsi %get3A_495, %shift_right_arithmetic3A_496 : i32
      %eq3A_498 = arith.cmpi eq, %shift_right_arithmetic3A_497, %add3A_487 : i32
      %and3A_499 = arith.andi %lt3A_491, %eq3A_498 : i1
      %get3A_500 = arith.constant 1 : i32
      %get3A_501 = arith.index_cast %get3A_500 : i32 to index
      %get3A_502 = arith.index_cast %min3A_489 : i32 to index
      %get3A_503 = memref.load %arg6[%get3A_501, %get3A_502] : memref<2x512xi32, #tpu.memory_space<smem>>
      %select_n3A_504 = arith.select %and3A_499, %get3A_503, %select_n3A_465 : i32
      %sub3A_505 = arith.subi %select_n3A_504, %select_n3A_465 : i32
      %sub3A_506 = arith.constant 1 : i32
      %sub3A_507 = arith.constant 1 : i32
      %sub3A_508 = arith.subi %sub3A_506, %sub3A_507 : i32
      %add3A_509 = arith.addi %sub3A_505, %sub3A_508 : i32
      %div3A_510 = arith.constant 1 : i32
      %div3A_511 = arith.divsi %add3A_509, %div3A_510 : i32
      %while3A_512 = arith.constant 1 : i32
      %while3A_513 = arith.constant 0 : i32
      %while3A_514 = arith.subi %div3A_511, %while3A_513 : i32
      %while3A_515 = arith.addi %while3A_513, %while3A_514 : i32
      %while3A_516 = arith.constant 1 : i32
      %while3A_517 = arith.divsi %while3A_514, %while3A_516 : i32
      %while3A_518 = arith.muli %while3A_517, %while3A_516 : i32
      %while3A_519 = arith.addi %while3A_513, %while3A_518 : i32
      %while3A_520 = arith.constant 1 : i32
      scf.for %while3A_561 = %while3A_513 to %while3A_519 step %while3A_520  : i32 {
        %mul3A_562 = arith.muli %while3A_561, %while3A_512 : i32
        %add3A_563 = arith.addi %select_n3A_465, %mul3A_562 : i32
        %get3A_564 = arith.constant 0 : i32
        %get3A_565 = arith.index_cast %get3A_564 : i32 to index
        %get3A_566 = arith.index_cast %add3A_563 : i32 to index
        %get3A_567 = memref.load %arg6[%get3A_565, %get3A_566] : memref<2x512xi32, #tpu.memory_space<smem>>
        %sub3A_568 = arith.subi %get3A_567, %shift_left3A_443 : i32
        %broadcast_in_dim3A = vector.broadcast %sub3A_568 : i32 to vector<16xi32>
        %broadcast_in_dim3A_569 = vector.broadcast %add3A_563 : i32 to vector<16xi32>
        %add3A_570 = arith.constant 0 : i32
        %add3A_571 = vector.broadcast %add3A_570 : i32 to vector<16xi32>
        %add3A_572 = arith.addi %iota3A, %add3A_571 : vector<16xi32>
        %gather3A = tpu.vector_load_idx %arg9[%add3A_572, %broadcast_in_dim3A] : memref<64x384xf32, #tpu.memory_space<vmem>>[vector<16xi32>, vector<16xi32>], vector<16xf32>,
        tpu.vector_store_idx %arg10[%add3A_572, %broadcast_in_dim3A_569], %gather3A : memref<64x512xf32, #tpu.memory_space<vmem>>[vector<16xi32>, vector<16xi32>], vector<16xf32>,
        %add3A_573 = arith.constant 16 : i32
        %add3A_574 = vector.broadcast %add3A_573 : i32 to vector<16xi32>
        %add3A_575 = arith.addi %iota3A, %add3A_574 : vector<16xi32>
        %gather3A_576 = tpu.vector_load_idx %arg9[%add3A_575, %broadcast_in_dim3A] : memref<64x384xf32, #tpu.memory_space<vmem>>[vector<16xi32>, vector<16xi32>], vector<16xf32>,
        tpu.vector_store_idx %arg10[%add3A_575, %broadcast_in_dim3A_569], %gather3A_576 : memref<64x512xf32, #tpu.memory_space<vmem>>[vector<16xi32>, vector<16xi32>], vector<16xf32>,
        %add3A_577 = arith.constant 32 : i32
        %add3A_578 = vector.broadcast %add3A_577 : i32 to vector<16xi32>
        %add3A_579 = arith.addi %iota3A, %add3A_578 : vector<16xi32>
        %gather3A_580 = tpu.vector_load_idx %arg9[%add3A_579, %broadcast_in_dim3A] : memref<64x384xf32, #tpu.memory_space<vmem>>[vector<16xi32>, vector<16xi32>], vector<16xf32>,
        tpu.vector_store_idx %arg10[%add3A_579, %broadcast_in_dim3A_569], %gather3A_580 : memref<64x512xf32, #tpu.memory_space<vmem>>[vector<16xi32>, vector<16xi32>], vector<16xf32>,
        %add3A_581 = arith.constant 48 : i32
        %add3A_582 = vector.broadcast %add3A_581 : i32 to vector<16xi32>
        %add3A_583 = arith.addi %iota3A, %add3A_582 : vector<16xi32>
        %gather3A_584 = tpu.vector_load_idx %arg9[%add3A_583, %broadcast_in_dim3A] : memref<64x384xf32, #tpu.memory_space<vmem>>[vector<16xi32>, vector<16xi32>], vector<16xf32>,
        tpu.vector_store_idx %arg10[%add3A_583, %broadcast_in_dim3A_569], %gather3A_584 : memref<64x512xf32, #tpu.memory_space<vmem>>[vector<16xi32>, vector<16xi32>], vector<16xf32>,
      }
      %while3A_521 = arith.constant 1 : i32
      scf.for %while3A_561 = %while3A_519 to %while3A_515 step %while3A_521  : i32 {
        %mul3A_562 = arith.muli %while3A_561, %while3A_512 : i32
        %add3A_563 = arith.addi %select_n3A_465, %mul3A_562 : i32
        %get3A_564 = arith.constant 0 : i32
        %get3A_565 = arith.index_cast %get3A_564 : i32 to index
        %get3A_566 = arith.index_cast %add3A_563 : i32 to index
        %get3A_567 = memref.load %arg6[%get3A_565, %get3A_566] : memref<2x512xi32, #tpu.memory_space<smem>>
        %sub3A_568 = arith.subi %get3A_567, %shift_left3A_443 : i32
        %broadcast_in_dim3A = vector.broadcast %sub3A_568 : i32 to vector<16xi32>
        %broadcast_in_dim3A_569 = vector.broadcast %add3A_563 : i32 to vector<16xi32>
        %add3A_570 = arith.constant 0 : i32
        %add3A_571 = vector.broadcast %add3A_570 : i32 to vector<16xi32>
        %add3A_572 = arith.addi %iota3A, %add3A_571 : vector<16xi32>
        %gather3A = tpu.vector_load_idx %arg9[%add3A_572, %broadcast_in_dim3A] : memref<64x384xf32, #tpu.memory_space<vmem>>[vector<16xi32>, vector<16xi32>], vector<16xf32>,
        tpu.vector_store_idx %arg10[%add3A_572, %broadcast_in_dim3A_569], %gather3A : memref<64x512xf32, #tpu.memory_space<vmem>>[vector<16xi32>, vector<16xi32>], vector<16xf32>,
        %add3A_573 = arith.constant 16 : i32
        %add3A_574 = vector.broadcast %add3A_573 : i32 to vector<16xi32>
        %add3A_575 = arith.addi %iota3A, %add3A_574 : vector<16xi32>
        %gather3A_576 = tpu.vector_load_idx %arg9[%add3A_575, %broadcast_in_dim3A] : memref<64x384xf32, #tpu.memory_space<vmem>>[vector<16xi32>, vector<16xi32>], vector<16xf32>,
        tpu.vector_store_idx %arg10[%add3A_575, %broadcast_in_dim3A_569], %gather3A_576 : memref<64x512xf32, #tpu.memory_space<vmem>>[vector<16xi32>, vector<16xi32>], vector<16xf32>,
        %add3A_577 = arith.constant 32 : i32
        %add3A_578 = vector.broadcast %add3A_577 : i32 to vector<16xi32>
        %add3A_579 = arith.addi %iota3A, %add3A_578 : vector<16xi32>
        %gather3A_580 = tpu.vector_load_idx %arg9[%add3A_579, %broadcast_in_dim3A] : memref<64x384xf32, #tpu.memory_space<vmem>>[vector<16xi32>, vector<16xi32>], vector<16xf32>,
        tpu.vector_store_idx %arg10[%add3A_579, %broadcast_in_dim3A_569], %gather3A_580 : memref<64x512xf32, #tpu.memory_space<vmem>>[vector<16xi32>, vector<16xi32>], vector<16xf32>,
        %add3A_581 = arith.constant 48 : i32
        %add3A_582 = vector.broadcast %add3A_581 : i32 to vector<16xi32>
        %add3A_583 = arith.addi %iota3A, %add3A_582 : vector<16xi32>
        %gather3A_584 = tpu.vector_load_idx %arg9[%add3A_583, %broadcast_in_dim3A] : memref<64x384xf32, #tpu.memory_space<vmem>>[vector<16xi32>, vector<16xi32>], vector<16xf32>,
        tpu.vector_store_idx %arg10[%add3A_583, %broadcast_in_dim3A_569], %gather3A_584 : memref<64x512xf32, #tpu.memory_space<vmem>>[vector<16xi32>, vector<16xi32>], vector<16xf32>,
      }
      %mul3A_522 = arith.constant 3 : i32
      %mul3A_523 = arith.muli %add3A_434, %mul3A_522 : i32
      %add3A_524 = arith.addi %shift_right_arithmetic3A_7, %mul3A_523 : i32
      %add3A_525 = arith.constant 2 : i32
      %add3A_526 = arith.addi %add3A_524, %add3A_525 : i32
      %min3A_527 = arith.constant 511 : i32
      %min3A_528 = arith.minsi %select_n3A_504, %min3A_527 : i32
      %lt3A_529 = arith.constant 512 : i32
      %lt3A_530 = arith.cmpi slt, %select_n3A_504, %lt3A_529 : i32
      %get3A_531 = arith.constant 0 : i32
      %get3A_532 = arith.index_cast %get3A_531 : i32 to index
      %get3A_533 = arith.index_cast %min3A_528 : i32 to index
      %get3A_534 = memref.load %arg6[%get3A_532, %get3A_533] : memref<2x512xi32, #tpu.memory_space<smem>>
      %shift_right_arithmetic3A_535 = arith.constant 7 : i32
      %shift_right_arithmetic3A_536 = arith.shrsi %get3A_534, %shift_right_arithmetic3A_535 : i32
      %eq3A_537 = arith.cmpi eq, %shift_right_arithmetic3A_536, %add3A_526 : i32
      %and3A_538 = arith.andi %lt3A_530, %eq3A_537 : i1
      %get3A_539 = arith.constant 1 : i32
      %get3A_540 = arith.index_cast %get3A_539 : i32 to index
      %get3A_541 = arith.index_cast %min3A_528 : i32 to index
      %get3A_542 = memref.load %arg6[%get3A_540, %get3A_541] : memref<2x512xi32, #tpu.memory_space<smem>>
      %select_n3A_543 = arith.select %and3A_538, %get3A_542, %select_n3A_504 : i32
      %sub3A_544 = arith.subi %select_n3A_543, %select_n3A_504 : i32
      %sub3A_545 = arith.constant 1 : i32
      %sub3A_546 = arith.constant 1 : i32
      %sub3A_547 = arith.subi %sub3A_545, %sub3A_546 : i32
      %add3A_548 = arith.addi %sub3A_544, %sub3A_547 : i32
      %div3A_549 = arith.constant 1 : i32
      %div3A_550 = arith.divsi %add3A_548, %div3A_549 : i32
      %while3A_551 = arith.constant 1 : i32
      %while3A_552 = arith.constant 0 : i32
      %while3A_553 = arith.subi %div3A_550, %while3A_552 : i32
      %while3A_554 = arith.addi %while3A_552, %while3A_553 : i32
      %while3A_555 = arith.constant 1 : i32
      %while3A_556 = arith.divsi %while3A_553, %while3A_555 : i32
      %while3A_557 = arith.muli %while3A_556, %while3A_555 : i32
      %while3A_558 = arith.addi %while3A_552, %while3A_557 : i32
      %while3A_559 = arith.constant 1 : i32
      scf.for %while3A_561 = %while3A_552 to %while3A_558 step %while3A_559  : i32 {
        %mul3A_562 = arith.muli %while3A_561, %while3A_551 : i32
        %add3A_563 = arith.addi %select_n3A_504, %mul3A_562 : i32
        %get3A_564 = arith.constant 0 : i32
        %get3A_565 = arith.index_cast %get3A_564 : i32 to index
        %get3A_566 = arith.index_cast %add3A_563 : i32 to index
        %get3A_567 = memref.load %arg6[%get3A_565, %get3A_566] : memref<2x512xi32, #tpu.memory_space<smem>>
        %sub3A_568 = arith.subi %get3A_567, %shift_left3A_443 : i32
        %broadcast_in_dim3A = vector.broadcast %sub3A_568 : i32 to vector<16xi32>
        %broadcast_in_dim3A_569 = vector.broadcast %add3A_563 : i32 to vector<16xi32>
        %add3A_570 = arith.constant 0 : i32
        %add3A_571 = vector.broadcast %add3A_570 : i32 to vector<16xi32>
        %add3A_572 = arith.addi %iota3A, %add3A_571 : vector<16xi32>
        %gather3A = tpu.vector_load_idx %arg9[%add3A_572, %broadcast_in_dim3A] : memref<64x384xf32, #tpu.memory_space<vmem>>[vector<16xi32>, vector<16xi32>], vector<16xf32>,
        tpu.vector_store_idx %arg10[%add3A_572, %broadcast_in_dim3A_569], %gather3A : memref<64x512xf32, #tpu.memory_space<vmem>>[vector<16xi32>, vector<16xi32>], vector<16xf32>,
        %add3A_573 = arith.constant 16 : i32
        %add3A_574 = vector.broadcast %add3A_573 : i32 to vector<16xi32>
        %add3A_575 = arith.addi %iota3A, %add3A_574 : vector<16xi32>
        %gather3A_576 = tpu.vector_load_idx %arg9[%add3A_575, %broadcast_in_dim3A] : memref<64x384xf32, #tpu.memory_space<vmem>>[vector<16xi32>, vector<16xi32>], vector<16xf32>,
        tpu.vector_store_idx %arg10[%add3A_575, %broadcast_in_dim3A_569], %gather3A_576 : memref<64x512xf32, #tpu.memory_space<vmem>>[vector<16xi32>, vector<16xi32>], vector<16xf32>,
        %add3A_577 = arith.constant 32 : i32
        %add3A_578 = vector.broadcast %add3A_577 : i32 to vector<16xi32>
        %add3A_579 = arith.addi %iota3A, %add3A_578 : vector<16xi32>
        %gather3A_580 = tpu.vector_load_idx %arg9[%add3A_579, %broadcast_in_dim3A] : memref<64x384xf32, #tpu.memory_space<vmem>>[vector<16xi32>, vector<16xi32>], vector<16xf32>,
        tpu.vector_store_idx %arg10[%add3A_579, %broadcast_in_dim3A_569], %gather3A_580 : memref<64x512xf32, #tpu.memory_space<vmem>>[vector<16xi32>, vector<16xi32>], vector<16xf32>,
        %add3A_581 = arith.constant 48 : i32
        %add3A_582 = vector.broadcast %add3A_581 : i32 to vector<16xi32>
        %add3A_583 = arith.addi %iota3A, %add3A_582 : vector<16xi32>
        %gather3A_584 = tpu.vector_load_idx %arg9[%add3A_583, %broadcast_in_dim3A] : memref<64x384xf32, #tpu.memory_space<vmem>>[vector<16xi32>, vector<16xi32>], vector<16xf32>,
        tpu.vector_store_idx %arg10[%add3A_583, %broadcast_in_dim3A_569], %gather3A_584 : memref<64x512xf32, #tpu.memory_space<vmem>>[vector<16xi32>, vector<16xi32>], vector<16xf32>,
      }
      %while3A_560 = arith.constant 1 : i32
      scf.for %while3A_561 = %while3A_558 to %while3A_554 step %while3A_560  : i32 {
        %mul3A_562 = arith.muli %while3A_561, %while3A_551 : i32
        %add3A_563 = arith.addi %select_n3A_504, %mul3A_562 : i32
        %get3A_564 = arith.constant 0 : i32
        %get3A_565 = arith.index_cast %get3A_564 : i32 to index
        %get3A_566 = arith.index_cast %add3A_563 : i32 to index
        %get3A_567 = memref.load %arg6[%get3A_565, %get3A_566] : memref<2x512xi32, #tpu.memory_space<smem>>
        %sub3A_568 = arith.subi %get3A_567, %shift_left3A_443 : i32
        %broadcast_in_dim3A = vector.broadcast %sub3A_568 : i32 to vector<16xi32>
        %broadcast_in_dim3A_569 = vector.broadcast %add3A_563 : i32 to vector<16xi32>
        %add3A_570 = arith.constant 0 : i32
        %add3A_571 = vector.broadcast %add3A_570 : i32 to vector<16xi32>
        %add3A_572 = arith.addi %iota3A, %add3A_571 : vector<16xi32>
        %gather3A = tpu.vector_load_idx %arg9[%add3A_572, %broadcast_in_dim3A] : memref<64x384xf32, #tpu.memory_space<vmem>>[vector<16xi32>, vector<16xi32>], vector<16xf32>,
        tpu.vector_store_idx %arg10[%add3A_572, %broadcast_in_dim3A_569], %gather3A : memref<64x512xf32, #tpu.memory_space<vmem>>[vector<16xi32>, vector<16xi32>], vector<16xf32>,
        %add3A_573 = arith.constant 16 : i32
        %add3A_574 = vector.broadcast %add3A_573 : i32 to vector<16xi32>
        %add3A_575 = arith.addi %iota3A, %add3A_574 : vector<16xi32>
        %gather3A_576 = tpu.vector_load_idx %arg9[%add3A_575, %broadcast_in_dim3A] : memref<64x384xf32, #tpu.memory_space<vmem>>[vector<16xi32>, vector<16xi32>], vector<16xf32>,
        tpu.vector_store_idx %arg10[%add3A_575, %broadcast_in_dim3A_569], %gather3A_576 : memref<64x512xf32, #tpu.memory_space<vmem>>[vector<16xi32>, vector<16xi32>], vector<16xf32>,
        %add3A_577 = arith.constant 32 : i32
        %add3A_578 = vector.broadcast %add3A_577 : i32 to vector<16xi32>
        %add3A_579 = arith.addi %iota3A, %add3A_578 : vector<16xi32>
        %gather3A_580 = tpu.vector_load_idx %arg9[%add3A_579, %broadcast_in_dim3A] : memref<64x384xf32, #tpu.memory_space<vmem>>[vector<16xi32>, vector<16xi32>], vector<16xf32>,
        tpu.vector_store_idx %arg10[%add3A_579, %broadcast_in_dim3A_569], %gather3A_580 : memref<64x512xf32, #tpu.memory_space<vmem>>[vector<16xi32>, vector<16xi32>], vector<16xf32>,
        %add3A_581 = arith.constant 48 : i32
        %add3A_582 = vector.broadcast %add3A_581 : i32 to vector<16xi32>
        %add3A_583 = arith.addi %iota3A, %add3A_582 : vector<16xi32>
        %gather3A_584 = tpu.vector_load_idx %arg9[%add3A_583, %broadcast_in_dim3A] : memref<64x384xf32, #tpu.memory_space<vmem>>[vector<16xi32>, vector<16xi32>], vector<16xf32>,
        tpu.vector_store_idx %arg10[%add3A_583, %broadcast_in_dim3A_569], %gather3A_584 : memref<64x512xf32, #tpu.memory_space<vmem>>[vector<16xi32>, vector<16xi32>], vector<16xf32>,
      }
      scf.yield %select_n3A_543 : i32
    }
    %while3A_100 = arith.constant 1 : i32
    %while3A_101 = scf.for %while3A_113 = %while3A_97 to %while3A_93 step %while3A_100 iter_args(%while3A_114 = %while3A_99) -> (i32)  : i32 {
      %mul3A_115 = arith.muli %while3A_113, %while3A : i32
      %add3A_116 = arith.addi %while3A_89, %mul3A_115 : i32
      %mul3A_117 = arith.constant 3 : i32
      %mul3A_118 = arith.muli %mul3A_117, %add3A_116 : i32
      %add3A_119 = arith.constant 2 : i32
      %add3A_120 = arith.addi %mul3A_118, %add3A_119 : i32
      %mul3A_121 = arith.constant 3 : i32
      %mul3A_122 = arith.muli %add3A_120, %mul3A_121 : i32
      %add3A_123 = arith.addi %shift_right_arithmetic3A_7, %mul3A_122 : i32
      %jit3A_124 = arith.constant 0 : i32
      %jit3A_125 = arith.constant 7810 : i32
      %max3A_126 = arith.maxsi %jit3A_124, %add3A_123 : i32
      %min3A_127 = arith.minsi %jit3A_125, %max3A_126 : i32
      %mul3A_128 = arith.constant 128 : i32
      %mul3A_129 = arith.muli %min3A_127, %mul3A_128 : i32
      %dma_start3A_130 = arith.constant 0 : i32
      %dma_start3A_131 = tpu.memref_slice %arg3[%dma_start3A_130, %mul3A_129] : memref<64x1000000xf32, #tpu.memory_space<hbm>> -> memref<64x384xf32, #tpu.memory_space<hbm>>
      %dma_start3A_132 = arith.constant 0 : i32
      %dma_start3A_133 = tpu.memref_slice %arg3[%dma_start3A_132, %mul3A_129] : memref<64x1000000xf32, #tpu.memory_space<hbm>> -> memref<64x384xf32, #tpu.memory_space<hbm>>
      tpu.enqueue_dma source(%dma_start3A_133 : memref<64x384xf32, #tpu.memory_space<hbm>>) target(%arg9 : memref<64x384xf32, #tpu.memory_space<vmem>>) target_semaphore(%arg13 : memref<!tpu.dma_semaphore, #tpu.memory_space<semaphore_mem>>)
      %dma_wait3A_134 = arith.constant 0 : i32
      %dma_wait3A_135 = arith.constant 0 : i32
      %dma_wait3A_136 = tpu.memref_slice %arg3[%dma_wait3A_134, %dma_wait3A_135] : memref<64x1000000xf32, #tpu.memory_space<hbm>> -> memref<64x384xf32, #tpu.memory_space<hbm>>
      %dma_wait3A_137 = arith.constant 0 : i32
      %dma_wait3A_138 = arith.constant 0 : i32
      %dma_wait3A_139 = tpu.memref_slice %arg3[%dma_wait3A_137, %dma_wait3A_138] : memref<64x1000000xf32, #tpu.memory_space<hbm>> -> memref<64x384xf32, #tpu.memory_space<hbm>>
      tpu.wait_dma2 semaphore(%arg11 : memref<!tpu.dma_semaphore, #tpu.memory_space<semaphore_mem>>) src(%dma_wait3A_139 : memref<64x384xf32, #tpu.memory_space<hbm>>) dst(%arg7 : memref<64x384xf32, #tpu.memory_space<vmem>>)
      %mul3A_140 = arith.constant 3 : i32
      %mul3A_141 = arith.muli %mul3A_118, %mul3A_140 : i32
      %add3A_142 = arith.addi %shift_right_arithmetic3A_7, %mul3A_141 : i32
      %jit3A_143 = arith.constant 0 : i32
      %jit3A_144 = arith.constant 7810 : i32
      %max3A_145 = arith.maxsi %jit3A_143, %add3A_142 : i32
      %min3A_146 = arith.minsi %jit3A_144, %max3A_145 : i32
      %shift_left3A = arith.constant 7 : i32
      %shift_left3A_147 = arith.shli %min3A_146, %shift_left3A : i32
      %mul3A_148 = arith.constant 3 : i32
      %mul3A_149 = arith.muli %mul3A_118, %mul3A_148 : i32
      %add3A_150 = arith.addi %shift_right_arithmetic3A_7, %mul3A_149 : i32
      %add3A_151 = arith.constant 0 : i32
      %add3A_152 = arith.addi %add3A_150, %add3A_151 : i32
      %min3A_153 = arith.constant 511 : i32
      %min3A_154 = arith.minsi %while3A_114, %min3A_153 : i32
      %lt3A = arith.constant 512 : i32
      %lt3A_155 = arith.cmpi slt, %while3A_114, %lt3A : i32
      %get3A_156 = arith.constant 0 : i32
      %get3A_157 = arith.index_cast %get3A_156 : i32 to index
      %get3A_158 = arith.index_cast %min3A_154 : i32 to index
      %get3A_159 = memref.load %arg6[%get3A_157, %get3A_158] : memref<2x512xi32, #tpu.memory_space<smem>>
      %shift_right_arithmetic3A_160 = arith.constant 7 : i32
      %shift_right_arithmetic3A_161 = arith.shrsi %get3A_159, %shift_right_arithmetic3A_160 : i32
      %eq3A = arith.cmpi eq, %shift_right_arithmetic3A_161, %add3A_152 : i32
      %and3A_162 = arith.andi %lt3A_155, %eq3A : i1
      %get3A_163 = arith.constant 1 : i32
      %get3A_164 = arith.index_cast %get3A_163 : i32 to index
      %get3A_165 = arith.index_cast %min3A_154 : i32 to index
      %get3A_166 = memref.load %arg6[%get3A_164, %get3A_165] : memref<2x512xi32, #tpu.memory_space<smem>>
      %select_n3A_167 = arith.select %and3A_162, %get3A_166, %while3A_114 : i32
      %sub3A_168 = arith.subi %select_n3A_167, %while3A_114 : i32
      %sub3A_169 = arith.constant 1 : i32
      %sub3A_170 = arith.constant 1 : i32
      %sub3A_171 = arith.subi %sub3A_169, %sub3A_170 : i32
      %add3A_172 = arith.addi %sub3A_168, %sub3A_171 : i32
      %div3A_173 = arith.constant 1 : i32
      %div3A_174 = arith.divsi %add3A_172, %div3A_173 : i32
      %while3A_175 = arith.constant 1 : i32
      %while3A_176 = arith.constant 0 : i32
      %while3A_177 = arith.subi %div3A_174, %while3A_176 : i32
      %while3A_178 = arith.addi %while3A_176, %while3A_177 : i32
      %while3A_179 = arith.constant 1 : i32
      %while3A_180 = arith.divsi %while3A_177, %while3A_179 : i32
      %while3A_181 = arith.muli %while3A_180, %while3A_179 : i32
      %while3A_182 = arith.addi %while3A_176, %while3A_181 : i32
      %while3A_183 = arith.constant 1 : i32
      scf.for %while3A_561 = %while3A_176 to %while3A_182 step %while3A_183  : i32 {
        %mul3A_562 = arith.muli %while3A_561, %while3A_175 : i32
        %add3A_563 = arith.addi %while3A_114, %mul3A_562 : i32
        %get3A_564 = arith.constant 0 : i32
        %get3A_565 = arith.index_cast %get3A_564 : i32 to index
        %get3A_566 = arith.index_cast %add3A_563 : i32 to index
        %get3A_567 = memref.load %arg6[%get3A_565, %get3A_566] : memref<2x512xi32, #tpu.memory_space<smem>>
        %sub3A_568 = arith.subi %get3A_567, %shift_left3A_147 : i32
        %broadcast_in_dim3A = vector.broadcast %sub3A_568 : i32 to vector<16xi32>
        %broadcast_in_dim3A_569 = vector.broadcast %add3A_563 : i32 to vector<16xi32>
        %add3A_570 = arith.constant 0 : i32
        %add3A_571 = vector.broadcast %add3A_570 : i32 to vector<16xi32>
        %add3A_572 = arith.addi %iota3A, %add3A_571 : vector<16xi32>
        %gather3A = tpu.vector_load_idx %arg7[%add3A_572, %broadcast_in_dim3A] : memref<64x384xf32, #tpu.memory_space<vmem>>[vector<16xi32>, vector<16xi32>], vector<16xf32>,
        tpu.vector_store_idx %arg10[%add3A_572, %broadcast_in_dim3A_569], %gather3A : memref<64x512xf32, #tpu.memory_space<vmem>>[vector<16xi32>, vector<16xi32>], vector<16xf32>,
        %add3A_573 = arith.constant 16 : i32
        %add3A_574 = vector.broadcast %add3A_573 : i32 to vector<16xi32>
        %add3A_575 = arith.addi %iota3A, %add3A_574 : vector<16xi32>
        %gather3A_576 = tpu.vector_load_idx %arg7[%add3A_575, %broadcast_in_dim3A] : memref<64x384xf32, #tpu.memory_space<vmem>>[vector<16xi32>, vector<16xi32>], vector<16xf32>,
        tpu.vector_store_idx %arg10[%add3A_575, %broadcast_in_dim3A_569], %gather3A_576 : memref<64x512xf32, #tpu.memory_space<vmem>>[vector<16xi32>, vector<16xi32>], vector<16xf32>,
        %add3A_577 = arith.constant 32 : i32
        %add3A_578 = vector.broadcast %add3A_577 : i32 to vector<16xi32>
        %add3A_579 = arith.addi %iota3A, %add3A_578 : vector<16xi32>
        %gather3A_580 = tpu.vector_load_idx %arg7[%add3A_579, %broadcast_in_dim3A] : memref<64x384xf32, #tpu.memory_space<vmem>>[vector<16xi32>, vector<16xi32>], vector<16xf32>,
        tpu.vector_store_idx %arg10[%add3A_579, %broadcast_in_dim3A_569], %gather3A_580 : memref<64x512xf32, #tpu.memory_space<vmem>>[vector<16xi32>, vector<16xi32>], vector<16xf32>,
        %add3A_581 = arith.constant 48 : i32
        %add3A_582 = vector.broadcast %add3A_581 : i32 to vector<16xi32>
        %add3A_583 = arith.addi %iota3A, %add3A_582 : vector<16xi32>
        %gather3A_584 = tpu.vector_load_idx %arg7[%add3A_583, %broadcast_in_dim3A] : memref<64x384xf32, #tpu.memory_space<vmem>>[vector<16xi32>, vector<16xi32>], vector<16xf32>,
        tpu.vector_store_idx %arg10[%add3A_583, %broadcast_in_dim3A_569], %gather3A_584 : memref<64x512xf32, #tpu.memory_space<vmem>>[vector<16xi32>, vector<16xi32>], vector<16xf32>,
      }
      %while3A_184 = arith.constant 1 : i32
      scf.for %while3A_561 = %while3A_182 to %while3A_178 step %while3A_184  : i32 {
        %mul3A_562 = arith.muli %while3A_561, %while3A_175 : i32
        %add3A_563 = arith.addi %while3A_114, %mul3A_562 : i32
        %get3A_564 = arith.constant 0 : i32
        %get3A_565 = arith.index_cast %get3A_564 : i32 to index
        %get3A_566 = arith.index_cast %add3A_563 : i32 to index
        %get3A_567 = memref.load %arg6[%get3A_565, %get3A_566] : memref<2x512xi32, #tpu.memory_space<smem>>
        %sub3A_568 = arith.subi %get3A_567, %shift_left3A_147 : i32
        %broadcast_in_dim3A = vector.broadcast %sub3A_568 : i32 to vector<16xi32>
        %broadcast_in_dim3A_569 = vector.broadcast %add3A_563 : i32 to vector<16xi32>
        %add3A_570 = arith.constant 0 : i32
        %add3A_571 = vector.broadcast %add3A_570 : i32 to vector<16xi32>
        %add3A_572 = arith.addi %iota3A, %add3A_571 : vector<16xi32>
        %gather3A = tpu.vector_load_idx %arg7[%add3A_572, %broadcast_in_dim3A] : memref<64x384xf32, #tpu.memory_space<vmem>>[vector<16xi32>, vector<16xi32>], vector<16xf32>,
        tpu.vector_store_idx %arg10[%add3A_572, %broadcast_in_dim3A_569], %gather3A : memref<64x512xf32, #tpu.memory_space<vmem>>[vector<16xi32>, vector<16xi32>], vector<16xf32>,
        %add3A_573 = arith.constant 16 : i32
        %add3A_574 = vector.broadcast %add3A_573 : i32 to vector<16xi32>
        %add3A_575 = arith.addi %iota3A, %add3A_574 : vector<16xi32>
        %gather3A_576 = tpu.vector_load_idx %arg7[%add3A_575, %broadcast_in_dim3A] : memref<64x384xf32, #tpu.memory_space<vmem>>[vector<16xi32>, vector<16xi32>], vector<16xf32>,
        tpu.vector_store_idx %arg10[%add3A_575, %broadcast_in_dim3A_569], %gather3A_576 : memref<64x512xf32, #tpu.memory_space<vmem>>[vector<16xi32>, vector<16xi32>], vector<16xf32>,
        %add3A_577 = arith.constant 32 : i32
        %add3A_578 = vector.broadcast %add3A_577 : i32 to vector<16xi32>
        %add3A_579 = arith.addi %iota3A, %add3A_578 : vector<16xi32>
        %gather3A_580 = tpu.vector_load_idx %arg7[%add3A_579, %broadcast_in_dim3A] : memref<64x384xf32, #tpu.memory_space<vmem>>[vector<16xi32>, vector<16xi32>], vector<16xf32>,
        tpu.vector_store_idx %arg10[%add3A_579, %broadcast_in_dim3A_569], %gather3A_580 : memref<64x512xf32, #tpu.memory_space<vmem>>[vector<16xi32>, vector<16xi32>], vector<16xf32>,
        %add3A_581 = arith.constant 48 : i32
        %add3A_582 = vector.broadcast %add3A_581 : i32 to vector<16xi32>
        %add3A_583 = arith.addi %iota3A, %add3A_582 : vector<16xi32>
        %gather3A_584 = tpu.vector_load_idx %arg7[%add3A_583, %broadcast_in_dim3A] : memref<64x384xf32, #tpu.memory_space<vmem>>[vector<16xi32>, vector<16xi32>], vector<16xf32>,
        tpu.vector_store_idx %arg10[%add3A_583, %broadcast_in_dim3A_569], %gather3A_584 : memref<64x512xf32, #tpu.memory_space<vmem>>[vector<16xi32>, vector<16xi32>], vector<16xf32>,
      }
      %mul3A_185 = arith.constant 3 : i32
      %mul3A_186 = arith.muli %mul3A_118, %mul3A_185 : i32
      %add3A_187 = arith.addi %shift_right_arithmetic3A_7, %mul3A_186 : i32
      %add3A_188 = arith.constant 1 : i32
      %add3A_189 = arith.addi %add3A_187, %add3A_188 : i32
      %min3A_190 = arith.constant 511 : i32
      %min3A_191 = arith.minsi %select_n3A_167, %min3A_190 : i32
      %lt3A_192 = arith.constant 512 : i32
      %lt3A_193 = arith.cmpi slt, %select_n3A_167, %lt3A_192 : i32
      %get3A_194 = arith.constant 0 : i32
      %get3A_195 = arith.index_cast %get3A_194 : i32 to index
      %get3A_196 = arith.index_cast %min3A_191 : i32 to index
      %get3A_197 = memref.load %arg6[%get3A_195, %get3A_196] : memref<2x512xi32, #tpu.memory_space<smem>>
      %shift_right_arithmetic3A_198 = arith.constant 7 : i32
      %shift_right_arithmetic3A_199 = arith.shrsi %get3A_197, %shift_right_arithmetic3A_198 : i32
      %eq3A_200 = arith.cmpi eq, %shift_right_arithmetic3A_199, %add3A_189 : i32
      %and3A_201 = arith.andi %lt3A_193, %eq3A_200 : i1
      %get3A_202 = arith.constant 1 : i32
      %get3A_203 = arith.index_cast %get3A_202 : i32 to index
      %get3A_204 = arith.index_cast %min3A_191 : i32 to index
      %get3A_205 = memref.load %arg6[%get3A_203, %get3A_204] : memref<2x512xi32, #tpu.memory_space<smem>>
      %select_n3A_206 = arith.select %and3A_201, %get3A_205, %select_n3A_167 : i32
      %sub3A_207 = arith.subi %select_n3A_206, %select_n3A_167 : i32
      %sub3A_208 = arith.constant 1 : i32
      %sub3A_209 = arith.constant 1 : i32
      %sub3A_210 = arith.subi %sub3A_208, %sub3A_209 : i32
      %add3A_211 = arith.addi %sub3A_207, %sub3A_210 : i32
      %div3A_212 = arith.constant 1 : i32
      %div3A_213 = arith.divsi %add3A_211, %div3A_212 : i32
      %while3A_214 = arith.constant 1 : i32
      %while3A_215 = arith.constant 0 : i32
      %while3A_216 = arith.subi %div3A_213, %while3A_215 : i32
      %while3A_217 = arith.addi %while3A_215, %while3A_216 : i32
      %while3A_218 = arith.constant 1 : i32
      %while3A_219 = arith.divsi %while3A_216, %while3A_218 : i32
      %while3A_220 = arith.muli %while3A_219, %while3A_218 : i32
      %while3A_221 = arith.addi %while3A_215, %while3A_220 : i32
      %while3A_222 = arith.constant 1 : i32
      scf.for %while3A_561 = %while3A_215 to %while3A_221 step %while3A_222  : i32 {
        %mul3A_562 = arith.muli %while3A_561, %while3A_214 : i32
        %add3A_563 = arith.addi %select_n3A_167, %mul3A_562 : i32
        %get3A_564 = arith.constant 0 : i32
        %get3A_565 = arith.index_cast %get3A_564 : i32 to index
        %get3A_566 = arith.index_cast %add3A_563 : i32 to index
        %get3A_567 = memref.load %arg6[%get3A_565, %get3A_566] : memref<2x512xi32, #tpu.memory_space<smem>>
        %sub3A_568 = arith.subi %get3A_567, %shift_left3A_147 : i32
        %broadcast_in_dim3A = vector.broadcast %sub3A_568 : i32 to vector<16xi32>
        %broadcast_in_dim3A_569 = vector.broadcast %add3A_563 : i32 to vector<16xi32>
        %add3A_570 = arith.constant 0 : i32
        %add3A_571 = vector.broadcast %add3A_570 : i32 to vector<16xi32>
        %add3A_572 = arith.addi %iota3A, %add3A_571 : vector<16xi32>
        %gather3A = tpu.vector_load_idx %arg7[%add3A_572, %broadcast_in_dim3A] : memref<64x384xf32, #tpu.memory_space<vmem>>[vector<16xi32>, vector<16xi32>], vector<16xf32>,
        tpu.vector_store_idx %arg10[%add3A_572, %broadcast_in_dim3A_569], %gather3A : memref<64x512xf32, #tpu.memory_space<vmem>>[vector<16xi32>, vector<16xi32>], vector<16xf32>,
        %add3A_573 = arith.constant 16 : i32
        %add3A_574 = vector.broadcast %add3A_573 : i32 to vector<16xi32>
        %add3A_575 = arith.addi %iota3A, %add3A_574 : vector<16xi32>
        %gather3A_576 = tpu.vector_load_idx %arg7[%add3A_575, %broadcast_in_dim3A] : memref<64x384xf32, #tpu.memory_space<vmem>>[vector<16xi32>, vector<16xi32>], vector<16xf32>,
        tpu.vector_store_idx %arg10[%add3A_575, %broadcast_in_dim3A_569], %gather3A_576 : memref<64x512xf32, #tpu.memory_space<vmem>>[vector<16xi32>, vector<16xi32>], vector<16xf32>,
        %add3A_577 = arith.constant 32 : i32
        %add3A_578 = vector.broadcast %add3A_577 : i32 to vector<16xi32>
        %add3A_579 = arith.addi %iota3A, %add3A_578 : vector<16xi32>
        %gather3A_580 = tpu.vector_load_idx %arg7[%add3A_579, %broadcast_in_dim3A] : memref<64x384xf32, #tpu.memory_space<vmem>>[vector<16xi32>, vector<16xi32>], vector<16xf32>,
        tpu.vector_store_idx %arg10[%add3A_579, %broadcast_in_dim3A_569], %gather3A_580 : memref<64x512xf32, #tpu.memory_space<vmem>>[vector<16xi32>, vector<16xi32>], vector<16xf32>,
        %add3A_581 = arith.constant 48 : i32
        %add3A_582 = vector.broadcast %add3A_581 : i32 to vector<16xi32>
        %add3A_583 = arith.addi %iota3A, %add3A_582 : vector<16xi32>
        %gather3A_584 = tpu.vector_load_idx %arg7[%add3A_583, %broadcast_in_dim3A] : memref<64x384xf32, #tpu.memory_space<vmem>>[vector<16xi32>, vector<16xi32>], vector<16xf32>,
        tpu.vector_store_idx %arg10[%add3A_583, %broadcast_in_dim3A_569], %gather3A_584 : memref<64x512xf32, #tpu.memory_space<vmem>>[vector<16xi32>, vector<16xi32>], vector<16xf32>,
      }
      %while3A_223 = arith.constant 1 : i32
      scf.for %while3A_561 = %while3A_221 to %while3A_217 step %while3A_223  : i32 {
        %mul3A_562 = arith.muli %while3A_561, %while3A_214 : i32
        %add3A_563 = arith.addi %select_n3A_167, %mul3A_562 : i32
        %get3A_564 = arith.constant 0 : i32
        %get3A_565 = arith.index_cast %get3A_564 : i32 to index
        %get3A_566 = arith.index_cast %add3A_563 : i32 to index
        %get3A_567 = memref.load %arg6[%get3A_565, %get3A_566] : memref<2x512xi32, #tpu.memory_space<smem>>
        %sub3A_568 = arith.subi %get3A_567, %shift_left3A_147 : i32
        %broadcast_in_dim3A = vector.broadcast %sub3A_568 : i32 to vector<16xi32>
        %broadcast_in_dim3A_569 = vector.broadcast %add3A_563 : i32 to vector<16xi32>
        %add3A_570 = arith.constant 0 : i32
        %add3A_571 = vector.broadcast %add3A_570 : i32 to vector<16xi32>
        %add3A_572 = arith.addi %iota3A, %add3A_571 : vector<16xi32>
        %gather3A = tpu.vector_load_idx %arg7[%add3A_572, %broadcast_in_dim3A] : memref<64x384xf32, #tpu.memory_space<vmem>>[vector<16xi32>, vector<16xi32>], vector<16xf32>,
        tpu.vector_store_idx %arg10[%add3A_572, %broadcast_in_dim3A_569], %gather3A : memref<64x512xf32, #tpu.memory_space<vmem>>[vector<16xi32>, vector<16xi32>], vector<16xf32>,
        %add3A_573 = arith.constant 16 : i32
        %add3A_574 = vector.broadcast %add3A_573 : i32 to vector<16xi32>
        %add3A_575 = arith.addi %iota3A, %add3A_574 : vector<16xi32>
        %gather3A_576 = tpu.vector_load_idx %arg7[%add3A_575, %broadcast_in_dim3A] : memref<64x384xf32, #tpu.memory_space<vmem>>[vector<16xi32>, vector<16xi32>], vector<16xf32>,
        tpu.vector_store_idx %arg10[%add3A_575, %broadcast_in_dim3A_569], %gather3A_576 : memref<64x512xf32, #tpu.memory_space<vmem>>[vector<16xi32>, vector<16xi32>], vector<16xf32>,
        %add3A_577 = arith.constant 32 : i32
        %add3A_578 = vector.broadcast %add3A_577 : i32 to vector<16xi32>
        %add3A_579 = arith.addi %iota3A, %add3A_578 : vector<16xi32>
        %gather3A_580 = tpu.vector_load_idx %arg7[%add3A_579, %broadcast_in_dim3A] : memref<64x384xf32, #tpu.memory_space<vmem>>[vector<16xi32>, vector<16xi32>], vector<16xf32>,
        tpu.vector_store_idx %arg10[%add3A_579, %broadcast_in_dim3A_569], %gather3A_580 : memref<64x512xf32, #tpu.memory_space<vmem>>[vector<16xi32>, vector<16xi32>], vector<16xf32>,
        %add3A_581 = arith.constant 48 : i32
        %add3A_582 = vector.broadcast %add3A_581 : i32 to vector<16xi32>
        %add3A_583 = arith.addi %iota3A, %add3A_582 : vector<16xi32>
        %gather3A_584 = tpu.vector_load_idx %arg7[%add3A_583, %broadcast_in_dim3A] : memref<64x384xf32, #tpu.memory_space<vmem>>[vector<16xi32>, vector<16xi32>], vector<16xf32>,
        tpu.vector_store_idx %arg10[%add3A_583, %broadcast_in_dim3A_569], %gather3A_584 : memref<64x512xf32, #tpu.memory_space<vmem>>[vector<16xi32>, vector<16xi32>], vector<16xf32>,
      }
      %mul3A_224 = arith.constant 3 : i32
      %mul3A_225 = arith.muli %mul3A_118, %mul3A_224 : i32
      %add3A_226 = arith.addi %shift_right_arithmetic3A_7, %mul3A_225 : i32
      %add3A_227 = arith.constant 2 : i32
      %add3A_228 = arith.addi %add3A_226, %add3A_227 : i32
      %min3A_229 = arith.constant 511 : i32
      %min3A_230 = arith.minsi %select_n3A_206, %min3A_229 : i32
      %lt3A_231 = arith.constant 512 : i32
      %lt3A_232 = arith.cmpi slt, %select_n3A_206, %lt3A_231 : i32
      %get3A_233 = arith.constant 0 : i32
      %get3A_234 = arith.index_cast %get3A_233 : i32 to index
      %get3A_235 = arith.index_cast %min3A_230 : i32 to index
      %get3A_236 = memref.load %arg6[%get3A_234, %get3A_235] : memref<2x512xi32, #tpu.memory_space<smem>>
      %shift_right_arithmetic3A_237 = arith.constant 7 : i32
      %shift_right_arithmetic3A_238 = arith.shrsi %get3A_236, %shift_right_arithmetic3A_237 : i32
      %eq3A_239 = arith.cmpi eq, %shift_right_arithmetic3A_238, %add3A_228 : i32
      %and3A_240 = arith.andi %lt3A_232, %eq3A_239 : i1
      %get3A_241 = arith.constant 1 : i32
      %get3A_242 = arith.index_cast %get3A_241 : i32 to index
      %get3A_243 = arith.index_cast %min3A_230 : i32 to index
      %get3A_244 = memref.load %arg6[%get3A_242, %get3A_243] : memref<2x512xi32, #tpu.memory_space<smem>>
      %select_n3A_245 = arith.select %and3A_240, %get3A_244, %select_n3A_206 : i32
      %sub3A_246 = arith.subi %select_n3A_245, %select_n3A_206 : i32
      %sub3A_247 = arith.constant 1 : i32
      %sub3A_248 = arith.constant 1 : i32
      %sub3A_249 = arith.subi %sub3A_247, %sub3A_248 : i32
      %add3A_250 = arith.addi %sub3A_246, %sub3A_249 : i32
      %div3A_251 = arith.constant 1 : i32
      %div3A_252 = arith.divsi %add3A_250, %div3A_251 : i32
      %while3A_253 = arith.constant 1 : i32
      %while3A_254 = arith.constant 0 : i32
      %while3A_255 = arith.subi %div3A_252, %while3A_254 : i32
      %while3A_256 = arith.addi %while3A_254, %while3A_255 : i32
      %while3A_257 = arith.constant 1 : i32
      %while3A_258 = arith.divsi %while3A_255, %while3A_257 : i32
      %while3A_259 = arith.muli %while3A_258, %while3A_257 : i32
      %while3A_260 = arith.addi %while3A_254, %while3A_259 : i32
      %while3A_261 = arith.constant 1 : i32
      scf.for %while3A_561 = %while3A_254 to %while3A_260 step %while3A_261  : i32 {
        %mul3A_562 = arith.muli %while3A_561, %while3A_253 : i32
        %add3A_563 = arith.addi %select_n3A_206, %mul3A_562 : i32
        %get3A_564 = arith.constant 0 : i32
        %get3A_565 = arith.index_cast %get3A_564 : i32 to index
        %get3A_566 = arith.index_cast %add3A_563 : i32 to index
        %get3A_567 = memref.load %arg6[%get3A_565, %get3A_566] : memref<2x512xi32, #tpu.memory_space<smem>>
        %sub3A_568 = arith.subi %get3A_567, %shift_left3A_147 : i32
        %broadcast_in_dim3A = vector.broadcast %sub3A_568 : i32 to vector<16xi32>
        %broadcast_in_dim3A_569 = vector.broadcast %add3A_563 : i32 to vector<16xi32>
        %add3A_570 = arith.constant 0 : i32
        %add3A_571 = vector.broadcast %add3A_570 : i32 to vector<16xi32>
        %add3A_572 = arith.addi %iota3A, %add3A_571 : vector<16xi32>
        %gather3A = tpu.vector_load_idx %arg7[%add3A_572, %broadcast_in_dim3A] : memref<64x384xf32, #tpu.memory_space<vmem>>[vector<16xi32>, vector<16xi32>], vector<16xf32>,
        tpu.vector_store_idx %arg10[%add3A_572, %broadcast_in_dim3A_569], %gather3A : memref<64x512xf32, #tpu.memory_space<vmem>>[vector<16xi32>, vector<16xi32>], vector<16xf32>,
        %add3A_573 = arith.constant 16 : i32
        %add3A_574 = vector.broadcast %add3A_573 : i32 to vector<16xi32>
        %add3A_575 = arith.addi %iota3A, %add3A_574 : vector<16xi32>
        %gather3A_576 = tpu.vector_load_idx %arg7[%add3A_575, %broadcast_in_dim3A] : memref<64x384xf32, #tpu.memory_space<vmem>>[vector<16xi32>, vector<16xi32>], vector<16xf32>,
        tpu.vector_store_idx %arg10[%add3A_575, %broadcast_in_dim3A_569], %gather3A_576 : memref<64x512xf32, #tpu.memory_space<vmem>>[vector<16xi32>, vector<16xi32>], vector<16xf32>,
        %add3A_577 = arith.constant 32 : i32
        %add3A_578 = vector.broadcast %add3A_577 : i32 to vector<16xi32>
        %add3A_579 = arith.addi %iota3A, %add3A_578 : vector<16xi32>
        %gather3A_580 = tpu.vector_load_idx %arg7[%add3A_579, %broadcast_in_dim3A] : memref<64x384xf32, #tpu.memory_space<vmem>>[vector<16xi32>, vector<16xi32>], vector<16xf32>,
        tpu.vector_store_idx %arg10[%add3A_579, %broadcast_in_dim3A_569], %gather3A_580 : memref<64x512xf32, #tpu.memory_space<vmem>>[vector<16xi32>, vector<16xi32>], vector<16xf32>,
        %add3A_581 = arith.constant 48 : i32
        %add3A_582 = vector.broadcast %add3A_581 : i32 to vector<16xi32>
        %add3A_583 = arith.addi %iota3A, %add3A_582 : vector<16xi32>
        %gather3A_584 = tpu.vector_load_idx %arg7[%add3A_583, %broadcast_in_dim3A] : memref<64x384xf32, #tpu.memory_space<vmem>>[vector<16xi32>, vector<16xi32>], vector<16xf32>,
        tpu.vector_store_idx %arg10[%add3A_583, %broadcast_in_dim3A_569], %gather3A_584 : memref<64x512xf32, #tpu.memory_space<vmem>>[vector<16xi32>, vector<16xi32>], vector<16xf32>,
      }
      %while3A_262 = arith.constant 1 : i32
      scf.for %while3A_561 = %while3A_260 to %while3A_256 step %while3A_262  : i32 {
        %mul3A_562 = arith.muli %while3A_561, %while3A_253 : i32
        %add3A_563 = arith.addi %select_n3A_206, %mul3A_562 : i32
        %get3A_564 = arith.constant 0 : i32
        %get3A_565 = arith.index_cast %get3A_564 : i32 to index
        %get3A_566 = arith.index_cast %add3A_563 : i32 to index
        %get3A_567 = memref.load %arg6[%get3A_565, %get3A_566] : memref<2x512xi32, #tpu.memory_space<smem>>
        %sub3A_568 = arith.subi %get3A_567, %shift_left3A_147 : i32
        %broadcast_in_dim3A = vector.broadcast %sub3A_568 : i32 to vector<16xi32>
        %broadcast_in_dim3A_569 = vector.broadcast %add3A_563 : i32 to vector<16xi32>
        %add3A_570 = arith.constant 0 : i32
        %add3A_571 = vector.broadcast %add3A_570 : i32 to vector<16xi32>
        %add3A_572 = arith.addi %iota3A, %add3A_571 : vector<16xi32>
        %gather3A = tpu.vector_load_idx %arg7[%add3A_572, %broadcast_in_dim3A] : memref<64x384xf32, #tpu.memory_space<vmem>>[vector<16xi32>, vector<16xi32>], vector<16xf32>,
        tpu.vector_store_idx %arg10[%add3A_572, %broadcast_in_dim3A_569], %gather3A : memref<64x512xf32, #tpu.memory_space<vmem>>[vector<16xi32>, vector<16xi32>], vector<16xf32>,
        %add3A_573 = arith.constant 16 : i32
        %add3A_574 = vector.broadcast %add3A_573 : i32 to vector<16xi32>
        %add3A_575 = arith.addi %iota3A, %add3A_574 : vector<16xi32>
        %gather3A_576 = tpu.vector_load_idx %arg7[%add3A_575, %broadcast_in_dim3A] : memref<64x384xf32, #tpu.memory_space<vmem>>[vector<16xi32>, vector<16xi32>], vector<16xf32>,
        tpu.vector_store_idx %arg10[%add3A_575, %broadcast_in_dim3A_569], %gather3A_576 : memref<64x512xf32, #tpu.memory_space<vmem>>[vector<16xi32>, vector<16xi32>], vector<16xf32>,
        %add3A_577 = arith.constant 32 : i32
        %add3A_578 = vector.broadcast %add3A_577 : i32 to vector<16xi32>
        %add3A_579 = arith.addi %iota3A, %add3A_578 : vector<16xi32>
        %gather3A_580 = tpu.vector_load_idx %arg7[%add3A_579, %broadcast_in_dim3A] : memref<64x384xf32, #tpu.memory_space<vmem>>[vector<16xi32>, vector<16xi32>], vector<16xf32>,
        tpu.vector_store_idx %arg10[%add3A_579, %broadcast_in_dim3A_569], %gather3A_580 : memref<64x512xf32, #tpu.memory_space<vmem>>[vector<16xi32>, vector<16xi32>], vector<16xf32>,
        %add3A_581 = arith.constant 48 : i32
        %add3A_582 = vector.broadcast %add3A_581 : i32 to vector<16xi32>
        %add3A_583 = arith.addi %iota3A, %add3A_582 : vector<16xi32>
        %gather3A_584 = tpu.vector_load_idx %arg7[%add3A_583, %broadcast_in_dim3A] : memref<64x384xf32, #tpu.memory_space<vmem>>[vector<16xi32>, vector<16xi32>], vector<16xf32>,
        tpu.vector_store_idx %arg10[%add3A_583, %broadcast_in_dim3A_569], %gather3A_584 : memref<64x512xf32, #tpu.memory_space<vmem>>[vector<16xi32>, vector<16xi32>], vector<16xf32>,
      }
      %add3A_263 = arith.constant 3 : i32
      %add3A_264 = arith.addi %mul3A_118, %add3A_263 : i32
      %mul3A_265 = arith.constant 3 : i32
      %mul3A_266 = arith.muli %add3A_264, %mul3A_265 : i32
      %add3A_267 = arith.addi %shift_right_arithmetic3A_7, %mul3A_266 : i32
      %jit3A_268 = arith.constant 0 : i32
      %jit3A_269 = arith.constant 7810 : i32
      %max3A_270 = arith.maxsi %jit3A_268, %add3A_267 : i32
      %min3A_271 = arith.minsi %jit3A_269, %max3A_270 : i32
      %mul3A_272 = arith.constant 128 : i32
      %mul3A_273 = arith.muli %min3A_271, %mul3A_272 : i32
      %dma_start3A_274 = arith.constant 0 : i32
      %dma_start3A_275 = tpu.memref_slice %arg3[%dma_start3A_274, %mul3A_273] : memref<64x1000000xf32, #tpu.memory_space<hbm>> -> memref<64x384xf32, #tpu.memory_space<hbm>>
      %dma_start3A_276 = arith.constant 0 : i32
      %dma_start3A_277 = tpu.memref_slice %arg3[%dma_start3A_276, %mul3A_273] : memref<64x1000000xf32, #tpu.memory_space<hbm>> -> memref<64x384xf32, #tpu.memory_space<hbm>>
      tpu.enqueue_dma source(%dma_start3A_277 : memref<64x384xf32, #tpu.memory_space<hbm>>) target(%arg7 : memref<64x384xf32, #tpu.memory_space<vmem>>) target_semaphore(%arg11 : memref<!tpu.dma_semaphore, #tpu.memory_space<semaphore_mem>>)
      %dma_wait3A_278 = arith.constant 0 : i32
      %dma_wait3A_279 = arith.constant 0 : i32
      %dma_wait3A_280 = tpu.memref_slice %arg3[%dma_wait3A_278, %dma_wait3A_279] : memref<64x1000000xf32, #tpu.memory_space<hbm>> -> memref<64x384xf32, #tpu.memory_space<hbm>>
      %dma_wait3A_281 = arith.constant 0 : i32
      %dma_wait3A_282 = arith.constant 0 : i32
      %dma_wait3A_283 = tpu.memref_slice %arg3[%dma_wait3A_281, %dma_wait3A_282] : memref<64x1000000xf32, #tpu.memory_space<hbm>> -> memref<64x384xf32, #tpu.memory_space<hbm>>
      tpu.wait_dma2 semaphore(%arg12 : memref<!tpu.dma_semaphore, #tpu.memory_space<semaphore_mem>>) src(%dma_wait3A_283 : memref<64x384xf32, #tpu.memory_space<hbm>>) dst(%arg8 : memref<64x384xf32, #tpu.memory_space<vmem>>)
      %add3A_284 = arith.constant 1 : i32
      %add3A_285 = arith.addi %mul3A_118, %add3A_284 : i32
      %mul3A_286 = arith.constant 3 : i32
      %mul3A_287 = arith.muli %add3A_285, %mul3A_286 : i32
      %add3A_288 = arith.addi %shift_right_arithmetic3A_7, %mul3A_287 : i32
      %jit3A_289 = arith.constant 0 : i32
      %jit3A_290 = arith.constant 7810 : i32
      %max3A_291 = arith.maxsi %jit3A_289, %add3A_288 : i32
      %min3A_292 = arith.minsi %jit3A_290, %max3A_291 : i32
      %shift_left3A_293 = arith.constant 7 : i32
      %shift_left3A_294 = arith.shli %min3A_292, %shift_left3A_293 : i32
      %mul3A_295 = arith.constant 3 : i32
      %mul3A_296 = arith.muli %add3A_285, %mul3A_295 : i32
      %add3A_297 = arith.addi %shift_right_arithmetic3A_7, %mul3A_296 : i32
      %add3A_298 = arith.constant 0 : i32
      %add3A_299 = arith.addi %add3A_297, %add3A_298 : i32
      %min3A_300 = arith.constant 511 : i32
      %min3A_301 = arith.minsi %select_n3A_245, %min3A_300 : i32
      %lt3A_302 = arith.constant 512 : i32
      %lt3A_303 = arith.cmpi slt, %select_n3A_245, %lt3A_302 : i32
      %get3A_304 = arith.constant 0 : i32
      %get3A_305 = arith.index_cast %get3A_304 : i32 to index
      %get3A_306 = arith.index_cast %min3A_301 : i32 to index
      %get3A_307 = memref.load %arg6[%get3A_305, %get3A_306] : memref<2x512xi32, #tpu.memory_space<smem>>
      %shift_right_arithmetic3A_308 = arith.constant 7 : i32
      %shift_right_arithmetic3A_309 = arith.shrsi %get3A_307, %shift_right_arithmetic3A_308 : i32
      %eq3A_310 = arith.cmpi eq, %shift_right_arithmetic3A_309, %add3A_299 : i32
      %and3A_311 = arith.andi %lt3A_303, %eq3A_310 : i1
      %get3A_312 = arith.constant 1 : i32
      %get3A_313 = arith.index_cast %get3A_312 : i32 to index
      %get3A_314 = arith.index_cast %min3A_301 : i32 to index
      %get3A_315 = memref.load %arg6[%get3A_313, %get3A_314] : memref<2x512xi32, #tpu.memory_space<smem>>
      %select_n3A_316 = arith.select %and3A_311, %get3A_315, %select_n3A_245 : i32
      %sub3A_317 = arith.subi %select_n3A_316, %select_n3A_245 : i32
      %sub3A_318 = arith.constant 1 : i32
      %sub3A_319 = arith.constant 1 : i32
      %sub3A_320 = arith.subi %sub3A_318, %sub3A_319 : i32
      %add3A_321 = arith.addi %sub3A_317, %sub3A_320 : i32
      %div3A_322 = arith.constant 1 : i32
      %div3A_323 = arith.divsi %add3A_321, %div3A_322 : i32
      %while3A_324 = arith.constant 1 : i32
      %while3A_325 = arith.constant 0 : i32
      %while3A_326 = arith.subi %div3A_323, %while3A_325 : i32
      %while3A_327 = arith.addi %while3A_325, %while3A_326 : i32
      %while3A_328 = arith.constant 1 : i32
      %while3A_329 = arith.divsi %while3A_326, %while3A_328 : i32
      %while3A_330 = arith.muli %while3A_329, %while3A_328 : i32
      %while3A_331 = arith.addi %while3A_325, %while3A_330 : i32
      %while3A_332 = arith.constant 1 : i32
      scf.for %while3A_561 = %while3A_325 to %while3A_331 step %while3A_332  : i32 {
        %mul3A_562 = arith.muli %while3A_561, %while3A_324 : i32
        %add3A_563 = arith.addi %select_n3A_245, %mul3A_562 : i32
        %get3A_564 = arith.constant 0 : i32
        %get3A_565 = arith.index_cast %get3A_564 : i32 to index
        %get3A_566 = arith.index_cast %add3A_563 : i32 to index
        %get3A_567 = memref.load %arg6[%get3A_565, %get3A_566] : memref<2x512xi32, #tpu.memory_space<smem>>
        %sub3A_568 = arith.subi %get3A_567, %shift_left3A_294 : i32
        %broadcast_in_dim3A = vector.broadcast %sub3A_568 : i32 to vector<16xi32>
        %broadcast_in_dim3A_569 = vector.broadcast %add3A_563 : i32 to vector<16xi32>
        %add3A_570 = arith.constant 0 : i32
        %add3A_571 = vector.broadcast %add3A_570 : i32 to vector<16xi32>
        %add3A_572 = arith.addi %iota3A, %add3A_571 : vector<16xi32>
        %gather3A = tpu.vector_load_idx %arg8[%add3A_572, %broadcast_in_dim3A] : memref<64x384xf32, #tpu.memory_space<vmem>>[vector<16xi32>, vector<16xi32>], vector<16xf32>,
        tpu.vector_store_idx %arg10[%add3A_572, %broadcast_in_dim3A_569], %gather3A : memref<64x512xf32, #tpu.memory_space<vmem>>[vector<16xi32>, vector<16xi32>], vector<16xf32>,
        %add3A_573 = arith.constant 16 : i32
        %add3A_574 = vector.broadcast %add3A_573 : i32 to vector<16xi32>
        %add3A_575 = arith.addi %iota3A, %add3A_574 : vector<16xi32>
        %gather3A_576 = tpu.vector_load_idx %arg8[%add3A_575, %broadcast_in_dim3A] : memref<64x384xf32, #tpu.memory_space<vmem>>[vector<16xi32>, vector<16xi32>], vector<16xf32>,
        tpu.vector_store_idx %arg10[%add3A_575, %broadcast_in_dim3A_569], %gather3A_576 : memref<64x512xf32, #tpu.memory_space<vmem>>[vector<16xi32>, vector<16xi32>], vector<16xf32>,
        %add3A_577 = arith.constant 32 : i32
        %add3A_578 = vector.broadcast %add3A_577 : i32 to vector<16xi32>
        %add3A_579 = arith.addi %iota3A, %add3A_578 : vector<16xi32>
        %gather3A_580 = tpu.vector_load_idx %arg8[%add3A_579, %broadcast_in_dim3A] : memref<64x384xf32, #tpu.memory_space<vmem>>[vector<16xi32>, vector<16xi32>], vector<16xf32>,
        tpu.vector_store_idx %arg10[%add3A_579, %broadcast_in_dim3A_569], %gather3A_580 : memref<64x512xf32, #tpu.memory_space<vmem>>[vector<16xi32>, vector<16xi32>], vector<16xf32>,
        %add3A_581 = arith.constant 48 : i32
        %add3A_582 = vector.broadcast %add3A_581 : i32 to vector<16xi32>
        %add3A_583 = arith.addi %iota3A, %add3A_582 : vector<16xi32>
        %gather3A_584 = tpu.vector_load_idx %arg8[%add3A_583, %broadcast_in_dim3A] : memref<64x384xf32, #tpu.memory_space<vmem>>[vector<16xi32>, vector<16xi32>], vector<16xf32>,
        tpu.vector_store_idx %arg10[%add3A_583, %broadcast_in_dim3A_569], %gather3A_584 : memref<64x512xf32, #tpu.memory_space<vmem>>[vector<16xi32>, vector<16xi32>], vector<16xf32>,
      }
      %while3A_333 = arith.constant 1 : i32
      scf.for %while3A_561 = %while3A_331 to %while3A_327 step %while3A_333  : i32 {
        %mul3A_562 = arith.muli %while3A_561, %while3A_324 : i32
        %add3A_563 = arith.addi %select_n3A_245, %mul3A_562 : i32
        %get3A_564 = arith.constant 0 : i32
        %get3A_565 = arith.index_cast %get3A_564 : i32 to index
        %get3A_566 = arith.index_cast %add3A_563 : i32 to index
        %get3A_567 = memref.load %arg6[%get3A_565, %get3A_566] : memref<2x512xi32, #tpu.memory_space<smem>>
        %sub3A_568 = arith.subi %get3A_567, %shift_left3A_294 : i32
        %broadcast_in_dim3A = vector.broadcast %sub3A_568 : i32 to vector<16xi32>
        %broadcast_in_dim3A_569 = vector.broadcast %add3A_563 : i32 to vector<16xi32>
        %add3A_570 = arith.constant 0 : i32
        %add3A_571 = vector.broadcast %add3A_570 : i32 to vector<16xi32>
        %add3A_572 = arith.addi %iota3A, %add3A_571 : vector<16xi32>
        %gather3A = tpu.vector_load_idx %arg8[%add3A_572, %broadcast_in_dim3A] : memref<64x384xf32, #tpu.memory_space<vmem>>[vector<16xi32>, vector<16xi32>], vector<16xf32>,
        tpu.vector_store_idx %arg10[%add3A_572, %broadcast_in_dim3A_569], %gather3A : memref<64x512xf32, #tpu.memory_space<vmem>>[vector<16xi32>, vector<16xi32>], vector<16xf32>,
        %add3A_573 = arith.constant 16 : i32
        %add3A_574 = vector.broadcast %add3A_573 : i32 to vector<16xi32>
        %add3A_575 = arith.addi %iota3A, %add3A_574 : vector<16xi32>
        %gather3A_576 = tpu.vector_load_idx %arg8[%add3A_575, %broadcast_in_dim3A] : memref<64x384xf32, #tpu.memory_space<vmem>>[vector<16xi32>, vector<16xi32>], vector<16xf32>,
        tpu.vector_store_idx %arg10[%add3A_575, %broadcast_in_dim3A_569], %gather3A_576 : memref<64x512xf32, #tpu.memory_space<vmem>>[vector<16xi32>, vector<16xi32>], vector<16xf32>,
        %add3A_577 = arith.constant 32 : i32
        %add3A_578 = vector.broadcast %add3A_577 : i32 to vector<16xi32>
        %add3A_579 = arith.addi %iota3A, %add3A_578 : vector<16xi32>
        %gather3A_580 = tpu.vector_load_idx %arg8[%add3A_579, %broadcast_in_dim3A] : memref<64x384xf32, #tpu.memory_space<vmem>>[vector<16xi32>, vector<16xi32>], vector<16xf32>,
        tpu.vector_store_idx %arg10[%add3A_579, %broadcast_in_dim3A_569], %gather3A_580 : memref<64x512xf32, #tpu.memory_space<vmem>>[vector<16xi32>, vector<16xi32>], vector<16xf32>,
        %add3A_581 = arith.constant 48 : i32
        %add3A_582 = vector.broadcast %add3A_581 : i32 to vector<16xi32>
        %add3A_583 = arith.addi %iota3A, %add3A_582 : vector<16xi32>
        %gather3A_584 = tpu.vector_load_idx %arg8[%add3A_583, %broadcast_in_dim3A] : memref<64x384xf32, #tpu.memory_space<vmem>>[vector<16xi32>, vector<16xi32>], vector<16xf32>,
        tpu.vector_store_idx %arg10[%add3A_583, %broadcast_in_dim3A_569], %gather3A_584 : memref<64x512xf32, #tpu.memory_space<vmem>>[vector<16xi32>, vector<16xi32>], vector<16xf32>,
      }
      %mul3A_334 = arith.constant 3 : i32
      %mul3A_335 = arith.muli %add3A_285, %mul3A_334 : i32
      %add3A_336 = arith.addi %shift_right_arithmetic3A_7, %mul3A_335 : i32
      %add3A_337 = arith.constant 1 : i32
      %add3A_338 = arith.addi %add3A_336, %add3A_337 : i32
      %min3A_339 = arith.constant 511 : i32
      %min3A_340 = arith.minsi %select_n3A_316, %min3A_339 : i32
      %lt3A_341 = arith.constant 512 : i32
      %lt3A_342 = arith.cmpi slt, %select_n3A_316, %lt3A_341 : i32
      %get3A_343 = arith.constant 0 : i32
      %get3A_344 = arith.index_cast %get3A_343 : i32 to index
      %get3A_345 = arith.index_cast %min3A_340 : i32 to index
      %get3A_346 = memref.load %arg6[%get3A_344, %get3A_345] : memref<2x512xi32, #tpu.memory_space<smem>>
      %shift_right_arithmetic3A_347 = arith.constant 7 : i32
      %shift_right_arithmetic3A_348 = arith.shrsi %get3A_346, %shift_right_arithmetic3A_347 : i32
      %eq3A_349 = arith.cmpi eq, %shift_right_arithmetic3A_348, %add3A_338 : i32
      %and3A_350 = arith.andi %lt3A_342, %eq3A_349 : i1
      %get3A_351 = arith.constant 1 : i32
      %get3A_352 = arith.index_cast %get3A_351 : i32 to index
      %get3A_353 = arith.index_cast %min3A_340 : i32 to index
      %get3A_354 = memref.load %arg6[%get3A_352, %get3A_353] : memref<2x512xi32, #tpu.memory_space<smem>>
      %select_n3A_355 = arith.select %and3A_350, %get3A_354, %select_n3A_316 : i32
      %sub3A_356 = arith.subi %select_n3A_355, %select_n3A_316 : i32
      %sub3A_357 = arith.constant 1 : i32
      %sub3A_358 = arith.constant 1 : i32
      %sub3A_359 = arith.subi %sub3A_357, %sub3A_358 : i32
      %add3A_360 = arith.addi %sub3A_356, %sub3A_359 : i32
      %div3A_361 = arith.constant 1 : i32
      %div3A_362 = arith.divsi %add3A_360, %div3A_361 : i32
      %while3A_363 = arith.constant 1 : i32
      %while3A_364 = arith.constant 0 : i32
      %while3A_365 = arith.subi %div3A_362, %while3A_364 : i32
      %while3A_366 = arith.addi %while3A_364, %while3A_365 : i32
      %while3A_367 = arith.constant 1 : i32
      %while3A_368 = arith.divsi %while3A_365, %while3A_367 : i32
      %while3A_369 = arith.muli %while3A_368, %while3A_367 : i32
      %while3A_370 = arith.addi %while3A_364, %while3A_369 : i32
      %while3A_371 = arith.constant 1 : i32
      scf.for %while3A_561 = %while3A_364 to %while3A_370 step %while3A_371  : i32 {
        %mul3A_562 = arith.muli %while3A_561, %while3A_363 : i32
        %add3A_563 = arith.addi %select_n3A_316, %mul3A_562 : i32
        %get3A_564 = arith.constant 0 : i32
        %get3A_565 = arith.index_cast %get3A_564 : i32 to index
        %get3A_566 = arith.index_cast %add3A_563 : i32 to index
        %get3A_567 = memref.load %arg6[%get3A_565, %get3A_566] : memref<2x512xi32, #tpu.memory_space<smem>>
        %sub3A_568 = arith.subi %get3A_567, %shift_left3A_294 : i32
        %broadcast_in_dim3A = vector.broadcast %sub3A_568 : i32 to vector<16xi32>
        %broadcast_in_dim3A_569 = vector.broadcast %add3A_563 : i32 to vector<16xi32>
        %add3A_570 = arith.constant 0 : i32
        %add3A_571 = vector.broadcast %add3A_570 : i32 to vector<16xi32>
        %add3A_572 = arith.addi %iota3A, %add3A_571 : vector<16xi32>
        %gather3A = tpu.vector_load_idx %arg8[%add3A_572, %broadcast_in_dim3A] : memref<64x384xf32, #tpu.memory_space<vmem>>[vector<16xi32>, vector<16xi32>], vector<16xf32>,
        tpu.vector_store_idx %arg10[%add3A_572, %broadcast_in_dim3A_569], %gather3A : memref<64x512xf32, #tpu.memory_space<vmem>>[vector<16xi32>, vector<16xi32>], vector<16xf32>,
        %add3A_573 = arith.constant 16 : i32
        %add3A_574 = vector.broadcast %add3A_573 : i32 to vector<16xi32>
        %add3A_575 = arith.addi %iota3A, %add3A_574 : vector<16xi32>
        %gather3A_576 = tpu.vector_load_idx %arg8[%add3A_575, %broadcast_in_dim3A] : memref<64x384xf32, #tpu.memory_space<vmem>>[vector<16xi32>, vector<16xi32>], vector<16xf32>,
        tpu.vector_store_idx %arg10[%add3A_575, %broadcast_in_dim3A_569], %gather3A_576 : memref<64x512xf32, #tpu.memory_space<vmem>>[vector<16xi32>, vector<16xi32>], vector<16xf32>,
        %add3A_577 = arith.constant 32 : i32
        %add3A_578 = vector.broadcast %add3A_577 : i32 to vector<16xi32>
        %add3A_579 = arith.addi %iota3A, %add3A_578 : vector<16xi32>
        %gather3A_580 = tpu.vector_load_idx %arg8[%add3A_579, %broadcast_in_dim3A] : memref<64x384xf32, #tpu.memory_space<vmem>>[vector<16xi32>, vector<16xi32>], vector<16xf32>,
        tpu.vector_store_idx %arg10[%add3A_579, %broadcast_in_dim3A_569], %gather3A_580 : memref<64x512xf32, #tpu.memory_space<vmem>>[vector<16xi32>, vector<16xi32>], vector<16xf32>,
        %add3A_581 = arith.constant 48 : i32
        %add3A_582 = vector.broadcast %add3A_581 : i32 to vector<16xi32>
        %add3A_583 = arith.addi %iota3A, %add3A_582 : vector<16xi32>
        %gather3A_584 = tpu.vector_load_idx %arg8[%add3A_583, %broadcast_in_dim3A] : memref<64x384xf32, #tpu.memory_space<vmem>>[vector<16xi32>, vector<16xi32>], vector<16xf32>,
        tpu.vector_store_idx %arg10[%add3A_583, %broadcast_in_dim3A_569], %gather3A_584 : memref<64x512xf32, #tpu.memory_space<vmem>>[vector<16xi32>, vector<16xi32>], vector<16xf32>,
      }
      %while3A_372 = arith.constant 1 : i32
      scf.for %while3A_561 = %while3A_370 to %while3A_366 step %while3A_372  : i32 {
        %mul3A_562 = arith.muli %while3A_561, %while3A_363 : i32
        %add3A_563 = arith.addi %select_n3A_316, %mul3A_562 : i32
        %get3A_564 = arith.constant 0 : i32
        %get3A_565 = arith.index_cast %get3A_564 : i32 to index
        %get3A_566 = arith.index_cast %add3A_563 : i32 to index
        %get3A_567 = memref.load %arg6[%get3A_565, %get3A_566] : memref<2x512xi32, #tpu.memory_space<smem>>
        %sub3A_568 = arith.subi %get3A_567, %shift_left3A_294 : i32
        %broadcast_in_dim3A = vector.broadcast %sub3A_568 : i32 to vector<16xi32>
        %broadcast_in_dim3A_569 = vector.broadcast %add3A_563 : i32 to vector<16xi32>
        %add3A_570 = arith.constant 0 : i32
        %add3A_571 = vector.broadcast %add3A_570 : i32 to vector<16xi32>
        %add3A_572 = arith.addi %iota3A, %add3A_571 : vector<16xi32>
        %gather3A = tpu.vector_load_idx %arg8[%add3A_572, %broadcast_in_dim3A] : memref<64x384xf32, #tpu.memory_space<vmem>>[vector<16xi32>, vector<16xi32>], vector<16xf32>,
        tpu.vector_store_idx %arg10[%add3A_572, %broadcast_in_dim3A_569], %gather3A : memref<64x512xf32, #tpu.memory_space<vmem>>[vector<16xi32>, vector<16xi32>], vector<16xf32>,
        %add3A_573 = arith.constant 16 : i32
        %add3A_574 = vector.broadcast %add3A_573 : i32 to vector<16xi32>
        %add3A_575 = arith.addi %iota3A, %add3A_574 : vector<16xi32>
        %gather3A_576 = tpu.vector_load_idx %arg8[%add3A_575, %broadcast_in_dim3A] : memref<64x384xf32, #tpu.memory_space<vmem>>[vector<16xi32>, vector<16xi32>], vector<16xf32>,
        tpu.vector_store_idx %arg10[%add3A_575, %broadcast_in_dim3A_569], %gather3A_576 : memref<64x512xf32, #tpu.memory_space<vmem>>[vector<16xi32>, vector<16xi32>], vector<16xf32>,
        %add3A_577 = arith.constant 32 : i32
        %add3A_578 = vector.broadcast %add3A_577 : i32 to vector<16xi32>
        %add3A_579 = arith.addi %iota3A, %add3A_578 : vector<16xi32>
        %gather3A_580 = tpu.vector_load_idx %arg8[%add3A_579, %broadcast_in_dim3A] : memref<64x384xf32, #tpu.memory_space<vmem>>[vector<16xi32>, vector<16xi32>], vector<16xf32>,
        tpu.vector_store_idx %arg10[%add3A_579, %broadcast_in_dim3A_569], %gather3A_580 : memref<64x512xf32, #tpu.memory_space<vmem>>[vector<16xi32>, vector<16xi32>], vector<16xf32>,
        %add3A_581 = arith.constant 48 : i32
        %add3A_582 = vector.broadcast %add3A_581 : i32 to vector<16xi32>
        %add3A_583 = arith.addi %iota3A, %add3A_582 : vector<16xi32>
        %gather3A_584 = tpu.vector_load_idx %arg8[%add3A_583, %broadcast_in_dim3A] : memref<64x384xf32, #tpu.memory_space<vmem>>[vector<16xi32>, vector<16xi32>], vector<16xf32>,
        tpu.vector_store_idx %arg10[%add3A_583, %broadcast_in_dim3A_569], %gather3A_584 : memref<64x512xf32, #tpu.memory_space<vmem>>[vector<16xi32>, vector<16xi32>], vector<16xf32>,
      }
      %mul3A_373 = arith.constant 3 : i32
      %mul3A_374 = arith.muli %add3A_285, %mul3A_373 : i32
      %add3A_375 = arith.addi %shift_right_arithmetic3A_7, %mul3A_374 : i32
      %add3A_376 = arith.constant 2 : i32
      %add3A_377 = arith.addi %add3A_375, %add3A_376 : i32
      %min3A_378 = arith.constant 511 : i32
      %min3A_379 = arith.minsi %select_n3A_355, %min3A_378 : i32
      %lt3A_380 = arith.constant 512 : i32
      %lt3A_381 = arith.cmpi slt, %select_n3A_355, %lt3A_380 : i32
      %get3A_382 = arith.constant 0 : i32
      %get3A_383 = arith.index_cast %get3A_382 : i32 to index
      %get3A_384 = arith.index_cast %min3A_379 : i32 to index
      %get3A_385 = memref.load %arg6[%get3A_383, %get3A_384] : memref<2x512xi32, #tpu.memory_space<smem>>
      %shift_right_arithmetic3A_386 = arith.constant 7 : i32
      %shift_right_arithmetic3A_387 = arith.shrsi %get3A_385, %shift_right_arithmetic3A_386 : i32
      %eq3A_388 = arith.cmpi eq, %shift_right_arithmetic3A_387, %add3A_377 : i32
      %and3A_389 = arith.andi %lt3A_381, %eq3A_388 : i1
      %get3A_390 = arith.constant 1 : i32
      %get3A_391 = arith.index_cast %get3A_390 : i32 to index
      %get3A_392 = arith.index_cast %min3A_379 : i32 to index
      %get3A_393 = memref.load %arg6[%get3A_391, %get3A_392] : memref<2x512xi32, #tpu.memory_space<smem>>
      %select_n3A_394 = arith.select %and3A_389, %get3A_393, %select_n3A_355 : i32
      %sub3A_395 = arith.subi %select_n3A_394, %select_n3A_355 : i32
      %sub3A_396 = arith.constant 1 : i32
      %sub3A_397 = arith.constant 1 : i32
      %sub3A_398 = arith.subi %sub3A_396, %sub3A_397 : i32
      %add3A_399 = arith.addi %sub3A_395, %sub3A_398 : i32
      %div3A_400 = arith.constant 1 : i32
      %div3A_401 = arith.divsi %add3A_399, %div3A_400 : i32
      %while3A_402 = arith.constant 1 : i32
      %while3A_403 = arith.constant 0 : i32
      %while3A_404 = arith.subi %div3A_401, %while3A_403 : i32
      %while3A_405 = arith.addi %while3A_403, %while3A_404 : i32
      %while3A_406 = arith.constant 1 : i32
      %while3A_407 = arith.divsi %while3A_404, %while3A_406 : i32
      %while3A_408 = arith.muli %while3A_407, %while3A_406 : i32
      %while3A_409 = arith.addi %while3A_403, %while3A_408 : i32
      %while3A_410 = arith.constant 1 : i32
      scf.for %while3A_561 = %while3A_403 to %while3A_409 step %while3A_410  : i32 {
        %mul3A_562 = arith.muli %while3A_561, %while3A_402 : i32
        %add3A_563 = arith.addi %select_n3A_355, %mul3A_562 : i32
        %get3A_564 = arith.constant 0 : i32
        %get3A_565 = arith.index_cast %get3A_564 : i32 to index
        %get3A_566 = arith.index_cast %add3A_563 : i32 to index
        %get3A_567 = memref.load %arg6[%get3A_565, %get3A_566] : memref<2x512xi32, #tpu.memory_space<smem>>
        %sub3A_568 = arith.subi %get3A_567, %shift_left3A_294 : i32
        %broadcast_in_dim3A = vector.broadcast %sub3A_568 : i32 to vector<16xi32>
        %broadcast_in_dim3A_569 = vector.broadcast %add3A_563 : i32 to vector<16xi32>
        %add3A_570 = arith.constant 0 : i32
        %add3A_571 = vector.broadcast %add3A_570 : i32 to vector<16xi32>
        %add3A_572 = arith.addi %iota3A, %add3A_571 : vector<16xi32>
        %gather3A = tpu.vector_load_idx %arg8[%add3A_572, %broadcast_in_dim3A] : memref<64x384xf32, #tpu.memory_space<vmem>>[vector<16xi32>, vector<16xi32>], vector<16xf32>,
        tpu.vector_store_idx %arg10[%add3A_572, %broadcast_in_dim3A_569], %gather3A : memref<64x512xf32, #tpu.memory_space<vmem>>[vector<16xi32>, vector<16xi32>], vector<16xf32>,
        %add3A_573 = arith.constant 16 : i32
        %add3A_574 = vector.broadcast %add3A_573 : i32 to vector<16xi32>
        %add3A_575 = arith.addi %iota3A, %add3A_574 : vector<16xi32>
        %gather3A_576 = tpu.vector_load_idx %arg8[%add3A_575, %broadcast_in_dim3A] : memref<64x384xf32, #tpu.memory_space<vmem>>[vector<16xi32>, vector<16xi32>], vector<16xf32>,
        tpu.vector_store_idx %arg10[%add3A_575, %broadcast_in_dim3A_569], %gather3A_576 : memref<64x512xf32, #tpu.memory_space<vmem>>[vector<16xi32>, vector<16xi32>], vector<16xf32>,
        %add3A_577 = arith.constant 32 : i32
        %add3A_578 = vector.broadcast %add3A_577 : i32 to vector<16xi32>
        %add3A_579 = arith.addi %iota3A, %add3A_578 : vector<16xi32>
        %gather3A_580 = tpu.vector_load_idx %arg8[%add3A_579, %broadcast_in_dim3A] : memref<64x384xf32, #tpu.memory_space<vmem>>[vector<16xi32>, vector<16xi32>], vector<16xf32>,
        tpu.vector_store_idx %arg10[%add3A_579, %broadcast_in_dim3A_569], %gather3A_580 : memref<64x512xf32, #tpu.memory_space<vmem>>[vector<16xi32>, vector<16xi32>], vector<16xf32>,
        %add3A_581 = arith.constant 48 : i32
        %add3A_582 = vector.broadcast %add3A_581 : i32 to vector<16xi32>
        %add3A_583 = arith.addi %iota3A, %add3A_582 : vector<16xi32>
        %gather3A_584 = tpu.vector_load_idx %arg8[%add3A_583, %broadcast_in_dim3A] : memref<64x384xf32, #tpu.memory_space<vmem>>[vector<16xi32>, vector<16xi32>], vector<16xf32>,
        tpu.vector_store_idx %arg10[%add3A_583, %broadcast_in_dim3A_569], %gather3A_584 : memref<64x512xf32, #tpu.memory_space<vmem>>[vector<16xi32>, vector<16xi32>], vector<16xf32>,
      }
      %while3A_411 = arith.constant 1 : i32
      scf.for %while3A_561 = %while3A_409 to %while3A_405 step %while3A_411  : i32 {
        %mul3A_562 = arith.muli %while3A_561, %while3A_402 : i32
        %add3A_563 = arith.addi %select_n3A_355, %mul3A_562 : i32
        %get3A_564 = arith.constant 0 : i32
        %get3A_565 = arith.index_cast %get3A_564 : i32 to index
        %get3A_566 = arith.index_cast %add3A_563 : i32 to index
        %get3A_567 = memref.load %arg6[%get3A_565, %get3A_566] : memref<2x512xi32, #tpu.memory_space<smem>>
        %sub3A_568 = arith.subi %get3A_567, %shift_left3A_294 : i32
        %broadcast_in_dim3A = vector.broadcast %sub3A_568 : i32 to vector<16xi32>
        %broadcast_in_dim3A_569 = vector.broadcast %add3A_563 : i32 to vector<16xi32>
        %add3A_570 = arith.constant 0 : i32
        %add3A_571 = vector.broadcast %add3A_570 : i32 to vector<16xi32>
        %add3A_572 = arith.addi %iota3A, %add3A_571 : vector<16xi32>
        %gather3A = tpu.vector_load_idx %arg8[%add3A_572, %broadcast_in_dim3A] : memref<64x384xf32, #tpu.memory_space<vmem>>[vector<16xi32>, vector<16xi32>], vector<16xf32>,
        tpu.vector_store_idx %arg10[%add3A_572, %broadcast_in_dim3A_569], %gather3A : memref<64x512xf32, #tpu.memory_space<vmem>>[vector<16xi32>, vector<16xi32>], vector<16xf32>,
        %add3A_573 = arith.constant 16 : i32
        %add3A_574 = vector.broadcast %add3A_573 : i32 to vector<16xi32>
        %add3A_575 = arith.addi %iota3A, %add3A_574 : vector<16xi32>
        %gather3A_576 = tpu.vector_load_idx %arg8[%add3A_575, %broadcast_in_dim3A] : memref<64x384xf32, #tpu.memory_space<vmem>>[vector<16xi32>, vector<16xi32>], vector<16xf32>,
        tpu.vector_store_idx %arg10[%add3A_575, %broadcast_in_dim3A_569], %gather3A_576 : memref<64x512xf32, #tpu.memory_space<vmem>>[vector<16xi32>, vector<16xi32>], vector<16xf32>,
        %add3A_577 = arith.constant 32 : i32
        %add3A_578 = vector.broadcast %add3A_577 : i32 to vector<16xi32>
        %add3A_579 = arith.addi %iota3A, %add3A_578 : vector<16xi32>
        %gather3A_580 = tpu.vector_load_idx %arg8[%add3A_579, %broadcast_in_dim3A] : memref<64x384xf32, #tpu.memory_space<vmem>>[vector<16xi32>, vector<16xi32>], vector<16xf32>,
        tpu.vector_store_idx %arg10[%add3A_579, %broadcast_in_dim3A_569], %gather3A_580 : memref<64x512xf32, #tpu.memory_space<vmem>>[vector<16xi32>, vector<16xi32>], vector<16xf32>,
        %add3A_581 = arith.constant 48 : i32
        %add3A_582 = vector.broadcast %add3A_581 : i32 to vector<16xi32>
        %add3A_583 = arith.addi %iota3A, %add3A_582 : vector<16xi32>
        %gather3A_584 = tpu.vector_load_idx %arg8[%add3A_583, %broadcast_in_dim3A] : memref<64x384xf32, #tpu.memory_space<vmem>>[vector<16xi32>, vector<16xi32>], vector<16xf32>,
        tpu.vector_store_idx %arg10[%add3A_583, %broadcast_in_dim3A_569], %gather3A_584 : memref<64x512xf32, #tpu.memory_space<vmem>>[vector<16xi32>, vector<16xi32>], vector<16xf32>,
      }
      %add3A_412 = arith.constant 4 : i32
      %add3A_413 = arith.addi %mul3A_118, %add3A_412 : i32
      %mul3A_414 = arith.constant 3 : i32
      %mul3A_415 = arith.muli %add3A_413, %mul3A_414 : i32
      %add3A_416 = arith.addi %shift_right_arithmetic3A_7, %mul3A_415 : i32
      %jit3A_417 = arith.constant 0 : i32
      %jit3A_418 = arith.constant 7810 : i32
      %max3A_419 = arith.maxsi %jit3A_417, %add3A_416 : i32
      %min3A_420 = arith.minsi %jit3A_418, %max3A_419 : i32
      %mul3A_421 = arith.constant 128 : i32
      %mul3A_422 = arith.muli %min3A_420, %mul3A_421 : i32
      %dma_start3A_423 = arith.constant 0 : i32
      %dma_start3A_424 = tpu.memref_slice %arg3[%dma_start3A_423, %mul3A_422] : memref<64x1000000xf32, #tpu.memory_space<hbm>> -> memref<64x384xf32, #tpu.memory_space<hbm>>
      %dma_start3A_425 = arith.constant 0 : i32
      %dma_start3A_426 = tpu.memref_slice %arg3[%dma_start3A_425, %mul3A_422] : memref<64x1000000xf32, #tpu.memory_space<hbm>> -> memref<64x384xf32, #tpu.memory_space<hbm>>
      tpu.enqueue_dma source(%dma_start3A_426 : memref<64x384xf32, #tpu.memory_space<hbm>>) target(%arg8 : memref<64x384xf32, #tpu.memory_space<vmem>>) target_semaphore(%arg12 : memref<!tpu.dma_semaphore, #tpu.memory_space<semaphore_mem>>)
      %dma_wait3A_427 = arith.constant 0 : i32
      %dma_wait3A_428 = arith.constant 0 : i32
      %dma_wait3A_429 = tpu.memref_slice %arg3[%dma_wait3A_427, %dma_wait3A_428] : memref<64x1000000xf32, #tpu.memory_space<hbm>> -> memref<64x384xf32, #tpu.memory_space<hbm>>
      %dma_wait3A_430 = arith.constant 0 : i32
      %dma_wait3A_431 = arith.constant 0 : i32
      %dma_wait3A_432 = tpu.memref_slice %arg3[%dma_wait3A_430, %dma_wait3A_431] : memref<64x1000000xf32, #tpu.memory_space<hbm>> -> memref<64x384xf32, #tpu.memory_space<hbm>>
      tpu.wait_dma2 semaphore(%arg13 : memref<!tpu.dma_semaphore, #tpu.memory_space<semaphore_mem>>) src(%dma_wait3A_432 : memref<64x384xf32, #tpu.memory_space<hbm>>) dst(%arg9 : memref<64x384xf32, #tpu.memory_space<vmem>>)
      %add3A_433 = arith.constant 2 : i32
      %add3A_434 = arith.addi %mul3A_118, %add3A_433 : i32
      %mul3A_435 = arith.constant 3 : i32
      %mul3A_436 = arith.muli %add3A_434, %mul3A_435 : i32
      %add3A_437 = arith.addi %shift_right_arithmetic3A_7, %mul3A_436 : i32
      %jit3A_438 = arith.constant 0 : i32
      %jit3A_439 = arith.constant 7810 : i32
      %max3A_440 = arith.maxsi %jit3A_438, %add3A_437 : i32
      %min3A_441 = arith.minsi %jit3A_439, %max3A_440 : i32
      %shift_left3A_442 = arith.constant 7 : i32
      %shift_left3A_443 = arith.shli %min3A_441, %shift_left3A_442 : i32
      %mul3A_444 = arith.constant 3 : i32
      %mul3A_445 = arith.muli %add3A_434, %mul3A_444 : i32
      %add3A_446 = arith.addi %shift_right_arithmetic3A_7, %mul3A_445 : i32
      %add3A_447 = arith.constant 0 : i32
      %add3A_448 = arith.addi %add3A_446, %add3A_447 : i32
      %min3A_449 = arith.constant 511 : i32
      %min3A_450 = arith.minsi %select_n3A_394, %min3A_449 : i32
      %lt3A_451 = arith.constant 512 : i32
      %lt3A_452 = arith.cmpi slt, %select_n3A_394, %lt3A_451 : i32
      %get3A_453 = arith.constant 0 : i32
      %get3A_454 = arith.index_cast %get3A_453 : i32 to index
      %get3A_455 = arith.index_cast %min3A_450 : i32 to index
      %get3A_456 = memref.load %arg6[%get3A_454, %get3A_455] : memref<2x512xi32, #tpu.memory_space<smem>>
      %shift_right_arithmetic3A_457 = arith.constant 7 : i32
      %shift_right_arithmetic3A_458 = arith.shrsi %get3A_456, %shift_right_arithmetic3A_457 : i32
      %eq3A_459 = arith.cmpi eq, %shift_right_arithmetic3A_458, %add3A_448 : i32
      %and3A_460 = arith.andi %lt3A_452, %eq3A_459 : i1
      %get3A_461 = arith.constant 1 : i32
      %get3A_462 = arith.index_cast %get3A_461 : i32 to index
      %get3A_463 = arith.index_cast %min3A_450 : i32 to index
      %get3A_464 = memref.load %arg6[%get3A_462, %get3A_463] : memref<2x512xi32, #tpu.memory_space<smem>>
      %select_n3A_465 = arith.select %and3A_460, %get3A_464, %select_n3A_394 : i32
      %sub3A_466 = arith.subi %select_n3A_465, %select_n3A_394 : i32
      %sub3A_467 = arith.constant 1 : i32
      %sub3A_468 = arith.constant 1 : i32
      %sub3A_469 = arith.subi %sub3A_467, %sub3A_468 : i32
      %add3A_470 = arith.addi %sub3A_466, %sub3A_469 : i32
      %div3A_471 = arith.constant 1 : i32
      %div3A_472 = arith.divsi %add3A_470, %div3A_471 : i32
      %while3A_473 = arith.constant 1 : i32
      %while3A_474 = arith.constant 0 : i32
      %while3A_475 = arith.subi %div3A_472, %while3A_474 : i32
      %while3A_476 = arith.addi %while3A_474, %while3A_475 : i32
      %while3A_477 = arith.constant 1 : i32
      %while3A_478 = arith.divsi %while3A_475, %while3A_477 : i32
      %while3A_479 = arith.muli %while3A_478, %while3A_477 : i32
      %while3A_480 = arith.addi %while3A_474, %while3A_479 : i32
      %while3A_481 = arith.constant 1 : i32
      scf.for %while3A_561 = %while3A_474 to %while3A_480 step %while3A_481  : i32 {
        %mul3A_562 = arith.muli %while3A_561, %while3A_473 : i32
        %add3A_563 = arith.addi %select_n3A_394, %mul3A_562 : i32
        %get3A_564 = arith.constant 0 : i32
        %get3A_565 = arith.index_cast %get3A_564 : i32 to index
        %get3A_566 = arith.index_cast %add3A_563 : i32 to index
        %get3A_567 = memref.load %arg6[%get3A_565, %get3A_566] : memref<2x512xi32, #tpu.memory_space<smem>>
        %sub3A_568 = arith.subi %get3A_567, %shift_left3A_443 : i32
        %broadcast_in_dim3A = vector.broadcast %sub3A_568 : i32 to vector<16xi32>
        %broadcast_in_dim3A_569 = vector.broadcast %add3A_563 : i32 to vector<16xi32>
        %add3A_570 = arith.constant 0 : i32
        %add3A_571 = vector.broadcast %add3A_570 : i32 to vector<16xi32>
        %add3A_572 = arith.addi %iota3A, %add3A_571 : vector<16xi32>
        %gather3A = tpu.vector_load_idx %arg9[%add3A_572, %broadcast_in_dim3A] : memref<64x384xf32, #tpu.memory_space<vmem>>[vector<16xi32>, vector<16xi32>], vector<16xf32>,
        tpu.vector_store_idx %arg10[%add3A_572, %broadcast_in_dim3A_569], %gather3A : memref<64x512xf32, #tpu.memory_space<vmem>>[vector<16xi32>, vector<16xi32>], vector<16xf32>,
        %add3A_573 = arith.constant 16 : i32
        %add3A_574 = vector.broadcast %add3A_573 : i32 to vector<16xi32>
        %add3A_575 = arith.addi %iota3A, %add3A_574 : vector<16xi32>
        %gather3A_576 = tpu.vector_load_idx %arg9[%add3A_575, %broadcast_in_dim3A] : memref<64x384xf32, #tpu.memory_space<vmem>>[vector<16xi32>, vector<16xi32>], vector<16xf32>,
        tpu.vector_store_idx %arg10[%add3A_575, %broadcast_in_dim3A_569], %gather3A_576 : memref<64x512xf32, #tpu.memory_space<vmem>>[vector<16xi32>, vector<16xi32>], vector<16xf32>,
        %add3A_577 = arith.constant 32 : i32
        %add3A_578 = vector.broadcast %add3A_577 : i32 to vector<16xi32>
        %add3A_579 = arith.addi %iota3A, %add3A_578 : vector<16xi32>
        %gather3A_580 = tpu.vector_load_idx %arg9[%add3A_579, %broadcast_in_dim3A] : memref<64x384xf32, #tpu.memory_space<vmem>>[vector<16xi32>, vector<16xi32>], vector<16xf32>,
        tpu.vector_store_idx %arg10[%add3A_579, %broadcast_in_dim3A_569], %gather3A_580 : memref<64x512xf32, #tpu.memory_space<vmem>>[vector<16xi32>, vector<16xi32>], vector<16xf32>,
        %add3A_581 = arith.constant 48 : i32
        %add3A_582 = vector.broadcast %add3A_581 : i32 to vector<16xi32>
        %add3A_583 = arith.addi %iota3A, %add3A_582 : vector<16xi32>
        %gather3A_584 = tpu.vector_load_idx %arg9[%add3A_583, %broadcast_in_dim3A] : memref<64x384xf32, #tpu.memory_space<vmem>>[vector<16xi32>, vector<16xi32>], vector<16xf32>,
        tpu.vector_store_idx %arg10[%add3A_583, %broadcast_in_dim3A_569], %gather3A_584 : memref<64x512xf32, #tpu.memory_space<vmem>>[vector<16xi32>, vector<16xi32>], vector<16xf32>,
      }
      %while3A_482 = arith.constant 1 : i32
      scf.for %while3A_561 = %while3A_480 to %while3A_476 step %while3A_482  : i32 {
        %mul3A_562 = arith.muli %while3A_561, %while3A_473 : i32
        %add3A_563 = arith.addi %select_n3A_394, %mul3A_562 : i32
        %get3A_564 = arith.constant 0 : i32
        %get3A_565 = arith.index_cast %get3A_564 : i32 to index
        %get3A_566 = arith.index_cast %add3A_563 : i32 to index
        %get3A_567 = memref.load %arg6[%get3A_565, %get3A_566] : memref<2x512xi32, #tpu.memory_space<smem>>
        %sub3A_568 = arith.subi %get3A_567, %shift_left3A_443 : i32
        %broadcast_in_dim3A = vector.broadcast %sub3A_568 : i32 to vector<16xi32>
        %broadcast_in_dim3A_569 = vector.broadcast %add3A_563 : i32 to vector<16xi32>
        %add3A_570 = arith.constant 0 : i32
        %add3A_571 = vector.broadcast %add3A_570 : i32 to vector<16xi32>
        %add3A_572 = arith.addi %iota3A, %add3A_571 : vector<16xi32>
        %gather3A = tpu.vector_load_idx %arg9[%add3A_572, %broadcast_in_dim3A] : memref<64x384xf32, #tpu.memory_space<vmem>>[vector<16xi32>, vector<16xi32>], vector<16xf32>,
        tpu.vector_store_idx %arg10[%add3A_572, %broadcast_in_dim3A_569], %gather3A : memref<64x512xf32, #tpu.memory_space<vmem>>[vector<16xi32>, vector<16xi32>], vector<16xf32>,
        %add3A_573 = arith.constant 16 : i32
        %add3A_574 = vector.broadcast %add3A_573 : i32 to vector<16xi32>
        %add3A_575 = arith.addi %iota3A, %add3A_574 : vector<16xi32>
        %gather3A_576 = tpu.vector_load_idx %arg9[%add3A_575, %broadcast_in_dim3A] : memref<64x384xf32, #tpu.memory_space<vmem>>[vector<16xi32>, vector<16xi32>], vector<16xf32>,
        tpu.vector_store_idx %arg10[%add3A_575, %broadcast_in_dim3A_569], %gather3A_576 : memref<64x512xf32, #tpu.memory_space<vmem>>[vector<16xi32>, vector<16xi32>], vector<16xf32>,
        %add3A_577 = arith.constant 32 : i32
        %add3A_578 = vector.broadcast %add3A_577 : i32 to vector<16xi32>
        %add3A_579 = arith.addi %iota3A, %add3A_578 : vector<16xi32>
        %gather3A_580 = tpu.vector_load_idx %arg9[%add3A_579, %broadcast_in_dim3A] : memref<64x384xf32, #tpu.memory_space<vmem>>[vector<16xi32>, vector<16xi32>], vector<16xf32>,
        tpu.vector_store_idx %arg10[%add3A_579, %broadcast_in_dim3A_569], %gather3A_580 : memref<64x512xf32, #tpu.memory_space<vmem>>[vector<16xi32>, vector<16xi32>], vector<16xf32>,
        %add3A_581 = arith.constant 48 : i32
        %add3A_582 = vector.broadcast %add3A_581 : i32 to vector<16xi32>
        %add3A_583 = arith.addi %iota3A, %add3A_582 : vector<16xi32>
        %gather3A_584 = tpu.vector_load_idx %arg9[%add3A_583, %broadcast_in_dim3A] : memref<64x384xf32, #tpu.memory_space<vmem>>[vector<16xi32>, vector<16xi32>], vector<16xf32>,
        tpu.vector_store_idx %arg10[%add3A_583, %broadcast_in_dim3A_569], %gather3A_584 : memref<64x512xf32, #tpu.memory_space<vmem>>[vector<16xi32>, vector<16xi32>], vector<16xf32>,
      }
      %mul3A_483 = arith.constant 3 : i32
      %mul3A_484 = arith.muli %add3A_434, %mul3A_483 : i32
      %add3A_485 = arith.addi %shift_right_arithmetic3A_7, %mul3A_484 : i32
      %add3A_486 = arith.constant 1 : i32
      %add3A_487 = arith.addi %add3A_485, %add3A_486 : i32
      %min3A_488 = arith.constant 511 : i32
      %min3A_489 = arith.minsi %select_n3A_465, %min3A_488 : i32
      %lt3A_490 = arith.constant 512 : i32
      %lt3A_491 = arith.cmpi slt, %select_n3A_465, %lt3A_490 : i32
      %get3A_492 = arith.constant 0 : i32
      %get3A_493 = arith.index_cast %get3A_492 : i32 to index
      %get3A_494 = arith.index_cast %min3A_489 : i32 to index
      %get3A_495 = memref.load %arg6[%get3A_493, %get3A_494] : memref<2x512xi32, #tpu.memory_space<smem>>
      %shift_right_arithmetic3A_496 = arith.constant 7 : i32
      %shift_right_arithmetic3A_497 = arith.shrsi %get3A_495, %shift_right_arithmetic3A_496 : i32
      %eq3A_498 = arith.cmpi eq, %shift_right_arithmetic3A_497, %add3A_487 : i32
      %and3A_499 = arith.andi %lt3A_491, %eq3A_498 : i1
      %get3A_500 = arith.constant 1 : i32
      %get3A_501 = arith.index_cast %get3A_500 : i32 to index
      %get3A_502 = arith.index_cast %min3A_489 : i32 to index
      %get3A_503 = memref.load %arg6[%get3A_501, %get3A_502] : memref<2x512xi32, #tpu.memory_space<smem>>
      %select_n3A_504 = arith.select %and3A_499, %get3A_503, %select_n3A_465 : i32
      %sub3A_505 = arith.subi %select_n3A_504, %select_n3A_465 : i32
      %sub3A_506 = arith.constant 1 : i32
      %sub3A_507 = arith.constant 1 : i32
      %sub3A_508 = arith.subi %sub3A_506, %sub3A_507 : i32
      %add3A_509 = arith.addi %sub3A_505, %sub3A_508 : i32
      %div3A_510 = arith.constant 1 : i32
      %div3A_511 = arith.divsi %add3A_509, %div3A_510 : i32
      %while3A_512 = arith.constant 1 : i32
      %while3A_513 = arith.constant 0 : i32
      %while3A_514 = arith.subi %div3A_511, %while3A_513 : i32
      %while3A_515 = arith.addi %while3A_513, %while3A_514 : i32
      %while3A_516 = arith.constant 1 : i32
      %while3A_517 = arith.divsi %while3A_514, %while3A_516 : i32
      %while3A_518 = arith.muli %while3A_517, %while3A_516 : i32
      %while3A_519 = arith.addi %while3A_513, %while3A_518 : i32
      %while3A_520 = arith.constant 1 : i32
      scf.for %while3A_561 = %while3A_513 to %while3A_519 step %while3A_520  : i32 {
        %mul3A_562 = arith.muli %while3A_561, %while3A_512 : i32
        %add3A_563 = arith.addi %select_n3A_465, %mul3A_562 : i32
        %get3A_564 = arith.constant 0 : i32
        %get3A_565 = arith.index_cast %get3A_564 : i32 to index
        %get3A_566 = arith.index_cast %add3A_563 : i32 to index
        %get3A_567 = memref.load %arg6[%get3A_565, %get3A_566] : memref<2x512xi32, #tpu.memory_space<smem>>
        %sub3A_568 = arith.subi %get3A_567, %shift_left3A_443 : i32
        %broadcast_in_dim3A = vector.broadcast %sub3A_568 : i32 to vector<16xi32>
        %broadcast_in_dim3A_569 = vector.broadcast %add3A_563 : i32 to vector<16xi32>
        %add3A_570 = arith.constant 0 : i32
        %add3A_571 = vector.broadcast %add3A_570 : i32 to vector<16xi32>
        %add3A_572 = arith.addi %iota3A, %add3A_571 : vector<16xi32>
        %gather3A = tpu.vector_load_idx %arg9[%add3A_572, %broadcast_in_dim3A] : memref<64x384xf32, #tpu.memory_space<vmem>>[vector<16xi32>, vector<16xi32>], vector<16xf32>,
        tpu.vector_store_idx %arg10[%add3A_572, %broadcast_in_dim3A_569], %gather3A : memref<64x512xf32, #tpu.memory_space<vmem>>[vector<16xi32>, vector<16xi32>], vector<16xf32>,
        %add3A_573 = arith.constant 16 : i32
        %add3A_574 = vector.broadcast %add3A_573 : i32 to vector<16xi32>
        %add3A_575 = arith.addi %iota3A, %add3A_574 : vector<16xi32>
        %gather3A_576 = tpu.vector_load_idx %arg9[%add3A_575, %broadcast_in_dim3A] : memref<64x384xf32, #tpu.memory_space<vmem>>[vector<16xi32>, vector<16xi32>], vector<16xf32>,
        tpu.vector_store_idx %arg10[%add3A_575, %broadcast_in_dim3A_569], %gather3A_576 : memref<64x512xf32, #tpu.memory_space<vmem>>[vector<16xi32>, vector<16xi32>], vector<16xf32>,
        %add3A_577 = arith.constant 32 : i32
        %add3A_578 = vector.broadcast %add3A_577 : i32 to vector<16xi32>
        %add3A_579 = arith.addi %iota3A, %add3A_578 : vector<16xi32>
        %gather3A_580 = tpu.vector_load_idx %arg9[%add3A_579, %broadcast_in_dim3A] : memref<64x384xf32, #tpu.memory_space<vmem>>[vector<16xi32>, vector<16xi32>], vector<16xf32>,
        tpu.vector_store_idx %arg10[%add3A_579, %broadcast_in_dim3A_569], %gather3A_580 : memref<64x512xf32, #tpu.memory_space<vmem>>[vector<16xi32>, vector<16xi32>], vector<16xf32>,
        %add3A_581 = arith.constant 48 : i32
        %add3A_582 = vector.broadcast %add3A_581 : i32 to vector<16xi32>
        %add3A_583 = arith.addi %iota3A, %add3A_582 : vector<16xi32>
        %gather3A_584 = tpu.vector_load_idx %arg9[%add3A_583, %broadcast_in_dim3A] : memref<64x384xf32, #tpu.memory_space<vmem>>[vector<16xi32>, vector<16xi32>], vector<16xf32>,
        tpu.vector_store_idx %arg10[%add3A_583, %broadcast_in_dim3A_569], %gather3A_584 : memref<64x512xf32, #tpu.memory_space<vmem>>[vector<16xi32>, vector<16xi32>], vector<16xf32>,
      }
      %while3A_521 = arith.constant 1 : i32
      scf.for %while3A_561 = %while3A_519 to %while3A_515 step %while3A_521  : i32 {
        %mul3A_562 = arith.muli %while3A_561, %while3A_512 : i32
        %add3A_563 = arith.addi %select_n3A_465, %mul3A_562 : i32
        %get3A_564 = arith.constant 0 : i32
        %get3A_565 = arith.index_cast %get3A_564 : i32 to index
        %get3A_566 = arith.index_cast %add3A_563 : i32 to index
        %get3A_567 = memref.load %arg6[%get3A_565, %get3A_566] : memref<2x512xi32, #tpu.memory_space<smem>>
        %sub3A_568 = arith.subi %get3A_567, %shift_left3A_443 : i32
        %broadcast_in_dim3A = vector.broadcast %sub3A_568 : i32 to vector<16xi32>
        %broadcast_in_dim3A_569 = vector.broadcast %add3A_563 : i32 to vector<16xi32>
        %add3A_570 = arith.constant 0 : i32
        %add3A_571 = vector.broadcast %add3A_570 : i32 to vector<16xi32>
        %add3A_572 = arith.addi %iota3A, %add3A_571 : vector<16xi32>
        %gather3A = tpu.vector_load_idx %arg9[%add3A_572, %broadcast_in_dim3A] : memref<64x384xf32, #tpu.memory_space<vmem>>[vector<16xi32>, vector<16xi32>], vector<16xf32>,
        tpu.vector_store_idx %arg10[%add3A_572, %broadcast_in_dim3A_569], %gather3A : memref<64x512xf32, #tpu.memory_space<vmem>>[vector<16xi32>, vector<16xi32>], vector<16xf32>,
        %add3A_573 = arith.constant 16 : i32
        %add3A_574 = vector.broadcast %add3A_573 : i32 to vector<16xi32>
        %add3A_575 = arith.addi %iota3A, %add3A_574 : vector<16xi32>
        %gather3A_576 = tpu.vector_load_idx %arg9[%add3A_575, %broadcast_in_dim3A] : memref<64x384xf32, #tpu.memory_space<vmem>>[vector<16xi32>, vector<16xi32>], vector<16xf32>,
        tpu.vector_store_idx %arg10[%add3A_575, %broadcast_in_dim3A_569], %gather3A_576 : memref<64x512xf32, #tpu.memory_space<vmem>>[vector<16xi32>, vector<16xi32>], vector<16xf32>,
        %add3A_577 = arith.constant 32 : i32
        %add3A_578 = vector.broadcast %add3A_577 : i32 to vector<16xi32>
        %add3A_579 = arith.addi %iota3A, %add3A_578 : vector<16xi32>
        %gather3A_580 = tpu.vector_load_idx %arg9[%add3A_579, %broadcast_in_dim3A] : memref<64x384xf32, #tpu.memory_space<vmem>>[vector<16xi32>, vector<16xi32>], vector<16xf32>,
        tpu.vector_store_idx %arg10[%add3A_579, %broadcast_in_dim3A_569], %gather3A_580 : memref<64x512xf32, #tpu.memory_space<vmem>>[vector<16xi32>, vector<16xi32>], vector<16xf32>,
        %add3A_581 = arith.constant 48 : i32
        %add3A_582 = vector.broadcast %add3A_581 : i32 to vector<16xi32>
        %add3A_583 = arith.addi %iota3A, %add3A_582 : vector<16xi32>
        %gather3A_584 = tpu.vector_load_idx %arg9[%add3A_583, %broadcast_in_dim3A] : memref<64x384xf32, #tpu.memory_space<vmem>>[vector<16xi32>, vector<16xi32>], vector<16xf32>,
        tpu.vector_store_idx %arg10[%add3A_583, %broadcast_in_dim3A_569], %gather3A_584 : memref<64x512xf32, #tpu.memory_space<vmem>>[vector<16xi32>, vector<16xi32>], vector<16xf32>,
      }
      %mul3A_522 = arith.constant 3 : i32
      %mul3A_523 = arith.muli %add3A_434, %mul3A_522 : i32
      %add3A_524 = arith.addi %shift_right_arithmetic3A_7, %mul3A_523 : i32
      %add3A_525 = arith.constant 2 : i32
      %add3A_526 = arith.addi %add3A_524, %add3A_525 : i32
      %min3A_527 = arith.constant 511 : i32
      %min3A_528 = arith.minsi %select_n3A_504, %min3A_527 : i32
      %lt3A_529 = arith.constant 512 : i32
      %lt3A_530 = arith.cmpi slt, %select_n3A_504, %lt3A_529 : i32
      %get3A_531 = arith.constant 0 : i32
      %get3A_532 = arith.index_cast %get3A_531 : i32 to index
      %get3A_533 = arith.index_cast %min3A_528 : i32 to index
      %get3A_534 = memref.load %arg6[%get3A_532, %get3A_533] : memref<2x512xi32, #tpu.memory_space<smem>>
      %shift_right_arithmetic3A_535 = arith.constant 7 : i32
      %shift_right_arithmetic3A_536 = arith.shrsi %get3A_534, %shift_right_arithmetic3A_535 : i32
      %eq3A_537 = arith.cmpi eq, %shift_right_arithmetic3A_536, %add3A_526 : i32
      %and3A_538 = arith.andi %lt3A_530, %eq3A_537 : i1
      %get3A_539 = arith.constant 1 : i32
      %get3A_540 = arith.index_cast %get3A_539 : i32 to index
      %get3A_541 = arith.index_cast %min3A_528 : i32 to index
      %get3A_542 = memref.load %arg6[%get3A_540, %get3A_541] : memref<2x512xi32, #tpu.memory_space<smem>>
      %select_n3A_543 = arith.select %and3A_538, %get3A_542, %select_n3A_504 : i32
      %sub3A_544 = arith.subi %select_n3A_543, %select_n3A_504 : i32
      %sub3A_545 = arith.constant 1 : i32
      %sub3A_546 = arith.constant 1 : i32
      %sub3A_547 = arith.subi %sub3A_545, %sub3A_546 : i32
      %add3A_548 = arith.addi %sub3A_544, %sub3A_547 : i32
      %div3A_549 = arith.constant 1 : i32
      %div3A_550 = arith.divsi %add3A_548, %div3A_549 : i32
      %while3A_551 = arith.constant 1 : i32
      %while3A_552 = arith.constant 0 : i32
      %while3A_553 = arith.subi %div3A_550, %while3A_552 : i32
      %while3A_554 = arith.addi %while3A_552, %while3A_553 : i32
      %while3A_555 = arith.constant 1 : i32
      %while3A_556 = arith.divsi %while3A_553, %while3A_555 : i32
      %while3A_557 = arith.muli %while3A_556, %while3A_555 : i32
      %while3A_558 = arith.addi %while3A_552, %while3A_557 : i32
      %while3A_559 = arith.constant 1 : i32
      scf.for %while3A_561 = %while3A_552 to %while3A_558 step %while3A_559  : i32 {
        %mul3A_562 = arith.muli %while3A_561, %while3A_551 : i32
        %add3A_563 = arith.addi %select_n3A_504, %mul3A_562 : i32
        %get3A_564 = arith.constant 0 : i32
        %get3A_565 = arith.index_cast %get3A_564 : i32 to index
        %get3A_566 = arith.index_cast %add3A_563 : i32 to index
        %get3A_567 = memref.load %arg6[%get3A_565, %get3A_566] : memref<2x512xi32, #tpu.memory_space<smem>>
        %sub3A_568 = arith.subi %get3A_567, %shift_left3A_443 : i32
        %broadcast_in_dim3A = vector.broadcast %sub3A_568 : i32 to vector<16xi32>
        %broadcast_in_dim3A_569 = vector.broadcast %add3A_563 : i32 to vector<16xi32>
        %add3A_570 = arith.constant 0 : i32
        %add3A_571 = vector.broadcast %add3A_570 : i32 to vector<16xi32>
        %add3A_572 = arith.addi %iota3A, %add3A_571 : vector<16xi32>
        %gather3A = tpu.vector_load_idx %arg9[%add3A_572, %broadcast_in_dim3A] : memref<64x384xf32, #tpu.memory_space<vmem>>[vector<16xi32>, vector<16xi32>], vector<16xf32>,
        tpu.vector_store_idx %arg10[%add3A_572, %broadcast_in_dim3A_569], %gather3A : memref<64x512xf32, #tpu.memory_space<vmem>>[vector<16xi32>, vector<16xi32>], vector<16xf32>,
        %add3A_573 = arith.constant 16 : i32
        %add3A_574 = vector.broadcast %add3A_573 : i32 to vector<16xi32>
        %add3A_575 = arith.addi %iota3A, %add3A_574 : vector<16xi32>
        %gather3A_576 = tpu.vector_load_idx %arg9[%add3A_575, %broadcast_in_dim3A] : memref<64x384xf32, #tpu.memory_space<vmem>>[vector<16xi32>, vector<16xi32>], vector<16xf32>,
        tpu.vector_store_idx %arg10[%add3A_575, %broadcast_in_dim3A_569], %gather3A_576 : memref<64x512xf32, #tpu.memory_space<vmem>>[vector<16xi32>, vector<16xi32>], vector<16xf32>,
        %add3A_577 = arith.constant 32 : i32
        %add3A_578 = vector.broadcast %add3A_577 : i32 to vector<16xi32>
        %add3A_579 = arith.addi %iota3A, %add3A_578 : vector<16xi32>
        %gather3A_580 = tpu.vector_load_idx %arg9[%add3A_579, %broadcast_in_dim3A] : memref<64x384xf32, #tpu.memory_space<vmem>>[vector<16xi32>, vector<16xi32>], vector<16xf32>,
        tpu.vector_store_idx %arg10[%add3A_579, %broadcast_in_dim3A_569], %gather3A_580 : memref<64x512xf32, #tpu.memory_space<vmem>>[vector<16xi32>, vector<16xi32>], vector<16xf32>,
        %add3A_581 = arith.constant 48 : i32
        %add3A_582 = vector.broadcast %add3A_581 : i32 to vector<16xi32>
        %add3A_583 = arith.addi %iota3A, %add3A_582 : vector<16xi32>
        %gather3A_584 = tpu.vector_load_idx %arg9[%add3A_583, %broadcast_in_dim3A] : memref<64x384xf32, #tpu.memory_space<vmem>>[vector<16xi32>, vector<16xi32>], vector<16xf32>,
        tpu.vector_store_idx %arg10[%add3A_583, %broadcast_in_dim3A_569], %gather3A_584 : memref<64x512xf32, #tpu.memory_space<vmem>>[vector<16xi32>, vector<16xi32>], vector<16xf32>,
      }
      %while3A_560 = arith.constant 1 : i32
      scf.for %while3A_561 = %while3A_558 to %while3A_554 step %while3A_560  : i32 {
        %mul3A_562 = arith.muli %while3A_561, %while3A_551 : i32
        %add3A_563 = arith.addi %select_n3A_504, %mul3A_562 : i32
        %get3A_564 = arith.constant 0 : i32
        %get3A_565 = arith.index_cast %get3A_564 : i32 to index
        %get3A_566 = arith.index_cast %add3A_563 : i32 to index
        %get3A_567 = memref.load %arg6[%get3A_565, %get3A_566] : memref<2x512xi32, #tpu.memory_space<smem>>
        %sub3A_568 = arith.subi %get3A_567, %shift_left3A_443 : i32
        %broadcast_in_dim3A = vector.broadcast %sub3A_568 : i32 to vector<16xi32>
        %broadcast_in_dim3A_569 = vector.broadcast %add3A_563 : i32 to vector<16xi32>
        %add3A_570 = arith.constant 0 : i32
        %add3A_571 = vector.broadcast %add3A_570 : i32 to vector<16xi32>
        %add3A_572 = arith.addi %iota3A, %add3A_571 : vector<16xi32>
        %gather3A = tpu.vector_load_idx %arg9[%add3A_572, %broadcast_in_dim3A] : memref<64x384xf32, #tpu.memory_space<vmem>>[vector<16xi32>, vector<16xi32>], vector<16xf32>,
        tpu.vector_store_idx %arg10[%add3A_572, %broadcast_in_dim3A_569], %gather3A : memref<64x512xf32, #tpu.memory_space<vmem>>[vector<16xi32>, vector<16xi32>], vector<16xf32>,
        %add3A_573 = arith.constant 16 : i32
        %add3A_574 = vector.broadcast %add3A_573 : i32 to vector<16xi32>
        %add3A_575 = arith.addi %iota3A, %add3A_574 : vector<16xi32>
        %gather3A_576 = tpu.vector_load_idx %arg9[%add3A_575, %broadcast_in_dim3A] : memref<64x384xf32, #tpu.memory_space<vmem>>[vector<16xi32>, vector<16xi32>], vector<16xf32>,
        tpu.vector_store_idx %arg10[%add3A_575, %broadcast_in_dim3A_569], %gather3A_576 : memref<64x512xf32, #tpu.memory_space<vmem>>[vector<16xi32>, vector<16xi32>], vector<16xf32>,
        %add3A_577 = arith.constant 32 : i32
        %add3A_578 = vector.broadcast %add3A_577 : i32 to vector<16xi32>
        %add3A_579 = arith.addi %iota3A, %add3A_578 : vector<16xi32>
        %gather3A_580 = tpu.vector_load_idx %arg9[%add3A_579, %broadcast_in_dim3A] : memref<64x384xf32, #tpu.memory_space<vmem>>[vector<16xi32>, vector<16xi32>], vector<16xf32>,
        tpu.vector_store_idx %arg10[%add3A_579, %broadcast_in_dim3A_569], %gather3A_580 : memref<64x512xf32, #tpu.memory_space<vmem>>[vector<16xi32>, vector<16xi32>], vector<16xf32>,
        %add3A_581 = arith.constant 48 : i32
        %add3A_582 = vector.broadcast %add3A_581 : i32 to vector<16xi32>
        %add3A_583 = arith.addi %iota3A, %add3A_582 : vector<16xi32>
        %gather3A_584 = tpu.vector_load_idx %arg9[%add3A_583, %broadcast_in_dim3A] : memref<64x384xf32, #tpu.memory_space<vmem>>[vector<16xi32>, vector<16xi32>], vector<16xf32>,
        tpu.vector_store_idx %arg10[%add3A_583, %broadcast_in_dim3A_569], %gather3A_584 : memref<64x512xf32, #tpu.memory_space<vmem>>[vector<16xi32>, vector<16xi32>], vector<16xf32>,
      }
      scf.yield %select_n3A_543 : i32
    }
    %dma_wait3A = arith.constant 0 : i32
    %dma_wait3A_102 = arith.constant 0 : i32
    %dma_wait3A_103 = tpu.memref_slice %arg3[%dma_wait3A, %dma_wait3A_102] : memref<64x1000000xf32, #tpu.memory_space<hbm>> -> memref<64x384xf32, #tpu.memory_space<hbm>>
    %dma_wait3A_104 = arith.constant 0 : i32
    %dma_wait3A_105 = arith.constant 0 : i32
    %dma_wait3A_106 = tpu.memref_slice %arg3[%dma_wait3A_104, %dma_wait3A_105] : memref<64x1000000xf32, #tpu.memory_space<hbm>> -> memref<64x384xf32, #tpu.memory_space<hbm>>
    tpu.wait_dma2 semaphore(%arg11 : memref<!tpu.dma_semaphore, #tpu.memory_space<semaphore_mem>>) src(%dma_wait3A_106 : memref<64x384xf32, #tpu.memory_space<hbm>>) dst(%arg7 : memref<64x384xf32, #tpu.memory_space<vmem>>)
    %dma_wait3A_107 = arith.constant 0 : i32
    %dma_wait3A_108 = arith.constant 0 : i32
    %dma_wait3A_109 = tpu.memref_slice %arg3[%dma_wait3A_107, %dma_wait3A_108] : memref<64x1000000xf32, #tpu.memory_space<hbm>> -> memref<64x384xf32, #tpu.memory_space<hbm>>
    %dma_wait3A_110 = arith.constant 0 : i32
    %dma_wait3A_111 = arith.constant 0 : i32
    %dma_wait3A_112 = tpu.memref_slice %arg3[%dma_wait3A_110, %dma_wait3A_111] : memref<64x1000000xf32, #tpu.memory_space<hbm>> -> memref<64x384xf32, #tpu.memory_space<hbm>>
    tpu.wait_dma2 semaphore(%arg12 : memref<!tpu.dma_semaphore, #tpu.memory_space<semaphore_mem>>) src(%dma_wait3A_112 : memref<64x384xf32, #tpu.memory_space<hbm>>) dst(%arg8 : memref<64x384xf32, #tpu.memory_space<vmem>>)
    "tpu.region"() ({
      %run_scoped3A = tpu.sem_alloc : memref<!tpu.dma_semaphore, #tpu.memory_space<semaphore_mem>>
      %dma_start3A_113 = arith.constant 0 : i32
      %dma_start3A_114 = tpu.memref_slice %arg4[%dma_start3A_113, %mul3A_2] : memref<64x16384xf32, #tpu.memory_space<hbm>> -> memref<64x512xf32, #tpu.memory_space<hbm>>
      %dma_start3A_115 = arith.constant 0 : i32
      %dma_start3A_116 = tpu.memref_slice %arg4[%dma_start3A_115, %mul3A_2] : memref<64x16384xf32, #tpu.memory_space<hbm>> -> memref<64x512xf32, #tpu.memory_space<hbm>>
      tpu.enqueue_dma source(%arg10 : memref<64x512xf32, #tpu.memory_space<vmem>>) target(%dma_start3A_116 : memref<64x512xf32, #tpu.memory_space<hbm>>) target_semaphore(%run_scoped3A : memref<!tpu.dma_semaphore, #tpu.memory_space<semaphore_mem>>)
      %dma_wait3A_117 = arith.constant 0 : i32
      %dma_wait3A_118 = tpu.memref_slice %arg4[%dma_wait3A_117, %mul3A_2] : memref<64x16384xf32, #tpu.memory_space<hbm>> -> memref<64x512xf32, #tpu.memory_space<hbm>>
      %dma_wait3A_119 = arith.constant 0 : i32
      %dma_wait3A_120 = tpu.memref_slice %arg4[%dma_wait3A_119, %mul3A_2] : memref<64x16384xf32, #tpu.memory_space<hbm>> -> memref<64x512xf32, #tpu.memory_space<hbm>>
      tpu.wait_dma2 semaphore(%run_scoped3A : memref<!tpu.dma_semaphore, #tpu.memory_space<semaphore_mem>>) src(%arg10 : memref<64x512xf32, #tpu.memory_space<vmem>>) dst(%dma_wait3A_120 : memref<64x512xf32, #tpu.memory_space<hbm>>)
      tpu.yield
    }) : () -> ()
    return
  }
}

</mosaic_0001>

<sc_bundles>
// kernel: _sweep.3.cloned.1.call-start
scs
__scs_entry_jumppad:
0x0: {  	(pc) =	sbr.rel $0x88, $3  }
0x1: {  	(tag) =	ssettag $0x0;
	lr =	simm.s32 $0x1  }
0x2: {  	[smem:$0x3F9F] =	sst lr;
	_ =	strace $0xD0000000  }
0x3: {  	_ = 	snop  }
0x4: {  	_ = 	snop  }
0x5: {  	_ = 	snop  }
0x6: {  	_ = 	snop  }
0x7: {  	_ = 	snop  }
__scs_overlays_trampoline_lowered:
0x8: {  	[smem:$0x3FAE] =	sst s0  }
0x9: {  	[smem:$0x3FAF] =	sst s1  }
0xa: {  	[smem:$0x3FB0] =	sst s2  }
0xb: {  	[smem:$0x3FB1] =	sst s3  }
0xc: {  	[smem:$0x3FB2] =	sst s4  }
0xd: {  	[smem:$0x3FB3] =	sst s5  }
0xe: {  	[smem:$0x3FB4] =	sst s6  }
0xf: {  	[smem:$0x3FB5] =	sst s7  }
0x10: {  	[smem:$0x3FB6] =	sst s8  }
0x11: {  	[smem:$0x3FB7] =	sst s9;
	s0 =	simm.s32 @!p0 $0x0  }
0x12: {  	s1 =	sld [smem:$0x3F9D];
	s0 =	simm.s32 @p0 $0x1  }
0x13: {  	[smem:$0x3FB8] =	sst s0;
	s0 =	simm.s32 @!p1 $0x0  }
0x14: {  	s2 =	sld [smem:$0x3F9C];
	s0 =	simm.s32 @p1 $0x1  }
0x15: {  	[smem:$0x3FB9] =	sst s0;
	s0 =	simm.s32 @!p2 $0x0  }
0x16: {  	s3 =	sld [smem:$0x3FDB];
	s0 =	simm.s32 @p2 $0x1  }
0x17: {  	s4 =	simm.s32 $0x1BF5;
	[smem:$0x3FBB] =	sst s0  }
0x18: {  	s0 =	sld [smem:$0x3F9E];
	_ =	swait.ge [sflag:s4], $0x0  }
0x19: {  	s7 =	sld [smem:$0x3F9F]  }
0x1a: {  	s8 =	sadd.s32 $0xFFFFE003, lr  }
0x1b: {  	s9 =	sadd.s32 $0xFFFFFEF7, lr;
	s5 =	simm.s32 $0xFFFFFFFF;
	p2 =	slt.u32 s8, $0xFFFFF086  }
0x1c: {  	p1 =	slt.u32 s9, $0xF7A;
	s5 =	simm.s32 @!p2 $0x0  }
0x1d: {  	s5 =	simm.s32 @p1 $0x1;
	p0 =	seq.s32 s7, s2  }
0x1e: {  	s7 =	smul.u32 @!p0 $0xF7A, s2;
	p2 =	seq.s32 @!p0 s5, $0x0  }
0x1f: {  	s9 =	smul.u32 $0xF7A, s1;
	s8 =	simm.s32 @!p0 $0x1BF5;
	p2 =	por !p2, p0  }
0x20: {  	[sflag:s8] =	ssyncset.s32 @!p0 $0xFFFFF086;
	s6 =	sadd.s32 @!p0 s3, s7;
	s7 =	simm.s32 @!p0 $0x108  }
0x21: {  	s3 =	sadd.s32 s3, s9;
	s6 =	sadd.s32 @!p0 $0x88, s6;
	s7 =	simm.s32 @p2 $0x1082  }
0x22: {  	[simem:s7], [sflag:s8] =	dma.local @!p0 [hbm:s6], $0xF7A  }
0x23: {  	s9 =	sor.u32 $0xD0000000, s2;
	s6 =	simm.s32 $0x108;
	_ =	swait.ge @!p0 [sflag:s8], $0x0  }
0x24: {  	s3 =	sadd.s32 $0x88, s3;
	s6 =	simm.s32 @!p1 $0x1082;
	[sflag:s4] =	ssyncset.s32 $0xFFFFF086  }
0x25: {  	[simem:s6], [sflag:s4] =	dma.local [hbm:s3], $0xF7A  }
0x26: {  	[smem:$0x3F9F] =	sst s1;
	(tag) =	ssettag s2;
	_ =	strace s9  }
0x27: {  	s1 =	sld [smem:$0x3FAF]  }
0x28: {  	s2 =	sld [smem:$0x3FB0]  }
0x29: {  	s4 =	sld [smem:$0x3FB2]  }
0x2a: {  	p0 =	seq.s32 s5, $0x0;
	s5 =	sld [smem:$0x3FB3]  }
0x2b: {  	s6 =	sld [smem:$0x3FB4]  }
0x2c: {  	s7 =	sld [smem:$0x3FB5]  }
0x2d: {  	s3 =	simm.s32 $0x108;
	s8 =	sld [smem:$0x3FB6]  }
0x2e: {  	s3 =	simm.s32 @!p0 $0x1082;
	s9 =	sld [smem:$0x3FB7]  }
0x2f: {  	lr =	sadd.s32 s0, s3;
	s0 =	sld [smem:$0x3FAE]  }
0x30: {  	s3 =	sld [smem:$0x3FB1]  }
0x31: {  	[smem:$0x3FBA] =	sst s10  }
0x32: {  	s10 =	sld [smem:$0x3FB8];
	_ =	sdelay $0x3  }
0x33: {  	p0 =	seq.s32 s10, $0x1;
	s10 =	sld [smem:$0x3FBA];
	_ =	sdelay $0x3  }
0x34: {  	[smem:$0x3FBA] =	sst s10  }
0x35: {  	s10 =	sld [smem:$0x3FB9];
	_ =	sdelay $0x3  }
0x36: {  	p1 =	seq.s32 s10, $0x1;
	s10 =	sld [smem:$0x3FBA];
	_ =	sdelay $0x3  }
0x37: {  	[smem:$0x3FBA] =	sst s10  }
0x38: {  	s10 =	sld [smem:$0x3FBB]  }
0x39: {  	_ = 	snop;
	(pc) =	sbr.ind lr, $3  }
0x3a: {  	_ = 	snop  }
0x3b: {  	_ = 	snop  }
0x3c: {  	p2 =	seq.s32 s10, $0x1;
	s10 =	sld [smem:$0x3FBA]  }
0x3d: {  	_ =	shalt  }
0x3e: {  	_ =	shalt  }
0x3f: {  	_ =	shalt  }
0x40: {  	_ =	shalt  }
0x41: {  	_ =	shalt  }
0x42: {  	_ =	shalt  }
0x43: {  	_ =	shalt  }
0x44: {  	_ =	shalt  }
0x45: {  	_ =	shalt  }
0x46: {  	_ =	shalt  }
0x47: {  	_ =	shalt  }
0x48: {  	_ =	shalt  }
0x49: {  	_ =	shalt  }
0x4a: {  	_ =	shalt  }
0x4b: {  	_ =	shalt  }
0x4c: {  	_ =	shalt  }
0x4d: {  	_ =	shalt  }
0x4e: {  	_ =	shalt  }
0x4f: {  	_ =	shalt  }
0x50: {  	_ =	shalt  }
0x51: {  	_ =	shalt  }
0x52: {  	_ =	shalt  }
0x53: {  	_ =	shalt  }
0x54: {  	_ =	shalt  }
0x55: {  	_ =	shalt  }
0x56: {  	_ =	shalt  }
0x57: {  	_ =	shalt  }
0x58: {  	_ =	shalt  }
0x59: {  	_ =	shalt  }
0x5a: {  	_ =	shalt  }
0x5b: {  	_ =	shalt  }
0x5c: {  	_ =	shalt  }
0x5d: {  	_ =	shalt  }
0x5e: {  	_ =	shalt  }
0x5f: {  	_ =	shalt  }
0x60: {  	_ =	shalt  }
0x61: {  	_ =	shalt  }
0x62: {  	_ =	shalt  }
0x63: {  	_ =	shalt  }
0x64: {  	_ =	shalt  }
0x65: {  	_ =	shalt  }
0x66: {  	_ =	shalt  }
0x67: {  	_ =	shalt  }
0x68: {  	_ =	shalt  }
0x69: {  	_ =	shalt  }
0x6a: {  	_ =	shalt  }
0x6b: {  	_ =	shalt  }
0x6c: {  	_ =	shalt  }
0x6d: {  	_ =	shalt  }
0x6e: {  	_ =	shalt  }
0x6f: {  	_ =	shalt  }
0x70: {  	_ =	shalt  }
0x71: {  	_ =	shalt  }
0x72: {  	_ =	shalt  }
0x73: {  	_ =	shalt  }
0x74: {  	_ =	shalt  }
0x75: {  	_ =	shalt  }
0x76: {  	_ =	shalt  }
0x77: {  	_ =	shalt  }
0x78: {  	_ =	shalt  }
0x79: {  	_ =	shalt  }
0x7a: {  	_ =	shalt  }
0x7b: {  	_ =	shalt  }
0x7c: {  	_ =	shalt  }
0x7d: {  	_ =	shalt  }
0x7e: {  	_ =	shalt  }
0x7f: {  	_ =	shalt  }
0x80: {  	_ =	shalt  }
0x81: {  	_ =	shalt  }
0x82: {  	_ =	shalt  }
0x83: {  	_ =	shalt  }
0x84: {  	_ =	shalt  }
0x85: {  	_ =	shalt  }
0x86: {  	_ =	shalt  }
0x87: {  	_ =	shalt  }
.Lfunc_end0:
.L_simem_size_0:
called_computation_lowered:
.L_overlay_start_0:
0x88: {  	s2 =	sld [smem:$0x3FD9]  }
0x89: {  	s3 =	sld [smem:$0x3FFE];
	_ =	sdelay $0x1  }
0x8a: {  	s1 =	srdreg.scid  }
0x8b: {  	s0 =	sand.u32 $0x1, s1  }
0x8c: {  	s18 =	sshll.u32 s0, $0xA;
	s2 =	sadd.s32 s3, s2  }
0x8d: {  	s2 =	sadd.s32 s2, s18  }
0x8e: {  	[smem:$0x3FC6] =	sst s2  }
0x8f: {  	_ = 	snop  }
0x90: {  	s2 =	sld [smem:$0x3FC9]  }
0x91: {  	s19 =	sld [smem:$0x3FC8]  }
0x92: {  	s4 =	sld [smem:$0x3FD0];
	(tm) =	ssettm $0x1  }
0x93: {  	s5 =	sld [smem:$0x3FFB];
	_ =	sdelay $0x3  }
0x94: {  	_ =	strace s5  }
0x95: {  	s5 =	sld [smem:$0x3FFC];
	_ =	sdelay $0x3  }
0x96: {  	_ =	strace s5  }
0x97: {  	s5 =	sld [smem:$0x3FFD];
	_ =	sdelay $0x3  }
0x98: {  	_ =	strace s5  }
0x99: {  	_ =	strace $0x8FFFFFFF  }
0x9a: {  	s20 =	sld [smem:$0x3FDB];
	_ =	sdelay $0x1  }
0x9b: {  	s6 =	simm.s32 $_scs_section_size  }
0x9c: {  	s7 =	simm.s32 $_size__tile_overlayer_lowered;
	s8 =	simm.s32 $_tile_overlayer_lowered  }
0x9d: {  	s23 =	simm.s32 $0x1BFF;
	s22 =	sshll.u32 s8, $0x1;
	s5 =	sadd.s32 s6, s20  }
0x9e: {  	s9 =	simm.s32 $0x0;
	s21 =	sshll.u32 s7, $0x1;
	s7 =	sadd.s32 s22, s5  }
0x9f: {  	[timem:s9], [sflag:s23] =	dma.local [hbm:s7], s21  }
0xa0: {  	_ =	swait.ge [sflag:s23], s21  }
0xa1: {  	s6 =	ssub.s32 $0x0, s21;
	[sflag:s23] =	ssyncset.done $0x0  }
0xa2: {  	[sflag:s23] =	ssyncadd.s32 s6;
	_ =	sdelay $0x1  }
0xa3: {  	s24 =	simm.s32 $0x1B8B  }
0xa4: {  	_ =	swait.ge [sflag:s24], $0x1  }
0xa5: {  	[sflag:s24] =	ssyncset.done $0x0  }
0xa6: {  	s25 =	simm.s32 $0x1B8E;
	[sflag:s24] =	ssyncadd.s32 $0xFFFFFFFF  }
0xa7: {  	s26 =	simm.s32 $execute0_lowered;
	[smem:$0x3FD2] =	sst s25  }
0xa8: {  	s6 =	sshll.u32 s26, $0x1;
	_ =	strace $0x80000046;
	[dreg:$0x1] =	wrdreg $0xFFFFFFFF  }
0xa9: {  	s28 =	simm.s32 $_size_execute0_lowered;
	s5 =	sadd.s32 s5, s6;
	[dreg:$0x0] =	wrdreg $0x0  }
0xaa: {  	s6 =	sshll.u32 s28, $0x1;
	[dreg:$0x2] =	wrdreg s5  }
0xab: {  	[dreg:$0x3] =	wrdreg s6  }
0xac: {  	[dreg:$0x4] =	wrdreg $0xC0  }
0xad: {  	_ =	task [dreg:s9], $0x5FFFF  }
0xae: {  	[dreg:$0x1] =	wrdreg $0xFFFFFFFF  }
0xaf: {  	[dreg:$0x0] =	wrdreg $0x60  }
0xb0: {  	[dreg:$0x2] =	wrdreg s2  }
0xb1: {  	[dreg:$0x3] =	wrdreg s19  }
0xb2: {  	[dreg:$0x4] =	wrdreg s4  }
0xb3: {  	[dreg:$0x5] =	wrdreg $0x0  }
0xb4: {  	[dreg:$0x6] =	wrdreg $0x9  }
0xb5: {  	_ =	task.clear_ibuf [dreg:s9], $0x7FFFF;
	_ =	strace $0x90000046  }
0xb6: {  	s29 =	simm.s32 $0x9;
	_ =	strace $0x80000048  }
0xb7: {  	_ =	swait.ge [sflag:s29], $0x1  }
0xb8: {  	[sflag:s29] =	ssyncadd.s32 $0xFFFFFFFF  }
0xb9: {  	_ =	strace $0x90000048  }
0xba: {  	_ =	sfence  }
0xbb: {  	s30 =	sld [smem:$0x0];
	_ =	sdelay $0x2  }
0xbc: {  	s31 =	sshll.u32 s1, $0xD;
	s1 =	sshrl.u32 s1, $0x2  }
0xbd: {  	s3 =	sand.u32 $0x4000, s31;
	s1 =	sadd.s32 s1, s30  }
0xbe: {  	s0 =	sor.u32 s3, s0;
	s1 =	sshll.u32 s1, $0x11  }
0xbf: {  	s0 =	sor.u32 s1, s0  }
0xc0: {  	s0 =	sadd.s32 $0x8F2B, s0  }
0xc1: {  	[sflag:s0] =	ssyncadd.remote.s32 $0x1  }
0xc2: {  	_ =	sfence.sel $0xFFFF  }
0xc3: {  	[dreg:$0x0] =	wrdreg $0xFFFFFFFF;
	(pc) =	sbr.abs _section_cstart, $3  }
0xc4: {  	[dreg:$0x1] =	wrdreg $0xFFFFFFFF  }
0xc5: {  	_ =	task.clear_ibuf [dreg:s9], $0x2FFFF;
	_ =	strace $0x9FFFFFFF  }
0xc6: {  	(tm) =	ssettm $0x7FFFFFFF  }
0xc7: {  	_ =	shalt  }
tec
execute0_lowered:
.L_overlay_start_1:
0x0: {  	(tag) =	ssettag $0x1  }
0x1: {  	v0 =	vimm.s32 $0xF80;
	vm14 =	vcmask $0x300  }
0x2: {  	v1 =	vimm.s32 $0x1380;
	vm13 =	vcmask $0x704;
	vm12 =	vcmask $0xB08  }
0x3: {  	vm11 =	vcmask $0xF0C;
	vm10 =	vcmask $0x1310;
	vm9 =	vcmask $0x1714  }
0x4: {  	vm8 =	vcmask $0x1B18;
	vm7 =	vcmask $0x1F1C;
	vm6 =	vcmask $0x2320  }
0x5: {  	vm5 =	vcmask $0x2724;
	vm4 =	vcmask $0x2B28;
	vm3 =	vcmask $0x2F2C  }
0x6: {  	vm2 =	vcmask $0x3330;
	vm1 =	vcmask $0x3734;
	vm0 =	vcmask $0x3B38  }
0x7: {  	v2 =	vimm.s32 $0x2780;
	v3 =	vimm.s32 $0x3380;
	v4 =	vimm.s32 $0x3F80  }
0x8: {  	v5 =	vimm.s32 $0x5380;
	v6 =	vimm.s32 $0x5780;
	v7 =	vimm.s32 $0x7380  }
0x9: {  	v0 =	vsel vm14, $0x0, v0;
	v1 =	vsel vm14, $0x0, v1;
	v2 =	vsel vm14, $0x1800, v2  }
0xa: {  	v3 =	vsel vm14, $0x2000, v3;
	v4 =	vsel vm14, $0x3000, v4;
	v5 =	vsel vm14, $0x4000, v5  }
0xb: {  	v6 =	vsel vm14, $0x4800, v6;
	v7 =	vsel vm14, $0x6000, v7;
	v0 =	vsel vm13, $0x80, v0  }
0xc: {  	v1 =	vsel vm13, $0x80, v1;
	v2 =	vsel vm13, $0x1880, v2;
	v3 =	vsel vm13, $0x2080, v3  }
0xd: {  	v4 =	vsel vm13, $0x3080, v4;
	v5 =	vsel vm13, $0x4080, v5;
	v6 =	vsel vm13, $0x4880, v6  }
0xe: {  	v7 =	vsel vm13, $0x6080, v7;
	v0 =	vsel vm12, $0x100, v0;
	v1 =	vsel vm12, $0x100, v1  }
0xf: {  	v2 =	vsel vm12, $0x1900, v2;
	v3 =	vsel vm12, $0x2100, v3;
	v4 =	vsel vm12, $0x3100, v4  }
0x10: {  	v5 =	vsel vm12, $0x4100, v5;
	v6 =	vsel vm12, $0x4900, v6;
	v7 =	vsel vm12, $0x6100, v7  }
0x11: {  	v0 =	vsel vm11, $0x180, v0;
	v1 =	vsel vm11, $0x180, v1;
	v2 =	vsel vm11, $0x1980, v2  }
0x12: {  	v3 =	vsel vm11, $0x2180, v3;
	v4 =	vsel vm11, $0x3180, v4;
	v5 =	vsel vm11, $0x4180, v5  }
0x13: {  	v6 =	vsel vm11, $0x4980, v6;
	v7 =	vsel vm11, $0x6180, v7;
	v0 =	vsel vm10, $0x200, v0  }
0x14: {  	v1 =	vsel vm10, $0x200, v1;
	v2 =	vsel vm10, $0x1A00, v2;
	v3 =	vsel vm10, $0x2200, v3  }
0x15: {  	v4 =	vsel vm10, $0x3200, v4;
	v5 =	vsel vm10, $0x4200, v5;
	v6 =	vsel vm10, $0x4A00, v6  }
0x16: {  	v7 =	vsel vm10, $0x6200, v7;
	v0 =	vsel vm9, $0x280, v0;
	v1 =	vsel vm9, $0x280, v1  }
0x17: {  	v2 =	vsel vm9, $0x1A80, v2;
	v3 =	vsel vm9, $0x2280, v3;
	v4 =	vsel vm9, $0x3280, v4  }
0x18: {  	v5 =	vsel vm9, $0x4280, v5;
	v6 =	vsel vm9, $0x4A80, v6;
	v7 =	vsel vm9, $0x6280, v7  }
0x19: {  	v0 =	vsel vm8, $0x300, v0;
	v1 =	vsel vm8, $0x300, v1;
	v2 =	vsel vm8, $0x1B00, v2  }
0x1a: {  	v3 =	vsel vm8, $0x2300, v3;
	v4 =	vsel vm8, $0x3300, v4;
	v5 =	vsel vm8, $0x4300, v5  }
0x1b: {  	v6 =	vsel vm8, $0x4B00, v6;
	v7 =	vsel vm8, $0x6300, v7;
	v0 =	vsel vm7, $0x380, v0  }
0x1c: {  	v1 =	vsel vm7, $0x380, v1;
	v2 =	vsel vm7, $0x1B80, v2;
	v3 =	vsel vm7, $0x2380, v3  }
0x1d: {  	v4 =	vsel vm7, $0x3380, v4;
	v5 =	vsel vm7, $0x4380, v5;
	v6 =	vsel vm7, $0x4B80, v6  }
0x1e: {  	v7 =	vsel vm7, $0x6380, v7;
	v0 =	vsel vm6, $0xC00, v0;
	v1 =	vsel vm6, $0x1000, v1  }
0x1f: {  	v2 =	vsel vm6, $0x2400, v2;
	v3 =	vsel vm6, $0x3000, v3;
	v4 =	vsel vm6, $0x3C00, v4  }
0x20: {  	v5 =	vsel vm6, $0x5000, v5;
	v6 =	vsel vm6, $0x5400, v6;
	v7 =	vsel vm6, $0x7000, v7  }
0x21: {  	s1 =	rddreg [dreg:$0x0];
	v0 =	vsel vm5, $0xC80, v0;
	v1 =	vsel vm5, $0x1080, v1;
	v2 =	vsel vm5, $0x2480, v2  }
0x22: {  	s0 =	rddreg [dreg:$0x1];
	v3 =	vsel vm5, $0x3080, v3;
	v4 =	vsel vm5, $0x3C80, v4;
	v5 =	vsel vm5, $0x5080, v5  }
0x23: {  	s2 =	rddreg [dreg:$0x2];
	v6 =	vsel vm5, $0x5480, v6;
	v7 =	vsel vm5, $0x7080, v7;
	v0 =	vsel vm4, $0xD00, v0  }
0x24: {  	s3 =	rddreg [dreg:$0x3];
	s5 =	simm.s32 $0x0;
	s4 =	srdreg.scid;
	v1 =	vsel vm4, $0x1100, v1;
	v2 =	vsel vm4, $0x2500, v2;
	v3 =	vsel vm4, $0x3100, v3  }
0x25: {  	s9 =	stileid.u32;
	s10 =	simm.s32 $0x4;
	s12 =	simm.s32 $0xC00;
	v4 =	vsel vm4, $0x3D00, v4;
	v5 =	vsel vm4, $0x5100, v5;
	v6 =	vsel vm4, $0x5500, v6  }
0x26: {  	s11 =	simm.s32 $0x1;
	s13 =	simm.s32 $0x7A1400;
	s14 =	simm.s32 $0x400;
	v7 =	vsel vm4, $0x7100, v7;
	v0 =	vsel vm3, $0xD80, v0;
	v1 =	vsel vm3, $0x1180, v1  }
0x27: {  	s15 =	simm.s32 $0x6400;
	s16 =	simm.s32 $0xC400;
	[smem:$0x7FF] =	sst s5;
	v2 =	vsel vm3, $0x2580, v2;
	v3 =	vsel vm3, $0x3180, v3;
	v4 =	vsel vm3, $0x3D80, v4  }
0x28: {  	s4 =	sand.u32 $0x1, s4;
	s7 =	sshll.u32 s9, $0x1;
	s8 =	sshll.u32 s9, $0xA;
	v5 =	vsel vm3, $0x5180, v5;
	v6 =	vsel vm3, $0x5580, v6;
	v7 =	vsel vm3, $0x7180, v7  }
0x29: {  	s26 =	sshll.u32 s9, $0x6;
	_ =	strace $0x80000047;
	s23 =	ssub.s32 $0x2, s4;
	v0 =	vsel vm2, $0xE00, v0;
	v1 =	vsel vm2, $0x1200, v1;
	v2 =	vsel vm2, $0x2600, v2  }
0x2a: {  	s24 =	sor.u32 s4, s7;
	s4 =	sadd.s32 s8, s3;
	s28 =	sor.u32 $0x1C04, s26;
	v3 =	vsel vm2, $0x3200, v3;
	v4 =	vsel vm2, $0x3E00, v4;
	v5 =	vsel vm2, $0x5200, v5  }
0x2b: {  	s6 =	sshrl.u32 s23, $0x1;
	s25 =	sshll.u32 s24, $0x7;
	[dreg:$0x6] =	wrdreg s28;
	v6 =	vsel vm2, $0x5600, v6;
	v7 =	vsel vm2, $0x7200, v7;
	v0 =	vsel vm1, $0xE80, v0  }
.Ltmp0:
0x2c: {  	s31 =	sshrl.u32 s4, $0x3;
	s5 =	ssub.s32 s23, s6;
	v1 =	vsel vm1, $0x1280, v1;
	v2 =	vsel vm1, $0x2680, v2;
	v3 =	vsel vm1, $0x3280, v3;
	(pc) =	sbr.rel .LBB2_1-.Ltmp0, $4  }
0x2d: {  	s6 =	sshll.u32 s24, $0x9;
	s1 =	sadd.s32 s1, s25;
	[dreg:$0x9] =	wrdreg s31;
	v4 =	vsel vm1, $0x3E80, v4;
	v5 =	vsel vm1, $0x5280, v5;
	v6 =	vsel vm1, $0x5680, v6  }
0x2e: {  	s17 =	simm.s32 $0x12400;
	[dreg:$0x5] =	wrdreg s1;
	s29 =	sadd.s32 s2, s6;
	v7 =	vsel vm1, $0x7280, v7;
	v0 =	vsel vm0, $0xF00, v0;
	v1 =	vsel vm0, $0x1300, v1  }
0x2f: {  	s18 =	simm.s32 $0x2;
	s30 =	smax.u32 s5, $0x1;
	[dreg:$0x7] =	wrdreg s29;
	v2 =	vsel vm0, $0x2700, v2;
	v3 =	vsel vm0, $0x3300, v3;
	v4 =	vsel vm0, $0x3F00, v4  }
0x30: {  	s19 =	simm.s32 $0x3;
	s22 =	simm.s32 $0x0;
	[dreg:$0x8] =	wrdreg s30;
	v5 =	vsel vm0, $0x5300, v5;
	v6 =	vsel vm0, $0x5700, v6;
	v7 =	vsel vm0, $0x7300, v7  }
.LBB2_40:
0x31: {  	_ =	swait.ge [sflag:s11], $0x6000  }
0x32: {  	[sflag:s11] =	ssyncset.done $0x0  }
0x33: {  	[sflag:s11] =	ssyncadd.s32 $0xFFFFA000  }
0x34: {  	_ =	swait.ge [sflag:s18], $0x6000  }
0x35: {  	s2 =	simm.s32 $0x1000;
	[sflag:s18] =	ssyncset.done $0x0  }
0x36: {  	s3 =	simm.s32 $0x20000;
	s1 =	rddreg [dreg:$0x7];
	[sflag:s18] =	ssyncadd.s32 $0xFFFFA000  }
0x37: {  	[hbm4b:s1+s2] =	stream.strided.scatter [tilespmem:s17], [sflag:$0x4], $0x8000, s3, s2, $0x38;
	[tilespmem:$0x1A400] =	vst v63  }
0x38: {  	_ =	swait.ge [sflag:s10], $0x8000  }
0x39: {  	s22 =	sadd.s32 $0x1, s22;
	s31 =	rddreg [dreg:$0x8]  }
0x3a: {  	p0 =	sne.s32 s22, s31  }
.Ltmp1:
0x3b: {  	_ = 	snop;
	(pc) =	sbr.rel @!p0 .LBB2_41-.Ltmp1, $3  }
0x3c: {  	_ =	sdelay $0x1  }
0x3d: {  	[sflag:s10] =	ssyncset.done $0x0  }
0x3e: {  	[sflag:s10] =	ssyncadd.s32 $0xFFFF8000  }
.LBB2_1:
0x3f: {  	s1 =	rddreg [dreg:$0x5]  }
0x40: {  	s2 =	rddreg [dreg:$0x6]  }
0x41: {  	s3 =	rddreg [dreg:$0x9]  }
0x42: {  	[spmem:s3], [sflag:s2] =	dma.local [hbm:s1], $0x80  }
0x43: {  	_ =	swait.ge [sflag:s10], $0x80  }
0x44: {  	[sflag:s10] =	ssyncset.done $0x0  }
0x45: {  	s9 =	simm.s32 $0x0;
	[sflag:s10] =	ssyncadd.s32 $0xFFFFFF80  }
0x46: {  	[smem:s9], [sflag:$0x4] =	stream.linear.gather [spmem:s4], $0x400, $0x38;
	[tilespmem:$0x1A400] =	vst v63  }
0x47: {  	_ =	swait.ge [sflag:s10], $0x400  }
0x48: {  	[sflag:s10] =	ssyncset.done $0x0  }
0x49: {  	[sflag:s10] =	ssyncadd.s32 $0xFFFFFC00  }
0x4a: {  	s20 =	sld [smem:$0x0]  }
0x4b: {  	s21 =	sld [smem:$0x37F];
	_ =	sdelay $0x2  }
0x4c: {  	s23 =	sshra.s32 s20, $0x7;
	s24 =	sshra.s32 s21, $0x7  }
0x4d: {  	s2 =	ssub.s32 s24, s23  }
0x4e: {  	s25 =	smulhi.u32 $0x55555556, s2;
	s5 =	sshra.s32 s2, $0x1F  }
0x4f: {  	s6 =	smul.u32 $0x55555556, s5;
	_ =	sdelay $0x1  }
0x50: {  	s3 =	sadd.s32 s6, s25  }
0x51: {  	s6 =	sshrl.u32 s3, $0x1F  }
0x52: {  	s1 =	simm.s32 $0x1;
	p0 =	sne.s32 s24, s23;
	s3 =	sadd.s32 s6, s3  }
0x53: {  	s1 =	simm.s32 @!p0 $0x0;
	s6 =	smul.u32 $0xFFFFFFFD, s3  }
0x54: {  	s2 =	ssub.s32 $0x0, s2;
	s1 =	sor.u32 s1, s5  }
0x55: {  	p4 =	sne.s32 s1, $0x1;
	p1 =	sne.s32 s6, s2  }
0x56: {  	p0 =	por !p1, !p4  }
0x57: {  	s1 =	simm.s32 $0x1;
	p0 =	por !p0, !p0  }
0x58: {  	s1 =	simm.s32 @!p0 $0x0  }
0x59: {  	s1 =	ssub.s32 s3, s1  }
0x5a: {  	s26 =	sadd.s32 $0x3, s1  }
0x5b: {  	s28 =	smulhi.u32 $0x55555556, s26;
	s2 =	sshra.s32 s26, $0x1F  }
0x5c: {  	s2 =	smul.u32 $0x55555556, s2;
	_ =	sdelay $0x1  }
0x5d: {  	s2 =	sadd.s32 s2, s28  }
0x5e: {  	s5 =	smov.u32 s23;
	p0 =	sgt.s32 s23, $0x0;
	s3 =	sshrl.u32 s2, $0x1F  }
0x5f: {  	p5 =	slt.s32 s1, $0xFFFFFFFE;
	s2 =	sadd.s32 s3, s2;
	s3 =	smov.u32 s23  }
0x60: {  	s3 =	simm.s32 @!p0 $0x0;
	p0 =	sgt.s32 s23, $0xFFFFFFFD;
	s29 =	smul.u32 $0xFFFFFFFD, s2  }
0x61: {  	s1 =	ssub.s32 $0xFFFFFFFD, s1;
	s3 =	smin.u32 s3, $0x1E82;
	s5 =	simm.s32 @!p0 $0xFFFFFFFD  }
0x62: {  	s3 =	sshll.u32 s3, $0x7;
	p0 =	slt.s32 s5, $0x1E7F;
	p6 =	sne.s32 s29, s1  }
0x63: {  	s5 =	simm.s32 @!p0 $0x1E7F;
	s30 =	sadd.s32 s0, s3;
	p0 =	por !p5, !p6  }
0x64: {  	[tilespmem:s14], [sflag:$0x1] =	stream.strided.gather [hbm4b:s30+s12], $0x6000, s13, s12, $0x38;
	[tilespmem:$0x1A400] =	vst v63  }
0x65: {  	s3 =	simm.s32 $0x1;
	p0 =	por !p0, !p0  }
0x66: {  	s3 =	simm.s32 @!p0 $0x0  }
0x67: {  	s24 =	ssub.s32 s2, s3  }
0x68: {  	p0 =	slt.s32 s24, $0x1  }
.Ltmp2:
0x69: {  	s31 =	sshll.u32 s5, $0xA;
	(pc) =	sbr.rel @p0 .LBB2_40-.Ltmp2, $4  }
0x6a: {  	s1 =	sadd.s32 $0xC00, s31  }
0x6b: {  	s1 =	sshrl.u32 s1, $0x3  }
0x6c: {  	s1 =	sadd.s32 s0, s1  }
0x6d: {  	[tilespmem:s15], [sflag:$0x2] =	stream.strided.gather [hbm4b:s1+s12], $0x6000, s13, s12, $0x38;
	[tilespmem:$0x1A400] =	vst v63  }
.Ltmp3:
0x6e: {  	(pc) =	sbr.rel .LBB2_3-.Ltmp3, $3  }
0x6f: {  	_ =	sdelay $0x1  }
0x70: {  	s25 =	sadd.s32 $0x6, s23;
	s26 =	sadd.s32 $0x9, s23;
	s28 =	sadd.s32 $0x3, s23  }
0x71: {  	s29 =	sadd.s32 $0xC, s23;
	s5 =	simm.s32 $0x0;
	s30 =	simm.s32 $0x0  }
.LBB2_38:
0x72: {  	_ =	sdelay $0x3  }
0x73: {  	[tilespmem:v12+s17+$0x0] =	vst.idx.msk $0xffff, v11  }
0x74: {  	v62 =	vadd.s32 v5, v9;
	v10 =	vld.idx.msk [tilespmem:v10+s16+$0x0], $0xffff  }
0x75: {  	v8 =	vadd.s32 v6, v8;
	_ =	sdelay $0x3  }
0x76: {  	[tilespmem:v62+s17+$0x0] =	vst.idx.msk $0xffff, v10  }
0x77: {  	v63 =	vadd.s32 v7, v9;
	v8 =	vld.idx.msk [tilespmem:v8+s16+$0x0], $0xffff;
	_ =	sdelay $0x4  }
0x78: {  	[tilespmem:v63+s17+$0x0] =	vst.idx.msk $0xffff, v8  }
.LBB2_39:
0x79: {  	s30 =	sadd.s32 $0x1, s30  }
0x7a: {  	p0 =	sne.s32 s30, s24  }
.Ltmp4:
0x7b: {  	_ = 	snop;
	(pc) =	sbr.rel @!p0 .LBB2_40-.Ltmp4, $1  }
0x7c: {  	_ =	sdelay $0x3  }
.LBB2_3:
0x7d: {  	s3 =	smul.u32 $0x9, s30;
	_ =	sdelay $0x1  }
0x7e: {  	s1 =	sadd.s32 s3, s25  }
0x7f: {  	p0 =	sgt.s32 s1, $0x0;
	s2 =	smov.u32 s1  }
0x80: {  	s2 =	simm.s32 @!p0 $0x0  }
0x81: {  	s2 =	smin.u32 s2, $0x1E82  }
0x82: {  	s31 =	sshll.u32 s2, $0x7  }
0x83: {  	s2 =	sadd.s32 s0, s31  }
0x84: {  	[tilespmem:s16], [sflag:$0x3] =	stream.strided.gather [hbm4b:s2+s12], $0x6000, s13, s12, $0x38;
	[tilespmem:$0x1A400] =	vst v63  }
0x85: {  	p0 =	slt.s32 s5, $0x1FF;
	s2 =	smov.u32 s5  }
0x86: {  	s2 =	simm.s32 @!p0 $0x1FF  }
0x87: {  	_ =	swait.ge [sflag:s11], $0x6000;
	s6 =	sshll.u32 s2, $0x1  }
0x88: {  	[sflag:s11] =	ssyncset.done $0x0;
	s2 =	sand.u32 $0x7F, s2;
	s6 =	sand.u32 $0x7FFFFF00, s6  }
0x89: {  	[sflag:s11] =	ssyncadd.s32 $0xFFFFA000;
	s2 =	sor.u32 s2, s6  }
0x8a: {  	s6 =	sld [smem:s2+$0x0]  }
0x8b: {  	s2 =	sor.u32 $0x80, s2  }
0x8c: {  	s2 =	sld [smem:s2+$0x0]  }
0x8d: {  	s20 =	sadd.s32 s23, s3;
	s6 =	sshra.s32 s6, $0x7  }
0x8e: {  	p0 =	seq.s32 s6, s20;
	s6 =	smov.u32 s5  }
0x8f: {  	p1 =	slt.s32 s5, $0x200;
	s21 =	smov.u32 s5;
	s6 =	smov.u32 @p0 s2  }
0x90: {  	s21 =	smov.u32 @p1 s6  }
0x91: {  	p0 =	sgt.s32 s20, $0x0;
	s2 =	smov.u32 s20;
	s6 =	ssub.s32 s21, s5  }
0x92: {  	s2 =	simm.s32 @!p0 $0x0;
	p0 =	slt.s32 s6, $0x1  }
.Ltmp5:
0x93: {  	_ = 	snop;
	(pc) =	sbr.rel @p0 .LBB2_7-.Ltmp5, $3  }
0x94: {  	_ =	sdelay $0x1  }
0x95: {  	s2 =	smin.u32 s2, $0x1E82  }
0x96: {  	s2 =	sshll.u32 s2, $0x7  }
0x97: {  	s6 =	sshll.u32 s5, $0x1  }
0x98: {  	s7 =	sand.u32 $0x7F, s5;
	s8 =	sand.u32 $0x7FFFFF00, s6  }
0x99: {  	s7 =	sor.u32 s7, s8  }
0x9a: {  	s7 =	sld [smem:s7+$0x0];
	_ =	sdelay $0x2  }
0x9b: {  	s7 =	ssub.s32 s7, s2  }
0x9c: {  	v8 =	vmov s7  }
0x9d: {  	v9 =	vshll.u32 v8, $0x3  }
0x9e: {  	v8 =	vand.u32 $0x7F, v8;
	v9 =	vand.u32 $0xFFFFFC00, v9  }
0x9f: {  	v8 =	vor.u32 v8, v9  }
0xa0: {  	v10 =	vadd.s32 v0, v8  }
0xa1: {  	v9 =	vmov s5  }
0xa2: {  	v11 =	vshll.u32 v9, $0x3  }
0xa3: {  	v9 =	vand.u32 $0x7F, v9;
	v11 =	vand.u32 $0xFFFFFC00, v11  }
0xa4: {  	v9 =	vor.u32 v9, v11  }
0xa5: {  	v11 =	vadd.s32 v1, v9;
	v10 =	vld.idx.msk [tilespmem:v10+s14+$0x0], $0xffff  }
0xa6: {  	v12 =	vadd.s32 v2, v8;
	_ =	sdelay $0x1  }
0xa7: {  	s5 =	sadd.s32 $0x1, s5  }
0xa8: {  	p0 =	sne.s32 s21, s5  }
.Ltmp6:
0xa9: {  	[tilespmem:v11+s17+$0x0] =	vst.idx.msk $0xffff, v10;
	(pc) =	sbr.rel @!p0 .LBB2_6-.Ltmp6, $3  }
0xaa: {  	v11 =	vld.idx.msk [tilespmem:v12+s14+$0x0], $0xffff;
	v12 =	vadd.s32 v3, v9  }
0xab: {  	v10 =	vadd.s32 v4, v8;
	_ =	sdelay $0x1  }
0xac: {  	s6 =	sadd.s32 $0x2, s6  }
.LBB2_5:
0xad: {  	s7 =	sand.u32 $0x7F, s5  }
0xae: {  	s8 =	sand.u32 $0x7FFFFF00, s6;
	[tilespmem:v12+s17+$0x0] =	vst.idx.msk $0xffff, v11;
	s9 =	smov.u32 s5;
	s5 =	sadd.s32 $0x1, s5  }
0xaf: {  	s7 =	sor.u32 s7, s8;
	p0 =	sne.s32 s21, s5;
	v10 =	vld.idx.msk [tilespmem:v10+s14+$0x0], $0xffff  }
0xb0: {  	v11 =	vadd.s32 v5, v9;
	s7 =	sld [smem:s7+$0x0]  }
0xb1: {  	v8 =	vadd.s32 v6, v8;
	_ =	sdelay $0x1  }
0xb2: {  	s7 =	ssub.s32 s7, s2  }
0xb3: {  	v12 =	vmov s7  }
0xb4: {  	v13 =	vshll.u32 v12, $0x3;
	[tilespmem:v11+s17+$0x0] =	vst.idx.msk $0xffff, v10  }
0xb5: {  	v10 =	vand.u32 $0x7F, v12;
	v11 =	vand.u32 $0xFFFFFC00, v13;
	v12 =	vld.idx.msk [tilespmem:v8+s14+$0x0], $0xffff  }
0xb6: {  	v9 =	vadd.s32 v7, v9;
	v8 =	vor.u32 v10, v11  }
0xb7: {  	v10 =	vadd.s32 v0, v8;
	_ =	sdelay $0x1  }
0xb8: {  	v11 =	vmov s9  }
0xb9: {  	v13 =	vshll.u32 v11, $0x3  }
0xba: {  	v11 =	vand.u32 $0x7F, v11;
	v13 =	vand.u32 $0xFFFFFC00, v13;
	[tilespmem:v9+s17+$0x0] =	vst.idx.msk $0xffff, v12  }
0xbb: {  	v9 =	vor.u32 v11, v13;
	v10 =	vld.idx.msk [tilespmem:v10+s14+$0x0], $0xffff  }
0xbc: {  	v11 =	vadd.s32 v1, v9  }
0xbd: {  	v12 =	vadd.s32 v2, v8;
	_ =	sdelay $0x3  }
0xbe: {  	[tilespmem:v11+s17+$0x0] =	vst.idx.msk $0xffff, v10  }
0xbf: {  	v11 =	vld.idx.msk [tilespmem:v12+s14+$0x0], $0xffff  }
.Ltmp7:
0xc0: {  	v12 =	vadd.s32 v3, v9;
	(pc) =	sbr.rel @p0 .LBB2_5-.Ltmp7, $2  }
0xc1: {  	v10 =	vadd.s32 v4, v8;
	_ =	sdelay $0x2  }
0xc2: {  	s6 =	sadd.s32 $0x2, s6  }
.LBB2_6:
0xc3: {  	_ =	sdelay $0x3  }
0xc4: {  	[tilespmem:v12+s17+$0x0] =	vst.idx.msk $0xffff, v11  }
0xc5: {  	v62 =	vadd.s32 v5, v9;
	v10 =	vld.idx.msk [tilespmem:v10+s14+$0x0], $0xffff  }
0xc6: {  	v8 =	vadd.s32 v6, v8;
	_ =	sdelay $0x3  }
0xc7: {  	[tilespmem:v62+s17+$0x0] =	vst.idx.msk $0xffff, v10  }
0xc8: {  	v63 =	vadd.s32 v7, v9;
	v8 =	vld.idx.msk [tilespmem:v8+s14+$0x0], $0xffff;
	_ =	sdelay $0x4  }
0xc9: {  	[tilespmem:v63+s17+$0x0] =	vst.idx.msk $0xffff, v8  }
.LBB2_7:
0xca: {  	p0 =	slt.s32 s21, $0x1FF;
	s5 =	smov.u32 s21  }
0xcb: {  	s5 =	simm.s32 @!p0 $0x1FF  }
0xcc: {  	s6 =	sshll.u32 s5, $0x1  }
0xcd: {  	s5 =	sand.u32 $0x7F, s5;
	s6 =	sand.u32 $0x7FFFFF00, s6  }
0xce: {  	s5 =	sor.u32 s5, s6  }
0xcf: {  	s6 =	sld [smem:s5+$0x0]  }
0xd0: {  	s5 =	sor.u32 $0x80, s5  }
0xd1: {  	s5 =	sld [smem:s5+$0x0]  }
0xd2: {  	s7 =	sadd.s32 $0x1, s20;
	s6 =	sshra.s32 s6, $0x7  }
0xd3: {  	p0 =	seq.s32 s6, s7;
	s6 =	smov.u32 s21  }
0xd4: {  	p1 =	slt.s32 s21, $0x200;
	s6 =	smov.u32 @p0 s5;
	s5 =	smov.u32 s21  }
0xd5: {  	s5 =	smov.u32 @p1 s6  }
0xd6: {  	s6 =	ssub.s32 s5, s21  }
0xd7: {  	p0 =	slt.s32 s6, $0x1  }
.Ltmp8:
0xd8: {  	_ = 	snop;
	(pc) =	sbr.rel @p0 .LBB2_11-.Ltmp8, $1  }
0xd9: {  	_ =	sdelay $0x3  }
0xda: {  	s6 =	sshll.u32 s21, $0x1  }
0xdb: {  	s7 =	sand.u32 $0x7F, s21;
	s8 =	sand.u32 $0x7FFFFF00, s6  }
0xdc: {  	s7 =	sor.u32 s7, s8  }
0xdd: {  	s7 =	sld [smem:s7+$0x0];
	_ =	sdelay $0x2  }
0xde: {  	s7 =	ssub.s32 s7, s2  }
0xdf: {  	v8 =	vmov s7  }
0xe0: {  	v9 =	vshll.u32 v8, $0x3  }
0xe1: {  	v8 =	vand.u32 $0x7F, v8;
	v9 =	vand.u32 $0xFFFFFC00, v9  }
0xe2: {  	v8 =	vor.u32 v8, v9  }
0xe3: {  	v10 =	vadd.s32 v0, v8  }
0xe4: {  	v9 =	vmov s21  }
0xe5: {  	v11 =	vshll.u32 v9, $0x3  }
0xe6: {  	v9 =	vand.u32 $0x7F, v9;
	v11 =	vand.u32 $0xFFFFFC00, v11  }
0xe7: {  	v9 =	vor.u32 v9, v11  }
0xe8: {  	v11 =	vadd.s32 v1, v9;
	v10 =	vld.idx.msk [tilespmem:v10+s14+$0x0], $0xffff  }
0xe9: {  	v12 =	vadd.s32 v2, v8;
	_ =	sdelay $0x1  }
0xea: {  	s21 =	sadd.s32 $0x1, s21  }
0xeb: {  	p0 =	sne.s32 s5, s21  }
.Ltmp9:
0xec: {  	[tilespmem:v11+s17+$0x0] =	vst.idx.msk $0xffff, v10;
	(pc) =	sbr.rel @!p0 .LBB2_10-.Ltmp9, $3  }
0xed: {  	v11 =	vld.idx.msk [tilespmem:v12+s14+$0x0], $0xffff;
	v12 =	vadd.s32 v3, v9  }
0xee: {  	v10 =	vadd.s32 v4, v8;
	_ =	sdelay $0x1  }
0xef: {  	s6 =	sadd.s32 $0x2, s6  }
.LBB2_9:
0xf0: {  	s7 =	sand.u32 $0x7F, s21  }
0xf1: {  	s8 =	sand.u32 $0x7FFFFF00, s6;
	[tilespmem:v12+s17+$0x0] =	vst.idx.msk $0xffff, v11;
	s9 =	smov.u32 s21;
	s21 =	sadd.s32 $0x1, s21  }
0xf2: {  	s7 =	sor.u32 s7, s8;
	p0 =	sne.s32 s5, s21;
	v10 =	vld.idx.msk [tilespmem:v10+s14+$0x0], $0xffff  }
0xf3: {  	v11 =	vadd.s32 v5, v9;
	s7 =	sld [smem:s7+$0x0]  }
0xf4: {  	v8 =	vadd.s32 v6, v8;
	_ =	sdelay $0x1  }
0xf5: {  	s7 =	ssub.s32 s7, s2  }
0xf6: {  	v12 =	vmov s7  }
0xf7: {  	v13 =	vshll.u32 v12, $0x3;
	[tilespmem:v11+s17+$0x0] =	vst.idx.msk $0xffff, v10  }
0xf8: {  	v10 =	vand.u32 $0x7F, v12;
	v11 =	vand.u32 $0xFFFFFC00, v13;
	v12 =	vld.idx.msk [tilespmem:v8+s14+$0x0], $0xffff  }
0xf9: {  	v9 =	vadd.s32 v7, v9;
	v8 =	vor.u32 v10, v11  }
0xfa: {  	v10 =	vadd.s32 v0, v8;
	_ =	sdelay $0x1  }
0xfb: {  	v11 =	vmov s9  }
0xfc: {  	v13 =	vshll.u32 v11, $0x3  }
0xfd: {  	v11 =	vand.u32 $0x7F, v11;
	v13 =	vand.u32 $0xFFFFFC00, v13;
	[tilespmem:v9+s17+$0x0] =	vst.idx.msk $0xffff, v12  }
0xfe: {  	v9 =	vor.u32 v11, v13;
	v10 =	vld.idx.msk [tilespmem:v10+s14+$0x0], $0xffff  }
0xff: {  	v11 =	vadd.s32 v1, v9  }
0x100: {  	v12 =	vadd.s32 v2, v8;
	_ =	sdelay $0x3  }
0x101: {  	[tilespmem:v11+s17+$0x0] =	vst.idx.msk $0xffff, v10  }
0x102: {  	v11 =	vld.idx.msk [tilespmem:v12+s14+$0x0], $0xffff  }
.Ltmp10:
0x103: {  	v12 =	vadd.s32 v3, v9;
	(pc) =	sbr.rel @p0 .LBB2_9-.Ltmp10, $2  }
0x104: {  	v10 =	vadd.s32 v4, v8;
	_ =	sdelay $0x2  }
0x105: {  	s6 =	sadd.s32 $0x2, s6  }
.LBB2_10:
0x106: {  	_ =	sdelay $0x3  }
0x107: {  	[tilespmem:v12+s17+$0x0] =	vst.idx.msk $0xffff, v11  }
0x108: {  	v62 =	vadd.s32 v5, v9;
	v10 =	vld.idx.msk [tilespmem:v10+s14+$0x0], $0xffff  }
0x109: {  	v8 =	vadd.s32 v6, v8;
	_ =	sdelay $0x3  }
0x10a: {  	[tilespmem:v62+s17+$0x0] =	vst.idx.msk $0xffff, v10  }
0x10b: {  	v63 =	vadd.s32 v7, v9;
	v8 =	vld.idx.msk [tilespmem:v8+s14+$0x0], $0xffff;
	_ =	sdelay $0x4  }
0x10c: {  	[tilespmem:v63+s17+$0x0] =	vst.idx.msk $0xffff, v8  }
.LBB2_11:
0x10d: {  	p0 =	slt.s32 s5, $0x1FF;
	s6 =	smov.u32 s5  }
0x10e: {  	s6 =	simm.s32 @!p0 $0x1FF  }
0x10f: {  	s7 =	sshll.u32 s6, $0x1  }
0x110: {  	s6 =	sand.u32 $0x7F, s6;
	s7 =	sand.u32 $0x7FFFFF00, s7  }
0x111: {  	s6 =	sor.u32 s6, s7  }
0x112: {  	s7 =	sld [smem:s6+$0x0]  }
0x113: {  	s6 =	sor.u32 $0x80, s6  }
0x114: {  	s6 =	sld [smem:s6+$0x0]  }
0x115: {  	s8 =	sadd.s32 $0x2, s20;
	s7 =	sshra.s32 s7, $0x7  }
0x116: {  	p0 =	seq.s32 s7, s8;
	s7 =	smov.u32 s5  }
0x117: {  	p1 =	slt.s32 s5, $0x200;
	s21 =	smov.u32 s5;
	s7 =	smov.u32 @p0 s6  }
0x118: {  	s21 =	smov.u32 @p1 s7  }
0x119: {  	s20 =	ssub.s32 s21, s5  }
0x11a: {  	p0 =	slt.s32 s20, $0x1  }
.Ltmp11:
0x11b: {  	_ = 	snop;
	(pc) =	sbr.rel @p0 .LBB2_15-.Ltmp11, $1  }
0x11c: {  	_ =	sdelay $0x3  }
0x11d: {  	s6 =	sshll.u32 s5, $0x1  }
0x11e: {  	s7 =	sand.u32 $0x7F, s5;
	s8 =	sand.u32 $0x7FFFFF00, s6  }
0x11f: {  	s7 =	sor.u32 s7, s8  }
0x120: {  	s7 =	sld [smem:s7+$0x0];
	_ =	sdelay $0x2  }
0x121: {  	s7 =	ssub.s32 s7, s2  }
0x122: {  	v8 =	vmov s7  }
0x123: {  	v9 =	vshll.u32 v8, $0x3  }
0x124: {  	v8 =	vand.u32 $0x7F, v8;
	v9 =	vand.u32 $0xFFFFFC00, v9  }
0x125: {  	v8 =	vor.u32 v8, v9  }
0x126: {  	v10 =	vadd.s32 v0, v8  }
0x127: {  	v9 =	vmov s5  }
0x128: {  	v11 =	vshll.u32 v9, $0x3  }
0x129: {  	v9 =	vand.u32 $0x7F, v9;
	v11 =	vand.u32 $0xFFFFFC00, v11  }
0x12a: {  	v9 =	vor.u32 v9, v11  }
0x12b: {  	v11 =	vadd.s32 v1, v9;
	v10 =	vld.idx.msk [tilespmem:v10+s14+$0x0], $0xffff  }
0x12c: {  	v12 =	vadd.s32 v2, v8;
	_ =	sdelay $0x1  }
0x12d: {  	s5 =	sadd.s32 $0x1, s5  }
0x12e: {  	p0 =	sne.s32 s21, s5  }
.Ltmp12:
0x12f: {  	[tilespmem:v11+s17+$0x0] =	vst.idx.msk $0xffff, v10;
	(pc) =	sbr.rel @!p0 .LBB2_14-.Ltmp12, $3  }
0x130: {  	v11 =	vld.idx.msk [tilespmem:v12+s14+$0x0], $0xffff;
	v12 =	vadd.s32 v3, v9  }
0x131: {  	v10 =	vadd.s32 v4, v8;
	_ =	sdelay $0x1  }
0x132: {  	s6 =	sadd.s32 $0x2, s6  }
.LBB2_13:
0x133: {  	s7 =	sand.u32 $0x7F, s5  }
0x134: {  	s8 =	sand.u32 $0x7FFFFF00, s6;
	[tilespmem:v12+s17+$0x0] =	vst.idx.msk $0xffff, v11;
	s9 =	smov.u32 s5;
	s5 =	sadd.s32 $0x1, s5  }
0x135: {  	s7 =	sor.u32 s7, s8;
	p0 =	sne.s32 s21, s5;
	v10 =	vld.idx.msk [tilespmem:v10+s14+$0x0], $0xffff  }
0x136: {  	v11 =	vadd.s32 v5, v9;
	s7 =	sld [smem:s7+$0x0]  }
0x137: {  	v8 =	vadd.s32 v6, v8;
	_ =	sdelay $0x1  }
0x138: {  	s7 =	ssub.s32 s7, s2  }
0x139: {  	v12 =	vmov s7  }
0x13a: {  	v13 =	vshll.u32 v12, $0x3;
	[tilespmem:v11+s17+$0x0] =	vst.idx.msk $0xffff, v10  }
0x13b: {  	v10 =	vand.u32 $0x7F, v12;
	v11 =	vand.u32 $0xFFFFFC00, v13;
	v12 =	vld.idx.msk [tilespmem:v8+s14+$0x0], $0xffff  }
0x13c: {  	v9 =	vadd.s32 v7, v9;
	v8 =	vor.u32 v10, v11  }
0x13d: {  	v10 =	vadd.s32 v0, v8;
	_ =	sdelay $0x1  }
0x13e: {  	v11 =	vmov s9  }
0x13f: {  	v13 =	vshll.u32 v11, $0x3  }
0x140: {  	v11 =	vand.u32 $0x7F, v11;
	v13 =	vand.u32 $0xFFFFFC00, v13;
	[tilespmem:v9+s17+$0x0] =	vst.idx.msk $0xffff, v12  }
0x141: {  	v9 =	vor.u32 v11, v13;
	v10 =	vld.idx.msk [tilespmem:v10+s14+$0x0], $0xffff  }
0x142: {  	v11 =	vadd.s32 v1, v9  }
0x143: {  	v12 =	vadd.s32 v2, v8;
	_ =	sdelay $0x3  }
0x144: {  	[tilespmem:v11+s17+$0x0] =	vst.idx.msk $0xffff, v10  }
0x145: {  	v11 =	vld.idx.msk [tilespmem:v12+s14+$0x0], $0xffff  }
.Ltmp13:
0x146: {  	v12 =	vadd.s32 v3, v9;
	(pc) =	sbr.rel @p0 .LBB2_13-.Ltmp13, $2  }
0x147: {  	v10 =	vadd.s32 v4, v8;
	_ =	sdelay $0x2  }
0x148: {  	s6 =	sadd.s32 $0x2, s6  }
.LBB2_14:
0x149: {  	_ =	sdelay $0x3  }
0x14a: {  	[tilespmem:v12+s17+$0x0] =	vst.idx.msk $0xffff, v11  }
0x14b: {  	v62 =	vadd.s32 v5, v9;
	v10 =	vld.idx.msk [tilespmem:v10+s14+$0x0], $0xffff  }
0x14c: {  	v8 =	vadd.s32 v6, v8;
	_ =	sdelay $0x3  }
0x14d: {  	[tilespmem:v62+s17+$0x0] =	vst.idx.msk $0xffff, v10  }
0x14e: {  	v63 =	vadd.s32 v7, v9;
	v8 =	vld.idx.msk [tilespmem:v8+s14+$0x0], $0xffff;
	_ =	sdelay $0x4  }
0x14f: {  	[tilespmem:v63+s17+$0x0] =	vst.idx.msk $0xffff, v8  }
.LBB2_15:
0x150: {  	s2 =	sadd.s32 s3, s26  }
0x151: {  	p0 =	sgt.s32 s2, $0x0  }
0x152: {  	s2 =	simm.s32 @!p0 $0x0  }
0x153: {  	s2 =	smin.u32 s2, $0x1E82  }
0x154: {  	s2 =	sshll.u32 s2, $0x7  }
0x155: {  	s2 =	sadd.s32 s0, s2  }
0x156: {  	[tilespmem:s14], [sflag:$0x1] =	stream.strided.gather [hbm4b:s2+s12], $0x6000, s13, s12, $0x38;
	[tilespmem:$0x1A400] =	vst v63  }
0x157: {  	p0 =	slt.s32 s21, $0x1FF;
	s2 =	smov.u32 s21  }
0x158: {  	s2 =	simm.s32 @!p0 $0x1FF  }
0x159: {  	_ =	swait.ge [sflag:s18], $0x6000;
	s5 =	sshll.u32 s2, $0x1  }
0x15a: {  	[sflag:s18] =	ssyncset.done $0x0;
	s2 =	sand.u32 $0x7F, s2;
	s5 =	sand.u32 $0x7FFFFF00, s5  }
0x15b: {  	[sflag:s18] =	ssyncadd.s32 $0xFFFFA000;
	s2 =	sor.u32 s2, s5  }
0x15c: {  	s5 =	sld [smem:s2+$0x0]  }
0x15d: {  	s2 =	sor.u32 $0x80, s2  }
0x15e: {  	s2 =	sld [smem:s2+$0x0]  }
0x15f: {  	s20 =	sadd.s32 s3, s28;
	s5 =	sshra.s32 s5, $0x7  }
0x160: {  	s6 =	smov.u32 s21;
	p0 =	seq.s32 s5, s20  }
0x161: {  	p1 =	slt.s32 s21, $0x200;
	s5 =	smov.u32 s21;
	s6 =	smov.u32 @p0 s2  }
0x162: {  	s5 =	smov.u32 @p1 s6  }
0x163: {  	p0 =	sgt.s32 s20, $0x0;
	s2 =	smov.u32 s20;
	s6 =	ssub.s32 s5, s21  }
0x164: {  	s2 =	simm.s32 @!p0 $0x0;
	p0 =	slt.s32 s6, $0x1  }
.Ltmp14:
0x165: {  	_ = 	snop;
	(pc) =	sbr.rel @p0 .LBB2_19-.Ltmp14, $3  }
0x166: {  	_ =	sdelay $0x1  }
0x167: {  	s2 =	smin.u32 s2, $0x1E82  }
0x168: {  	s2 =	sshll.u32 s2, $0x7  }
0x169: {  	s6 =	sshll.u32 s21, $0x1  }
0x16a: {  	s7 =	sand.u32 $0x7F, s21;
	s8 =	sand.u32 $0x7FFFFF00, s6  }
0x16b: {  	s7 =	sor.u32 s7, s8  }
0x16c: {  	s7 =	sld [smem:s7+$0x0];
	_ =	sdelay $0x2  }
0x16d: {  	s7 =	ssub.s32 s7, s2  }
0x16e: {  	v8 =	vmov s7  }
0x16f: {  	v9 =	vshll.u32 v8, $0x3  }
0x170: {  	v8 =	vand.u32 $0x7F, v8;
	v9 =	vand.u32 $0xFFFFFC00, v9  }
0x171: {  	v8 =	vor.u32 v8, v9  }
0x172: {  	v10 =	vadd.s32 v0, v8  }
0x173: {  	v9 =	vmov s21  }
0x174: {  	v11 =	vshll.u32 v9, $0x3  }
0x175: {  	v9 =	vand.u32 $0x7F, v9;
	v11 =	vand.u32 $0xFFFFFC00, v11  }
0x176: {  	v9 =	vor.u32 v9, v11  }
0x177: {  	v11 =	vadd.s32 v1, v9;
	v10 =	vld.idx.msk [tilespmem:v10+s15+$0x0], $0xffff  }
0x178: {  	v12 =	vadd.s32 v2, v8;
	_ =	sdelay $0x1  }
0x179: {  	s21 =	sadd.s32 $0x1, s21  }
0x17a: {  	p0 =	sne.s32 s5, s21  }
.Ltmp15:
0x17b: {  	[tilespmem:v11+s17+$0x0] =	vst.idx.msk $0xffff, v10;
	(pc) =	sbr.rel @!p0 .LBB2_18-.Ltmp15, $3  }
0x17c: {  	v11 =	vld.idx.msk [tilespmem:v12+s15+$0x0], $0xffff;
	v12 =	vadd.s32 v3, v9  }
0x17d: {  	v10 =	vadd.s32 v4, v8;
	_ =	sdelay $0x1  }
0x17e: {  	s6 =	sadd.s32 $0x2, s6  }
.LBB2_17:
0x17f: {  	s7 =	sand.u32 $0x7F, s21  }
0x180: {  	s8 =	sand.u32 $0x7FFFFF00, s6;
	[tilespmem:v12+s17+$0x0] =	vst.idx.msk $0xffff, v11;
	s9 =	smov.u32 s21;
	s21 =	sadd.s32 $0x1, s21  }
0x181: {  	s7 =	sor.u32 s7, s8;
	p0 =	sne.s32 s5, s21;
	v10 =	vld.idx.msk [tilespmem:v10+s15+$0x0], $0xffff  }
0x182: {  	v11 =	vadd.s32 v5, v9;
	s7 =	sld [smem:s7+$0x0]  }
0x183: {  	v8 =	vadd.s32 v6, v8;
	_ =	sdelay $0x1  }
0x184: {  	s7 =	ssub.s32 s7, s2  }
0x185: {  	v12 =	vmov s7  }
0x186: {  	v13 =	vshll.u32 v12, $0x3;
	[tilespmem:v11+s17+$0x0] =	vst.idx.msk $0xffff, v10  }
0x187: {  	v10 =	vand.u32 $0x7F, v12;
	v11 =	vand.u32 $0xFFFFFC00, v13;
	v12 =	vld.idx.msk [tilespmem:v8+s15+$0x0], $0xffff  }
0x188: {  	v9 =	vadd.s32 v7, v9;
	v8 =	vor.u32 v10, v11  }
0x189: {  	v10 =	vadd.s32 v0, v8;
	_ =	sdelay $0x1  }
0x18a: {  	v11 =	vmov s9  }
0x18b: {  	v13 =	vshll.u32 v11, $0x3  }
0x18c: {  	v11 =	vand.u32 $0x7F, v11;
	v13 =	vand.u32 $0xFFFFFC00, v13;
	[tilespmem:v9+s17+$0x0] =	vst.idx.msk $0xffff, v12  }
0x18d: {  	v9 =	vor.u32 v11, v13;
	v10 =	vld.idx.msk [tilespmem:v10+s15+$0x0], $0xffff  }
0x18e: {  	v11 =	vadd.s32 v1, v9  }
0x18f: {  	v12 =	vadd.s32 v2, v8;
	_ =	sdelay $0x3  }
0x190: {  	[tilespmem:v11+s17+$0x0] =	vst.idx.msk $0xffff, v10  }
0x191: {  	v11 =	vld.idx.msk [tilespmem:v12+s15+$0x0], $0xffff  }
.Ltmp16:
0x192: {  	v12 =	vadd.s32 v3, v9;
	(pc) =	sbr.rel @p0 .LBB2_17-.Ltmp16, $2  }
0x193: {  	v10 =	vadd.s32 v4, v8;
	_ =	sdelay $0x2  }
0x194: {  	s6 =	sadd.s32 $0x2, s6  }
.LBB2_18:
0x195: {  	_ =	sdelay $0x3  }
0x196: {  	[tilespmem:v12+s17+$0x0] =	vst.idx.msk $0xffff, v11  }
0x197: {  	v62 =	vadd.s32 v5, v9;
	v10 =	vld.idx.msk [tilespmem:v10+s15+$0x0], $0xffff  }
0x198: {  	v8 =	vadd.s32 v6, v8;
	_ =	sdelay $0x3  }
0x199: {  	[tilespmem:v62+s17+$0x0] =	vst.idx.msk $0xffff, v10  }
0x19a: {  	v63 =	vadd.s32 v7, v9;
	v8 =	vld.idx.msk [tilespmem:v8+s15+$0x0], $0xffff;
	_ =	sdelay $0x4  }
0x19b: {  	[tilespmem:v63+s17+$0x0] =	vst.idx.msk $0xffff, v8  }
.LBB2_19:
0x19c: {  	p0 =	slt.s32 s5, $0x1FF;
	s6 =	smov.u32 s5  }
0x19d: {  	s6 =	simm.s32 @!p0 $0x1FF  }
0x19e: {  	s7 =	sshll.u32 s6, $0x1  }
0x19f: {  	s6 =	sand.u32 $0x7F, s6;
	s7 =	sand.u32 $0x7FFFFF00, s7  }
0x1a0: {  	s6 =	sor.u32 s6, s7  }
0x1a1: {  	s7 =	sld [smem:s6+$0x0]  }
0x1a2: {  	s6 =	sor.u32 $0x80, s6  }
0x1a3: {  	s6 =	sld [smem:s6+$0x0]  }
0x1a4: {  	s8 =	sadd.s32 $0x1, s20;
	s7 =	sshra.s32 s7, $0x7  }
0x1a5: {  	p0 =	seq.s32 s7, s8;
	s7 =	smov.u32 s5  }
0x1a6: {  	p1 =	slt.s32 s5, $0x200;
	s21 =	smov.u32 s5;
	s7 =	smov.u32 @p0 s6  }
0x1a7: {  	s21 =	smov.u32 @p1 s7  }
0x1a8: {  	s9 =	ssub.s32 s21, s5  }
0x1a9: {  	p0 =	slt.s32 s9, $0x1  }
.Ltmp17:
0x1aa: {  	_ = 	snop;
	(pc) =	sbr.rel @p0 .LBB2_23-.Ltmp17, $1  }
0x1ab: {  	_ =	sdelay $0x3  }
0x1ac: {  	s6 =	sshll.u32 s5, $0x1  }
0x1ad: {  	s7 =	sand.u32 $0x7F, s5;
	s8 =	sand.u32 $0x7FFFFF00, s6  }
0x1ae: {  	s7 =	sor.u32 s7, s8  }
0x1af: {  	s7 =	sld [smem:s7+$0x0];
	_ =	sdelay $0x2  }
0x1b0: {  	s7 =	ssub.s32 s7, s2  }
0x1b1: {  	v8 =	vmov s7  }
0x1b2: {  	v9 =	vshll.u32 v8, $0x3  }
0x1b3: {  	v8 =	vand.u32 $0x7F, v8;
	v9 =	vand.u32 $0xFFFFFC00, v9  }
0x1b4: {  	v8 =	vor.u32 v8, v9  }
0x1b5: {  	v10 =	vadd.s32 v0, v8  }
0x1b6: {  	v9 =	vmov s5  }
0x1b7: {  	v11 =	vshll.u32 v9, $0x3  }
0x1b8: {  	v9 =	vand.u32 $0x7F, v9;
	v11 =	vand.u32 $0xFFFFFC00, v11  }
0x1b9: {  	v9 =	vor.u32 v9, v11  }
0x1ba: {  	v11 =	vadd.s32 v1, v9;
	v10 =	vld.idx.msk [tilespmem:v10+s15+$0x0], $0xffff  }
0x1bb: {  	v12 =	vadd.s32 v2, v8;
	_ =	sdelay $0x1  }
0x1bc: {  	s5 =	sadd.s32 $0x1, s5  }
0x1bd: {  	p0 =	sne.s32 s21, s5  }
.Ltmp18:
0x1be: {  	[tilespmem:v11+s17+$0x0] =	vst.idx.msk $0xffff, v10;
	(pc) =	sbr.rel @!p0 .LBB2_22-.Ltmp18, $3  }
0x1bf: {  	v11 =	vld.idx.msk [tilespmem:v12+s15+$0x0], $0xffff;
	v12 =	vadd.s32 v3, v9  }
0x1c0: {  	v10 =	vadd.s32 v4, v8;
	_ =	sdelay $0x1  }
0x1c1: {  	s6 =	sadd.s32 $0x2, s6  }
.LBB2_21:
0x1c2: {  	s7 =	sand.u32 $0x7F, s5  }
0x1c3: {  	s8 =	sand.u32 $0x7FFFFF00, s6;
	[tilespmem:v12+s17+$0x0] =	vst.idx.msk $0xffff, v11;
	s9 =	smov.u32 s5;
	s5 =	sadd.s32 $0x1, s5  }
0x1c4: {  	s7 =	sor.u32 s7, s8;
	p0 =	sne.s32 s21, s5;
	v10 =	vld.idx.msk [tilespmem:v10+s15+$0x0], $0xffff  }
0x1c5: {  	v11 =	vadd.s32 v5, v9;
	s7 =	sld [smem:s7+$0x0]  }
0x1c6: {  	v8 =	vadd.s32 v6, v8;
	_ =	sdelay $0x1  }
0x1c7: {  	s7 =	ssub.s32 s7, s2  }
0x1c8: {  	v12 =	vmov s7  }
0x1c9: {  	v13 =	vshll.u32 v12, $0x3;
	[tilespmem:v11+s17+$0x0] =	vst.idx.msk $0xffff, v10  }
0x1ca: {  	v10 =	vand.u32 $0x7F, v12;
	v11 =	vand.u32 $0xFFFFFC00, v13;
	v12 =	vld.idx.msk [tilespmem:v8+s15+$0x0], $0xffff  }
0x1cb: {  	v9 =	vadd.s32 v7, v9;
	v8 =	vor.u32 v10, v11  }
0x1cc: {  	v10 =	vadd.s32 v0, v8;
	_ =	sdelay $0x1  }
0x1cd: {  	v11 =	vmov s9  }
0x1ce: {  	v13 =	vshll.u32 v11, $0x3  }
0x1cf: {  	v11 =	vand.u32 $0x7F, v11;
	v13 =	vand.u32 $0xFFFFFC00, v13;
	[tilespmem:v9+s17+$0x0] =	vst.idx.msk $0xffff, v12  }
0x1d0: {  	v9 =	vor.u32 v11, v13;
	v10 =	vld.idx.msk [tilespmem:v10+s15+$0x0], $0xffff  }
0x1d1: {  	v11 =	vadd.s32 v1, v9  }
0x1d2: {  	v12 =	vadd.s32 v2, v8;
	_ =	sdelay $0x3  }
0x1d3: {  	[tilespmem:v11+s17+$0x0] =	vst.idx.msk $0xffff, v10  }
0x1d4: {  	v11 =	vld.idx.msk [tilespmem:v12+s15+$0x0], $0xffff  }
.Ltmp19:
0x1d5: {  	v12 =	vadd.s32 v3, v9;
	(pc) =	sbr.rel @p0 .LBB2_21-.Ltmp19, $2  }
0x1d6: {  	v10 =	vadd.s32 v4, v8;
	_ =	sdelay $0x2  }
0x1d7: {  	s6 =	sadd.s32 $0x2, s6  }
.LBB2_22:
0x1d8: {  	_ =	sdelay $0x3  }
0x1d9: {  	[tilespmem:v12+s17+$0x0] =	vst.idx.msk $0xffff, v11  }
0x1da: {  	v62 =	vadd.s32 v5, v9;
	v10 =	vld.idx.msk [tilespmem:v10+s15+$0x0], $0xffff  }
0x1db: {  	v8 =	vadd.s32 v6, v8;
	_ =	sdelay $0x3  }
0x1dc: {  	[tilespmem:v62+s17+$0x0] =	vst.idx.msk $0xffff, v10  }
0x1dd: {  	v63 =	vadd.s32 v7, v9;
	v8 =	vld.idx.msk [tilespmem:v8+s15+$0x0], $0xffff;
	_ =	sdelay $0x4  }
0x1de: {  	[tilespmem:v63+s17+$0x0] =	vst.idx.msk $0xffff, v8  }
.LBB2_23:
0x1df: {  	p0 =	slt.s32 s21, $0x1FF;
	s5 =	smov.u32 s21  }
0x1e0: {  	s5 =	simm.s32 @!p0 $0x1FF  }
0x1e1: {  	s6 =	sshll.u32 s5, $0x1  }
0x1e2: {  	s5 =	sand.u32 $0x7F, s5;
	s6 =	sand.u32 $0x7FFFFF00, s6  }
0x1e3: {  	s5 =	sor.u32 s5, s6  }
0x1e4: {  	s6 =	sld [smem:s5+$0x0]  }
0x1e5: {  	s5 =	sor.u32 $0x80, s5  }
0x1e6: {  	s5 =	sld [smem:s5+$0x0]  }
0x1e7: {  	s7 =	sadd.s32 $0x2, s20;
	s6 =	sshra.s32 s6, $0x7  }
0x1e8: {  	p0 =	seq.s32 s6, s7;
	s6 =	smov.u32 s21  }
0x1e9: {  	p1 =	slt.s32 s21, $0x200;
	s20 =	smov.u32 s21;
	s6 =	smov.u32 @p0 s5  }
0x1ea: {  	s20 =	smov.u32 @p1 s6  }
0x1eb: {  	s9 =	ssub.s32 s20, s21  }
0x1ec: {  	p0 =	slt.s32 s9, $0x1  }
.Ltmp20:
0x1ed: {  	_ = 	snop;
	(pc) =	sbr.rel @p0 .LBB2_27-.Ltmp20, $1  }
0x1ee: {  	_ =	sdelay $0x3  }
0x1ef: {  	s6 =	sshll.u32 s21, $0x1  }
0x1f0: {  	s5 =	sand.u32 $0x7F, s21;
	s7 =	sand.u32 $0x7FFFFF00, s6  }
0x1f1: {  	s5 =	sor.u32 s5, s7  }
0x1f2: {  	s5 =	sld [smem:s5+$0x0];
	_ =	sdelay $0x2  }
0x1f3: {  	s5 =	ssub.s32 s5, s2  }
0x1f4: {  	v8 =	vmov s5  }
0x1f5: {  	v9 =	vshll.u32 v8, $0x3  }
0x1f6: {  	v8 =	vand.u32 $0x7F, v8;
	v9 =	vand.u32 $0xFFFFFC00, v9  }
0x1f7: {  	v8 =	vor.u32 v8, v9  }
0x1f8: {  	v10 =	vadd.s32 v0, v8  }
0x1f9: {  	v9 =	vmov s21  }
0x1fa: {  	v11 =	vshll.u32 v9, $0x3  }
0x1fb: {  	v9 =	vand.u32 $0x7F, v9;
	v11 =	vand.u32 $0xFFFFFC00, v11  }
0x1fc: {  	v9 =	vor.u32 v9, v11  }
0x1fd: {  	v11 =	vadd.s32 v1, v9;
	v10 =	vld.idx.msk [tilespmem:v10+s15+$0x0], $0xffff  }
0x1fe: {  	v12 =	vadd.s32 v2, v8;
	_ =	sdelay $0x1  }
0x1ff: {  	s5 =	sadd.s32 $0x1, s21  }
0x200: {  	p0 =	sne.s32 s20, s5  }
.Ltmp21:
0x201: {  	[tilespmem:v11+s17+$0x0] =	vst.idx.msk $0xffff, v10;
	(pc) =	sbr.rel @!p0 .LBB2_26-.Ltmp21, $3  }
0x202: {  	v11 =	vld.idx.msk [tilespmem:v12+s15+$0x0], $0xffff;
	v12 =	vadd.s32 v3, v9  }
0x203: {  	v10 =	vadd.s32 v4, v8;
	_ =	sdelay $0x1  }
0x204: {  	s6 =	sadd.s32 $0x2, s6  }
.LBB2_25:
0x205: {  	s7 =	sand.u32 $0x7F, s5  }
0x206: {  	s8 =	sand.u32 $0x7FFFFF00, s6;
	[tilespmem:v12+s17+$0x0] =	vst.idx.msk $0xffff, v11;
	s9 =	smov.u32 s5;
	s5 =	sadd.s32 $0x1, s5  }
0x207: {  	s7 =	sor.u32 s7, s8;
	p0 =	sne.s32 s20, s5;
	v10 =	vld.idx.msk [tilespmem:v10+s15+$0x0], $0xffff  }
0x208: {  	v11 =	vadd.s32 v5, v9;
	s7 =	sld [smem:s7+$0x0]  }
0x209: {  	v8 =	vadd.s32 v6, v8;
	_ =	sdelay $0x1  }
0x20a: {  	s7 =	ssub.s32 s7, s2  }
0x20b: {  	v12 =	vmov s7  }
0x20c: {  	v13 =	vshll.u32 v12, $0x3;
	[tilespmem:v11+s17+$0x0] =	vst.idx.msk $0xffff, v10  }
0x20d: {  	v10 =	vand.u32 $0x7F, v12;
	v11 =	vand.u32 $0xFFFFFC00, v13;
	v12 =	vld.idx.msk [tilespmem:v8+s15+$0x0], $0xffff  }
0x20e: {  	v9 =	vadd.s32 v7, v9;
	v8 =	vor.u32 v10, v11  }
0x20f: {  	v10 =	vadd.s32 v0, v8;
	_ =	sdelay $0x1  }
0x210: {  	v11 =	vmov s9  }
0x211: {  	v13 =	vshll.u32 v11, $0x3  }
0x212: {  	v11 =	vand.u32 $0x7F, v11;
	v13 =	vand.u32 $0xFFFFFC00, v13;
	[tilespmem:v9+s17+$0x0] =	vst.idx.msk $0xffff, v12  }
0x213: {  	v9 =	vor.u32 v11, v13;
	v10 =	vld.idx.msk [tilespmem:v10+s15+$0x0], $0xffff  }
0x214: {  	v11 =	vadd.s32 v1, v9  }
0x215: {  	v12 =	vadd.s32 v2, v8;
	_ =	sdelay $0x3  }
0x216: {  	[tilespmem:v11+s17+$0x0] =	vst.idx.msk $0xffff, v10  }
0x217: {  	v11 =	vld.idx.msk [tilespmem:v12+s15+$0x0], $0xffff  }
.Ltmp22:
0x218: {  	v12 =	vadd.s32 v3, v9;
	(pc) =	sbr.rel @p0 .LBB2_25-.Ltmp22, $2  }
0x219: {  	v10 =	vadd.s32 v4, v8;
	_ =	sdelay $0x2  }
0x21a: {  	s6 =	sadd.s32 $0x2, s6  }
.LBB2_26:
0x21b: {  	_ =	sdelay $0x3  }
0x21c: {  	[tilespmem:v12+s17+$0x0] =	vst.idx.msk $0xffff, v11  }
0x21d: {  	v62 =	vadd.s32 v5, v9;
	v10 =	vld.idx.msk [tilespmem:v10+s15+$0x0], $0xffff  }
0x21e: {  	v8 =	vadd.s32 v6, v8;
	_ =	sdelay $0x3  }
0x21f: {  	[tilespmem:v62+s17+$0x0] =	vst.idx.msk $0xffff, v10  }
0x220: {  	v63 =	vadd.s32 v7, v9;
	v8 =	vld.idx.msk [tilespmem:v8+s15+$0x0], $0xffff;
	_ =	sdelay $0x4  }
0x221: {  	[tilespmem:v63+s17+$0x0] =	vst.idx.msk $0xffff, v8  }
.LBB2_27:
0x222: {  	s2 =	sadd.s32 s3, s29  }
0x223: {  	p0 =	sgt.s32 s2, $0x0  }
0x224: {  	s2 =	simm.s32 @!p0 $0x0  }
0x225: {  	s2 =	smin.u32 s2, $0x1E82  }
0x226: {  	s2 =	sshll.u32 s2, $0x7  }
0x227: {  	s2 =	sadd.s32 s0, s2  }
0x228: {  	[tilespmem:s15], [sflag:$0x2] =	stream.strided.gather [hbm4b:s2+s12], $0x6000, s13, s12, $0x38;
	[tilespmem:$0x1A400] =	vst v63  }
0x229: {  	p0 =	slt.s32 s20, $0x1FF;
	s2 =	smov.u32 s20  }
0x22a: {  	s2 =	simm.s32 @!p0 $0x1FF  }
0x22b: {  	_ =	swait.ge [sflag:s19], $0x6000;
	s21 =	sshll.u32 s2, $0x1  }
0x22c: {  	[sflag:s19] =	ssyncset.done $0x0;
	s2 =	sand.u32 $0x7F, s2;
	s3 =	sand.u32 $0x7FFFFF00, s21  }
0x22d: {  	[sflag:s19] =	ssyncadd.s32 $0xFFFFA000;
	s2 =	sor.u32 s2, s3  }
0x22e: {  	s3 =	sld [smem:s2+$0x0]  }
0x22f: {  	s2 =	sor.u32 $0x80, s2  }
0x230: {  	s2 =	sld [smem:s2+$0x0]  }
0x231: {  	s3 =	sshra.s32 s3, $0x7  }
0x232: {  	p0 =	seq.s32 s3, s1;
	s3 =	smov.u32 s20  }
0x233: {  	p1 =	slt.s32 s20, $0x200;
	s3 =	smov.u32 @p0 s2;
	s2 =	smov.u32 s20  }
0x234: {  	s2 =	smov.u32 @p1 s3  }
0x235: {  	s3 =	ssub.s32 s2, s20  }
0x236: {  	p0 =	slt.s32 s3, $0x1  }
.Ltmp23:
0x237: {  	_ = 	snop;
	(pc) =	sbr.rel @p0 .LBB2_31-.Ltmp23, $1  }
0x238: {  	_ =	sdelay $0x3  }
0x239: {  	s5 =	sshll.u32 s20, $0x1  }
0x23a: {  	s3 =	sand.u32 $0x7F, s20;
	s6 =	sand.u32 $0x7FFFFF00, s5  }
0x23b: {  	s3 =	sor.u32 s3, s6  }
0x23c: {  	s3 =	sld [smem:s3+$0x0];
	_ =	sdelay $0x2  }
0x23d: {  	s3 =	ssub.s32 s3, s31  }
0x23e: {  	v8 =	vmov s3  }
0x23f: {  	v9 =	vshll.u32 v8, $0x3  }
0x240: {  	v8 =	vand.u32 $0x7F, v8;
	v9 =	vand.u32 $0xFFFFFC00, v9  }
0x241: {  	v8 =	vor.u32 v8, v9  }
0x242: {  	v10 =	vadd.s32 v0, v8  }
0x243: {  	v9 =	vmov s20  }
0x244: {  	v11 =	vshll.u32 v9, $0x3  }
0x245: {  	v9 =	vand.u32 $0x7F, v9;
	v11 =	vand.u32 $0xFFFFFC00, v11  }
0x246: {  	v9 =	vor.u32 v9, v11  }
0x247: {  	v11 =	vadd.s32 v1, v9;
	v10 =	vld.idx.msk [tilespmem:v10+s16+$0x0], $0xffff  }
0x248: {  	v12 =	vadd.s32 v2, v8;
	_ =	sdelay $0x1  }
0x249: {  	s3 =	sadd.s32 $0x1, s20  }
0x24a: {  	p0 =	sne.s32 s2, s3  }
.Ltmp24:
0x24b: {  	[tilespmem:v11+s17+$0x0] =	vst.idx.msk $0xffff, v10;
	(pc) =	sbr.rel @!p0 .LBB2_30-.Ltmp24, $3  }
0x24c: {  	v11 =	vld.idx.msk [tilespmem:v12+s16+$0x0], $0xffff;
	v12 =	vadd.s32 v3, v9  }
0x24d: {  	v10 =	vadd.s32 v4, v8;
	_ =	sdelay $0x1  }
0x24e: {  	s5 =	sadd.s32 $0x2, s5  }
.LBB2_29:
0x24f: {  	s6 =	sand.u32 $0x7F, s3  }
0x250: {  	s7 =	sand.u32 $0x7FFFFF00, s5;
	[tilespmem:v12+s17+$0x0] =	vst.idx.msk $0xffff, v11;
	s8 =	smov.u32 s3;
	s3 =	sadd.s32 $0x1, s3  }
0x251: {  	s6 =	sor.u32 s6, s7;
	p0 =	sne.s32 s2, s3;
	v10 =	vld.idx.msk [tilespmem:v10+s16+$0x0], $0xffff  }
0x252: {  	v11 =	vadd.s32 v5, v9;
	s6 =	sld [smem:s6+$0x0]  }
0x253: {  	v8 =	vadd.s32 v6, v8;
	_ =	sdelay $0x1  }
0x254: {  	s6 =	ssub.s32 s6, s31  }
0x255: {  	v12 =	vmov s6  }
0x256: {  	v13 =	vshll.u32 v12, $0x3;
	[tilespmem:v11+s17+$0x0] =	vst.idx.msk $0xffff, v10  }
0x257: {  	v10 =	vand.u32 $0x7F, v12;
	v11 =	vand.u32 $0xFFFFFC00, v13;
	v12 =	vld.idx.msk [tilespmem:v8+s16+$0x0], $0xffff  }
0x258: {  	v9 =	vadd.s32 v7, v9;
	v8 =	vor.u32 v10, v11  }
0x259: {  	v10 =	vadd.s32 v0, v8;
	_ =	sdelay $0x1  }
0x25a: {  	v11 =	vmov s8  }
0x25b: {  	v13 =	vshll.u32 v11, $0x3  }
0x25c: {  	v11 =	vand.u32 $0x7F, v11;
	v13 =	vand.u32 $0xFFFFFC00, v13;
	[tilespmem:v9+s17+$0x0] =	vst.idx.msk $0xffff, v12  }
0x25d: {  	v9 =	vor.u32 v11, v13;
	v10 =	vld.idx.msk [tilespmem:v10+s16+$0x0], $0xffff  }
0x25e: {  	v11 =	vadd.s32 v1, v9  }
0x25f: {  	v12 =	vadd.s32 v2, v8;
	_ =	sdelay $0x3  }
0x260: {  	[tilespmem:v11+s17+$0x0] =	vst.idx.msk $0xffff, v10  }
0x261: {  	v11 =	vld.idx.msk [tilespmem:v12+s16+$0x0], $0xffff  }
.Ltmp25:
0x262: {  	v12 =	vadd.s32 v3, v9;
	(pc) =	sbr.rel @p0 .LBB2_29-.Ltmp25, $2  }
0x263: {  	v10 =	vadd.s32 v4, v8;
	_ =	sdelay $0x2  }
0x264: {  	s5 =	sadd.s32 $0x2, s5  }
.LBB2_30:
0x265: {  	_ =	sdelay $0x3  }
0x266: {  	[tilespmem:v12+s17+$0x0] =	vst.idx.msk $0xffff, v11  }
0x267: {  	v62 =	vadd.s32 v5, v9;
	v10 =	vld.idx.msk [tilespmem:v10+s16+$0x0], $0xffff  }
0x268: {  	v8 =	vadd.s32 v6, v8;
	_ =	sdelay $0x3  }
0x269: {  	[tilespmem:v62+s17+$0x0] =	vst.idx.msk $0xffff, v10  }
0x26a: {  	v63 =	vadd.s32 v7, v9;
	v8 =	vld.idx.msk [tilespmem:v8+s16+$0x0], $0xffff;
	_ =	sdelay $0x4  }
0x26b: {  	[tilespmem:v63+s17+$0x0] =	vst.idx.msk $0xffff, v8  }
.LBB2_31:
0x26c: {  	p0 =	slt.s32 s2, $0x1FF;
	s3 =	smov.u32 s2  }
0x26d: {  	s3 =	simm.s32 @!p0 $0x1FF  }
0x26e: {  	s5 =	sshll.u32 s3, $0x1  }
0x26f: {  	s3 =	sand.u32 $0x7F, s3;
	s5 =	sand.u32 $0x7FFFFF00, s5  }
0x270: {  	s3 =	sor.u32 s3, s5  }
0x271: {  	s5 =	sld [smem:s3+$0x0]  }
0x272: {  	s3 =	sor.u32 $0x80, s3  }
0x273: {  	s3 =	sld [smem:s3+$0x0]  }
0x274: {  	s6 =	sadd.s32 $0x1, s1;
	s5 =	sshra.s32 s5, $0x7  }
0x275: {  	p0 =	seq.s32 s5, s6;
	s5 =	smov.u32 s2  }
0x276: {  	p1 =	slt.s32 s2, $0x200;
	s5 =	smov.u32 @p0 s3;
	s3 =	smov.u32 s2  }
0x277: {  	s3 =	smov.u32 @p1 s5  }
0x278: {  	s5 =	ssub.s32 s3, s2  }
0x279: {  	p0 =	slt.s32 s5, $0x1  }
.Ltmp26:
0x27a: {  	_ = 	snop;
	(pc) =	sbr.rel @p0 .LBB2_35-.Ltmp26, $1  }
0x27b: {  	_ =	sdelay $0x3  }
0x27c: {  	s5 =	sshll.u32 s2, $0x1  }
0x27d: {  	s6 =	sand.u32 $0x7F, s2;
	s7 =	sand.u32 $0x7FFFFF00, s5  }
0x27e: {  	s6 =	sor.u32 s6, s7  }
0x27f: {  	s6 =	sld [smem:s6+$0x0];
	_ =	sdelay $0x2  }
0x280: {  	s6 =	ssub.s32 s6, s31  }
0x281: {  	v8 =	vmov s6  }
0x282: {  	v9 =	vshll.u32 v8, $0x3  }
0x283: {  	v8 =	vand.u32 $0x7F, v8;
	v9 =	vand.u32 $0xFFFFFC00, v9  }
0x284: {  	v8 =	vor.u32 v8, v9  }
0x285: {  	v10 =	vadd.s32 v0, v8  }
0x286: {  	v9 =	vmov s2  }
0x287: {  	v11 =	vshll.u32 v9, $0x3  }
0x288: {  	v9 =	vand.u32 $0x7F, v9;
	v11 =	vand.u32 $0xFFFFFC00, v11  }
0x289: {  	v9 =	vor.u32 v9, v11  }
0x28a: {  	v11 =	vadd.s32 v1, v9;
	v10 =	vld.idx.msk [tilespmem:v10+s16+$0x0], $0xffff  }
0x28b: {  	v12 =	vadd.s32 v2, v8;
	_ =	sdelay $0x1  }
0x28c: {  	s2 =	sadd.s32 $0x1, s2  }
0x28d: {  	p0 =	sne.s32 s3, s2  }
.Ltmp27:
0x28e: {  	[tilespmem:v11+s17+$0x0] =	vst.idx.msk $0xffff, v10;
	(pc) =	sbr.rel @!p0 .LBB2_34-.Ltmp27, $3  }
0x28f: {  	v11 =	vld.idx.msk [tilespmem:v12+s16+$0x0], $0xffff;
	v12 =	vadd.s32 v3, v9  }
0x290: {  	v10 =	vadd.s32 v4, v8;
	_ =	sdelay $0x1  }
0x291: {  	s5 =	sadd.s32 $0x2, s5  }
.LBB2_33:
0x292: {  	s6 =	sand.u32 $0x7F, s2  }
0x293: {  	s7 =	sand.u32 $0x7FFFFF00, s5;
	[tilespmem:v12+s17+$0x0] =	vst.idx.msk $0xffff, v11;
	s8 =	smov.u32 s2;
	s2 =	sadd.s32 $0x1, s2  }
0x294: {  	s6 =	sor.u32 s6, s7;
	p0 =	sne.s32 s3, s2;
	v10 =	vld.idx.msk [tilespmem:v10+s16+$0x0], $0xffff  }
0x295: {  	v11 =	vadd.s32 v5, v9;
	s6 =	sld [smem:s6+$0x0]  }
0x296: {  	v8 =	vadd.s32 v6, v8;
	_ =	sdelay $0x1  }
0x297: {  	s6 =	ssub.s32 s6, s31  }
0x298: {  	v12 =	vmov s6  }
0x299: {  	v13 =	vshll.u32 v12, $0x3;
	[tilespmem:v11+s17+$0x0] =	vst.idx.msk $0xffff, v10  }
0x29a: {  	v10 =	vand.u32 $0x7F, v12;
	v11 =	vand.u32 $0xFFFFFC00, v13;
	v12 =	vld.idx.msk [tilespmem:v8+s16+$0x0], $0xffff  }
0x29b: {  	v9 =	vadd.s32 v7, v9;
	v8 =	vor.u32 v10, v11  }
0x29c: {  	v10 =	vadd.s32 v0, v8;
	_ =	sdelay $0x1  }
0x29d: {  	v11 =	vmov s8  }
0x29e: {  	v13 =	vshll.u32 v11, $0x3  }
0x29f: {  	v11 =	vand.u32 $0x7F, v11;
	v13 =	vand.u32 $0xFFFFFC00, v13;
	[tilespmem:v9+s17+$0x0] =	vst.idx.msk $0xffff, v12  }
0x2a0: {  	v9 =	vor.u32 v11, v13;
	v10 =	vld.idx.msk [tilespmem:v10+s16+$0x0], $0xffff  }
0x2a1: {  	v11 =	vadd.s32 v1, v9  }
0x2a2: {  	v12 =	vadd.s32 v2, v8;
	_ =	sdelay $0x3  }
0x2a3: {  	[tilespmem:v11+s17+$0x0] =	vst.idx.msk $0xffff, v10  }
0x2a4: {  	v11 =	vld.idx.msk [tilespmem:v12+s16+$0x0], $0xffff  }
.Ltmp28:
0x2a5: {  	v12 =	vadd.s32 v3, v9;
	(pc) =	sbr.rel @p0 .LBB2_33-.Ltmp28, $2  }
0x2a6: {  	v10 =	vadd.s32 v4, v8;
	_ =	sdelay $0x2  }
0x2a7: {  	s5 =	sadd.s32 $0x2, s5  }
.LBB2_34:
0x2a8: {  	_ =	sdelay $0x3  }
0x2a9: {  	[tilespmem:v12+s17+$0x0] =	vst.idx.msk $0xffff, v11  }
0x2aa: {  	v62 =	vadd.s32 v5, v9;
	v10 =	vld.idx.msk [tilespmem:v10+s16+$0x0], $0xffff  }
0x2ab: {  	v8 =	vadd.s32 v6, v8;
	_ =	sdelay $0x3  }
0x2ac: {  	[tilespmem:v62+s17+$0x0] =	vst.idx.msk $0xffff, v10  }
0x2ad: {  	v63 =	vadd.s32 v7, v9;
	v8 =	vld.idx.msk [tilespmem:v8+s16+$0x0], $0xffff;
	_ =	sdelay $0x4  }
0x2ae: {  	[tilespmem:v63+s17+$0x0] =	vst.idx.msk $0xffff, v8  }
.LBB2_35:
0x2af: {  	p0 =	slt.s32 s3, $0x1FF;
	s2 =	smov.u32 s3  }
0x2b0: {  	s2 =	simm.s32 @!p0 $0x1FF  }
0x2b1: {  	s5 =	sshll.u32 s2, $0x1  }
0x2b2: {  	s2 =	sand.u32 $0x7F, s2;
	s5 =	sand.u32 $0x7FFFFF00, s5  }
0x2b3: {  	s2 =	sor.u32 s2, s5  }
0x2b4: {  	s5 =	sld [smem:s2+$0x0]  }
0x2b5: {  	s2 =	sor.u32 $0x80, s2  }
0x2b6: {  	s2 =	sld [smem:s2+$0x0]  }
0x2b7: {  	s1 =	sadd.s32 $0x2, s1;
	s5 =	sshra.s32 s5, $0x7  }
0x2b8: {  	p0 =	seq.s32 s5, s1;
	s1 =	smov.u32 s3  }
0x2b9: {  	p1 =	slt.s32 s3, $0x200;
	s5 =	smov.u32 s3;
	s1 =	smov.u32 @p0 s2  }
0x2ba: {  	s5 =	smov.u32 @p1 s1  }
0x2bb: {  	s1 =	ssub.s32 s5, s3  }
0x2bc: {  	p0 =	slt.s32 s1, $0x1  }
.Ltmp29:
0x2bd: {  	_ = 	snop;
	(pc) =	sbr.rel @p0 .LBB2_39-.Ltmp29, $1  }
0x2be: {  	_ =	sdelay $0x3  }
0x2bf: {  	s2 =	sshll.u32 s3, $0x1  }
0x2c0: {  	s1 =	sand.u32 $0x7F, s3;
	s6 =	sand.u32 $0x7FFFFF00, s2  }
0x2c1: {  	s1 =	sor.u32 s1, s6  }
0x2c2: {  	s1 =	sld [smem:s1+$0x0];
	_ =	sdelay $0x2  }
0x2c3: {  	s1 =	ssub.s32 s1, s31  }
0x2c4: {  	v8 =	vmov s1  }
0x2c5: {  	v9 =	vshll.u32 v8, $0x3  }
0x2c6: {  	v8 =	vand.u32 $0x7F, v8;
	v9 =	vand.u32 $0xFFFFFC00, v9  }
0x2c7: {  	v8 =	vor.u32 v8, v9  }
0x2c8: {  	v10 =	vadd.s32 v0, v8  }
0x2c9: {  	v9 =	vmov s3  }
0x2ca: {  	v11 =	vshll.u32 v9, $0x3  }
0x2cb: {  	v9 =	vand.u32 $0x7F, v9;
	v11 =	vand.u32 $0xFFFFFC00, v11  }
0x2cc: {  	v9 =	vor.u32 v9, v11  }
0x2cd: {  	v11 =	vadd.s32 v1, v9;
	v10 =	vld.idx.msk [tilespmem:v10+s16+$0x0], $0xffff  }
0x2ce: {  	v12 =	vadd.s32 v2, v8;
	_ =	sdelay $0x1  }
0x2cf: {  	s1 =	sadd.s32 $0x1, s3  }
0x2d0: {  	p0 =	sne.s32 s5, s1  }
.Ltmp30:
0x2d1: {  	[tilespmem:v11+s17+$0x0] =	vst.idx.msk $0xffff, v10;
	(pc) =	sbr.rel @!p0 .LBB2_38-.Ltmp30, $3  }
0x2d2: {  	v11 =	vld.idx.msk [tilespmem:v12+s16+$0x0], $0xffff;
	v12 =	vadd.s32 v3, v9  }
0x2d3: {  	v10 =	vadd.s32 v4, v8;
	_ =	sdelay $0x1  }
0x2d4: {  	s2 =	sadd.s32 $0x2, s2  }
.LBB2_37:
0x2d5: {  	s3 =	sand.u32 $0x7F, s1  }
0x2d6: {  	s6 =	sand.u32 $0x7FFFFF00, s2;
	[tilespmem:v12+s17+$0x0] =	vst.idx.msk $0xffff, v11;
	s7 =	smov.u32 s1;
	s1 =	sadd.s32 $0x1, s1  }
0x2d7: {  	s3 =	sor.u32 s3, s6;
	p0 =	sne.s32 s5, s1;
	v10 =	vld.idx.msk [tilespmem:v10+s16+$0x0], $0xffff  }
0x2d8: {  	v11 =	vadd.s32 v5, v9;
	s3 =	sld [smem:s3+$0x0]  }
0x2d9: {  	v8 =	vadd.s32 v6, v8;
	_ =	sdelay $0x1  }
0x2da: {  	s3 =	ssub.s32 s3, s31  }
0x2db: {  	v12 =	vmov s3  }
0x2dc: {  	v13 =	vshll.u32 v12, $0x3;
	[tilespmem:v11+s17+$0x0] =	vst.idx.msk $0xffff, v10  }
0x2dd: {  	v10 =	vand.u32 $0x7F, v12;
	v11 =	vand.u32 $0xFFFFFC00, v13;
	v12 =	vld.idx.msk [tilespmem:v8+s16+$0x0], $0xffff  }
0x2de: {  	v9 =	vadd.s32 v7, v9;
	v8 =	vor.u32 v10, v11  }
0x2df: {  	v10 =	vadd.s32 v0, v8;
	_ =	sdelay $0x1  }
0x2e0: {  	v11 =	vmov s7  }
0x2e1: {  	v13 =	vshll.u32 v11, $0x3  }
0x2e2: {  	v11 =	vand.u32 $0x7F, v11;
	v13 =	vand.u32 $0xFFFFFC00, v13;
	[tilespmem:v9+s17+$0x0] =	vst.idx.msk $0xffff, v12  }
0x2e3: {  	v9 =	vor.u32 v11, v13;
	v10 =	vld.idx.msk [tilespmem:v10+s16+$0x0], $0xffff  }
0x2e4: {  	v11 =	vadd.s32 v1, v9  }
0x2e5: {  	v12 =	vadd.s32 v2, v8;
	_ =	sdelay $0x3  }
0x2e6: {  	[tilespmem:v11+s17+$0x0] =	vst.idx.msk $0xffff, v10  }
0x2e7: {  	v11 =	vld.idx.msk [tilespmem:v12+s16+$0x0], $0xffff  }
.Ltmp31:
0x2e8: {  	v12 =	vadd.s32 v3, v9;
	(pc) =	sbr.rel @p0 .LBB2_37-.Ltmp31, $2  }
0x2e9: {  	v10 =	vadd.s32 v4, v8;
	_ =	sdelay $0x2  }
0x2ea: {  	s2 =	sadd.s32 $0x2, s2  }
.Ltmp32:
0x2eb: {  	_ = 	snop;
	(pc) =	sbr.rel .LBB2_38-.Ltmp32, $1  }
0x2ec: {  	_ =	sdelay $0x3  }
.LBB2_41:
0x2ed: {  	_ =	sfence.sel $0x180000  }
0x2ee: {  	[bflag:$0x0] =	sbarrier.arrive $0xFFFF  }
0x2ef: {  	_ =	strace $0x90000047  }
0x2f0: {  	s0 =	stileid.u32;
	[bflag:$0x2] =	sbarrier.arrive $0xFFFF  }
0x2f1: {  	p0 =	sne.s32 s0, $0x0;
	s0 =	rddreg [dreg:$0x4]  }
0x2f2: {  	s0 =	sadd.s32 @!p0 $0x100000, s0  }
0x2f3: {  	[sflag:s0] =	ssyncadd.tile.s32 @!p0 $0x1;
	_ =	shalt  }
.Lfunc_end2:
_tile_overlayer_lowered:
.L_overlay_start_2:
0x2f4: {  	(tag) =	ssettag $0x2  }
0x2f5: {  	s0 =	rddreg [dreg:$0x0];
	s2 =	stileid.u32  }
0x2f6: {  	s1 =	rddreg [dreg:$0x1];
	p0 =	sne.s32 s2, $0x0  }
0x2f7: {  	s3 =	rddreg [dreg:$0x2];
	[bflag:$0x3] =	sbarrier.arrive $0xFFFF;
	s2 =	simm.s32 @!p0 $0x1C04  }
0x2f8: {  	[timem:s3], [sflag:s2] =	dma.local @!p0 [hbm:s0], s1  }
0x2f9: {  	s0 =	simm.s32 @!p0 $0x4  }
0x2fa: {  	_ =	swait.ge @!p0 [sflag:s0], s1  }
0x2fb: {  	s1 =	ssub.s32 @!p0 $0x0, s1;
	[sflag:s0] =	ssyncset.done @!p0 $0x0  }
0x2fc: {  	[sflag:s0] =	ssyncadd.s32 @!p0 s1  }
0x2fd: {  	[bflag:$0x3] =	sbarrier.arrive $0xFFFF  }
0x2fe: {  	_ =	shalt  }

</sc_bundles>
